<compile_context>
chip_gen: v7x
topology: tpu7x:2x2x1
jax: 0.10.2.dev20260603
libtpu: 0.0.44.dev20260713+nightly
codegen_flags: <defaults>
</compile_context>

<pallas_src>
import functools

import jax
import jax.numpy as jnp
import numpy as np
from jax import lax
from jax.experimental import pallas as pl
from jax.experimental.pallas import tpu as pltpu
from jax.experimental.pallas import tpu_sc as plsc

N = 2048
R_CUT = 0.5
N_RBF = 20
D = 128

N_OWN = 32
OROWS = N // N_OWN
EPW = 1792
E_PAD = N_OWN * EPW
E_RAW = 57344

NW = 32
B_PER_W = E_PAD // NW
CH = 64
N_CH = B_PER_W // CH

NBLK = 256
EBLK = 512
SBLK = 256


def _silu(x):
    return x * jax.nn.sigmoid(x)



def _init_body(oh_ref, emb_ref, wm1_ref, wm2_ref, b_ref, s_out, t_out):
    s0 = jnp.dot(oh_ref[...], emb_ref[...], preferred_element_type=jnp.float32)
    b = b_ref[...]
    h = _silu(jnp.dot(s0, wm1_ref[...], preferred_element_type=jnp.float32) + b[4:5, :D])
    phi = jnp.dot(h, wm2_ref[...], preferred_element_type=jnp.float32) + b[5:6, :]
    s_out[...] = s0
    t_out[...] = jnp.concatenate([phi, jnp.zeros((NBLK, 3 * D), jnp.float32)], axis=1)


def _edge_prep_body(geo_ref, rbt_ref, wwa_ref, out_ref):
    geo = geo_ref[...]
    validr = geo[4:5, :]
    rowid = lax.broadcasted_iota(jnp.int32, (24, EBLK), 0)
    rb = rbt_ref[...]
    rb = jnp.where(rowid < N_RBF, rb, 0.0)
    rb = rb + jnp.where(rowid == 23, 1.0, 0.0)
    rb = rb * validr
    wwa = wwa_ref[...]
    dn = (((0,), (0,)), ((), ()))
    w01 = lax.dot_general(rb, wwa[:, : 2 * D], dn, preferred_element_type=jnp.float32)
    ww2 = wwa[:, 2 * D:]
    parts = [w01]
    for c in range(3):
        rbc = rb * geo[c:c + 1, :]
        parts.append(lax.dot_general(rbc, ww2, dn, preferred_element_type=jnp.float32))
    out_ref[...] = jnp.concatenate(parts, axis=1)


def _edge_seg_body(g_ref, wa_ref, idx_ref, out_ref):
    o = pl.program_id(0)
    b = pl.program_id(1)
    g = g_ref[...]
    wa = wa_ref[...]
    phi0 = g[:, :D]
    phi1 = g[:, D:2 * D]
    phi2 = g[:, 2 * D:3 * D]
    w0 = wa[:, :D]
    w1 = wa[:, D:2 * D]
    ds = w1 * phi1
    p0 = w0 * phi0
    parts = [ds]
    for c in range(3):
        a_c = wa[:, (2 + c) * D:(3 + c) * D]
        v_c = g[:, (3 + c) * D:(4 + c) * D]
        parts.append(a_c * phi2 + p0 * v_c)
    m = jnp.concatenate(parts, axis=1)
    idx = idx_ref[0]
    rows = lax.broadcasted_iota(jnp.int32, (OROWS, SBLK), 0) + o * OROWS
    oh = (rows == idx).astype(jnp.float32)
    psum = jnp.dot(oh, m, preferred_element_type=jnp.float32)

    @pl.when(b == 0)
    def _():
        out_ref[...] = jnp.zeros((OROWS, 4 * D), jnp.float32)

    out_ref[...] += psum


def _edge_seg1_body(g_ref, wa_ref, idx_ref, out_ref):
    o = pl.program_id(0)
    b = pl.program_id(1)
    g = g_ref[...]
    wa = wa_ref[...]
    phi1 = g[:, :D]
    phi2 = g[:, D:]
    parts = [wa[:, D:2 * D] * phi1]
    for c in range(3):
        parts.append(wa[:, (2 + c) * D:(3 + c) * D] * phi2)
    m = jnp.concatenate(parts, axis=1)
    idx = idx_ref[0]
    rows = lax.broadcasted_iota(jnp.int32, (OROWS, SBLK), 0) + o * OROWS
    oh = (rows == idx).astype(jnp.float32)
    psum = jnp.dot(oh, m, preferred_element_type=jnp.float32)

    @pl.when(b == 0)
    def _():
        out_ref[...] = jnp.zeros((OROWS, 4 * D), jnp.float32)

    out_ref[...] += psum


def _update_body(s_ref, t_ref, p_ref, wv_ref, wu_ref, wa1_ref, wa2_ref,
                 wm1_ref, wm2_ref, b_ref, s_out, t_out):
    P = p_ref[...]
    b = b_ref[...]
    tin = t_ref[...]
    s1 = s_ref[...] + P[:, :D]
    v1 = [tin[:, (3 + c) * D:(4 + c) * D] + P[:, (1 + c) * D:(2 + c) * D] for c in range(3)]
    wv = wv_ref[...]
    wu = wu_ref[...]
    vV = [jnp.dot(v1[c], wv, preferred_element_type=jnp.float32) + b[0:1, :D] for c in range(3)]
    u = [jnp.dot(vV[c], wu, preferred_element_type=jnp.float32) + b[1:2, :D] for c in range(3)]
    vnorm = jnp.sqrt(vV[0] * vV[0] + vV[1] * vV[1] + vV[2] * vV[2])
    wa1 = wa1_ref[...]
    h = _silu(jnp.dot(vnorm, wa1[:D], preferred_element_type=jnp.float32)
              + jnp.dot(s1, wa1[D:], preferred_element_type=jnp.float32) + b[2:3, :D])
    sp = jnp.dot(h, wa2_ref[...], preferred_element_type=jnp.float32) + b[3:4, :]
    a0 = sp[:, :D]
    a1 = sp[:, D:2 * D]
    a2 = sp[:, 2 * D:]
    v2 = [v1[c] + u[c] * a0 for c in range(3)]
    scal = u[0] * vV[0] + u[1] * vV[1] + u[2] * vV[2]
    s2 = s1 + scal * a1 + a2
    hm = _silu(jnp.dot(s2, wm1_ref[...], preferred_element_type=jnp.float32) + b[4:5, :D])
    phi = jnp.dot(hm, wm2_ref[...], preferred_element_type=jnp.float32) + b[5:6, :]
    s_out[...] = s2
    t_out[...] = jnp.concatenate([phi] + v2, axis=1)


def _readout_body(s_ref, wo1_ref, b_ref, wo2_ref, out_ref):
    i = pl.program_id(0)
    h = _silu(jnp.dot(s_ref[...], wo1_ref[...], preferred_element_type=jnp.float32)
              + b_ref[...][6:7, :D])
    o = jnp.dot(h, wo2_ref[...], preferred_element_type=jnp.float32)
    val = jnp.sum(o, keepdims=True)

    @pl.when(i == 0)
    def _():
        out_ref[...] = jnp.zeros((1, 1), jnp.float32)

    out_ref[...] += val


def _full(shape):
    return pl.BlockSpec(shape, lambda *_: (0,) * len(shape))


def _tc_init(oh, emb_p, Wm1, Wm2, B):
    return pl.pallas_call(
        _init_body,
        grid=(N // NBLK,),
        in_specs=[
            pl.BlockSpec((NBLK, 16), lambda i: (i, 0)),
            _full((16, D)), _full((D, D)), _full((D, 3 * D)), _full((8, 3 * D)),
        ],
        out_specs=[
            pl.BlockSpec((NBLK, D), lambda i: (i, 0)),
            pl.BlockSpec((NBLK, 6 * D), lambda i: (i, 0)),
        ],
        out_shape=[
            jax.ShapeDtypeStruct((N, D), jnp.float32),
            jax.ShapeDtypeStruct((N, 6 * D), jnp.float32),
        ],
    )(oh, emb_p, Wm1, Wm2, B)


def _tc_edge_prep(geo, rbt, wwa):
    return pl.pallas_call(
        _edge_prep_body,
        grid=(E_PAD // EBLK,),
        in_specs=[
            pl.BlockSpec((8, EBLK), lambda i: (0, i)),
            pl.BlockSpec((24, EBLK), lambda i: (0, i)),
            _full((24, 3 * D)),
        ],
        out_specs=pl.BlockSpec((EBLK, 5 * D), lambda i: (i, 0)),
        out_shape=jax.ShapeDtypeStruct((E_PAD, 5 * D), jnp.float32),
    )(geo, rbt, wwa)


def _tc_edge_seg(g, wa, idx3):
    nb = EPW // SBLK
    first = g.shape[1] == 2 * D
    return pl.pallas_call(
        _edge_seg1_body if first else _edge_seg_body,
        grid=(N_OWN, nb),
        in_specs=[
            pl.BlockSpec((SBLK, g.shape[1]), lambda o, b: (o * nb + b, 0)),
            pl.BlockSpec((SBLK, 5 * D), lambda o, b: (o * nb + b, 0)),
            pl.BlockSpec((1, 1, SBLK), lambda o, b: (o * nb + b, 0, 0)),
        ],
        out_specs=pl.BlockSpec((OROWS, 4 * D), lambda o, b: (o, 0)),
        out_shape=jax.ShapeDtypeStruct((N, 4 * D), jnp.float32),
    )(g, wa, idx3)


def _tc_update(s, t, p, Wv, Wu, Wa1, Wa2, Wm1, Wm2, B):
    return pl.pallas_call(
        _update_body,
        grid=(N // NBLK,),
        in_specs=[
            pl.BlockSpec((NBLK, D), lambda i: (i, 0)),
            pl.BlockSpec((NBLK, 6 * D), lambda i: (i, 0)),
            pl.BlockSpec((NBLK, 4 * D), lambda i: (i, 0)),
            _full((D, D)), _full((D, D)), _full((2 * D, D)), _full((D, 3 * D)),
            _full((D, D)), _full((D, 3 * D)), _full((8, 3 * D)),
        ],
        out_specs=[
            pl.BlockSpec((NBLK, D), lambda i: (i, 0)),
            pl.BlockSpec((NBLK, 6 * D), lambda i: (i, 0)),
        ],
        out_shape=[
            jax.ShapeDtypeStruct((N, D), jnp.float32),
            jax.ShapeDtypeStruct((N, 6 * D), jnp.float32),
        ],
    )(s, t, p, Wv, Wu, Wa1, Wa2, Wm1, Wm2, B)


def _tc_readout(s, Wo1, B, Wo2):
    return pl.pallas_call(
        _readout_body,
        grid=(N // NBLK,),
        in_specs=[
            pl.BlockSpec((NBLK, D), lambda i: (i, 0)),
            _full((D, D)), _full((8, 3 * D)), _full((D, D)),
        ],
        out_specs=pl.BlockSpec((1, 1), lambda i: (0, 0)),
        out_shape=jax.ShapeDtypeStruct((1, 1), jnp.float32),
    )(s, Wo1, B, Wo2)



def _gather_body(table_hbm, idx_hbm, out_hbm, idx_v, buf0, buf1, sem0, sem1):
    wid = lax.axis_index("s") * 2 + lax.axis_index("c")
    base = pl.multiple_of(wid * B_PER_W, B_PER_W)
    pltpu.sync_copy(idx_hbm.at[pl.ds(base, B_PER_W)], idx_v)

    def start(c, buf, sem):
        cbase = pl.multiple_of(c * CH, CH)
        return pltpu.async_copy(table_hbm.at[idx_v.at[pl.ds(cbase, CH)]], buf, sem)

    def waitg(c, buf, sem):
        cbase = pl.multiple_of(c * CH, CH)
        pltpu.make_async_copy(table_hbm.at[idx_v.at[pl.ds(cbase, CH)]], buf, sem).wait()

    def write(c, buf):
        cbase = pl.multiple_of(c * CH, CH)
        pltpu.sync_copy(buf, out_hbm.at[pl.ds(base + cbase, CH)])

    start(0, buf0, sem0)

    def body(t, carry):
        c0 = pl.multiple_of(2 * t, 2)
        start(c0 + 1, buf1, sem1)
        waitg(c0, buf0, sem0)
        write(c0, buf0)

        @pl.when(t < N_CH // 2 - 1)
        def _():
            start(c0 + 2, buf0, sem0)

        waitg(c0 + 1, buf1, sem1)
        write(c0 + 1, buf1)
        return carry

    lax.fori_loop(0, N_CH // 2, body, 0)


@functools.cache
def _sc_gather_kernel(width):
    mesh = plsc.VectorSubcoreMesh(core_axis_name="c", subcore_axis_name="s")
    return pl.kernel(
        _gather_body,
        out_type=jax.ShapeDtypeStruct((E_PAD, width), jnp.float32),
        mesh=mesh,
        scratch_types=[
            pltpu.VMEM((B_PER_W,), jnp.int32),
            pltpu.VMEM((CH, width), jnp.float32),
            pltpu.VMEM((CH, width), jnp.float32),
            pltpu.SemaphoreType.DMA,
            pltpu.SemaphoreType.DMA,
        ],
    )


def _sc_gather(table, idx):
    return _sc_gather_kernel(table.shape[1])(table, idx)



def kernel(atomic_numbers, positional_encodings, emb, Wm1, bm1, Wm2, bm2, Ww, bw,
           Wa1, ba1, Wa2, ba2, Wv, bv, Wu, bu, Wo1, bo1, Wo2, bo2):
    f32 = jnp.float32

    pos0 = positional_encodings
    sq0 = jnp.sum(pos0 * pos0, axis=1)
    dist2_0 = sq0[:, None] + sq0[None, :] - 2.0 * (pos0 @ pos0.T)
    mask0 = (dist2_0 <= R_CUT * R_CUT) & (~jnp.eye(N, dtype=bool))
    deg = jnp.sum(mask0, axis=1)
    order = jnp.argsort(-deg, stable=True)
    rank = jnp.arange(N, dtype=jnp.int32)
    rnd = rank // N_OWN
    posn = rank % N_OWN
    owner_of_rank = jnp.where(rnd % 2 == 0, posn, N_OWN - 1 - posn)
    new_of_rank = owner_of_rank * OROWS + rnd
    pon = jnp.zeros((N,), jnp.int32).at[new_of_rank].set(order.astype(jnp.int32))

    pos = pos0[pon]
    an = atomic_numbers[pon]

    diffp = pos[:, None, :] - pos[None, :, :]
    dist2 = jnp.sum(diffp * diffp, axis=-1)
    mask = (jnp.sqrt(dist2) <= R_CUT) & (~jnp.eye(N, dtype=bool))
    ii, jj = jnp.nonzero(mask, size=E_RAW, fill_value=0)
    ii = ii.astype(jnp.int32)
    jj = jj.astype(jnp.int32)
    n_edges = jnp.sum(mask)
    valid0 = (jnp.arange(E_RAW) < n_edges)

    ii_s = jnp.where(valid0, ii, N)
    starts = jnp.searchsorted(ii_s, jnp.arange(N_OWN, dtype=jnp.int32) * OROWS)
    owner_e = jnp.minimum(ii_s // OROWS, N_OWN - 1)
    dest = jnp.where(valid0,
                     owner_e * EPW + jnp.arange(E_RAW, dtype=jnp.int32) - starts[owner_e],
                     E_PAD).astype(jnp.int32)
    packed = jnp.stack([ii, jj, jnp.ones((E_RAW,), jnp.int32)], axis=1)
    edges = jnp.zeros((E_PAD + 1, 3), jnp.int32).at[dest].set(packed)[:E_PAD]
    idx_i = edges[:, 0]
    idx_j = edges[:, 1]
    valid = edges[:, 2].astype(f32)

    r_e = pos[idx_i] - pos[idx_j]
    d2_e = jnp.sum(r_e * r_e, axis=1)
    d_e = jnp.sqrt(d2_e)
    d_safe = jnp.where(valid > 0, d_e, 1.0)
    gnorm = jnp.sqrt(jnp.sum(valid * d2_e))
    rhat = r_e / gnorm

    geo = jnp.concatenate([
        rhat.T.astype(f32),
        d_safe[None, :].astype(f32),
        valid[None, :],
        jnp.zeros((3, E_PAD), f32),
    ], axis=0)

    kvals = jnp.arange(1, N_RBF + 1, dtype=f32)
    t_rb = jnp.sin(kvals[None, :] * (np.pi / R_CUT) * d_safe[:, None]) / d_safe[:, None]
    rb_e = jnp.where(t_rb <= R_CUT, 0.5 * (jnp.cos((np.pi / R_CUT) * t_rb) + 1.0), 0.0)
    rbt = jnp.concatenate([rb_e.T, jnp.zeros((4, E_PAD), f32)], axis=0)

    wwa = jnp.concatenate([Ww, jnp.zeros((3, 3 * D), f32), bw[None, :]], axis=0)

    B = jnp.zeros((8, 3 * D), f32)
    B = B.at[0, :D].set(bv).at[1, :D].set(bu).at[2, :D].set(ba1)
    B = B.at[3, :].set(ba2).at[4, :D].set(bm1).at[5, :].set(bm2).at[6, :D].set(bo1)

    oh = jax.nn.one_hot(an, 16, dtype=f32)
    emb_p = jnp.concatenate([emb, jnp.zeros((6, D), f32)], axis=0)

    idx3 = idx_i.reshape(E_PAD // SBLK, 1, SBLK)

    wa = _tc_edge_prep(geo, rbt, wwa)
    s, t = _tc_init(oh, emb_p, Wm1, Wm2, B)

    for layer in range(3):
        table = t[:, D:3 * D] if layer == 0 else t
        g = _sc_gather(table, idx_j)
        p = _tc_edge_seg(g, wa, idx3)
        s, t = _tc_update(s, t, p, Wv, Wu, Wa1, Wa2, Wm1, Wm2, B)

    out = _tc_readout(s, Wo1, B, Wo2)
    return out[0, 0] + jnp.float32(N) * jnp.sum(bo2)

# --- scband reference (transcript-rebuilt; emitter-appended) ---
"""Pipeline reference for scband-painn-13082470383777 (READ-ONLY COPY).

The authoritative reference and input builder live on the scoring server;
editing this copy changes nothing except your own understanding.
"""

import jax, jax.numpy as jnp
import numpy as np

N_ATOMS = 2048
R_CUT = 0.5
N_RBF = 20
D = 128

def _lin(k, fan_in, shape):
    return (jax.random.uniform(k, shape, jnp.float32, -1.0, 1.0) / np.sqrt(fan_in)).astype(jnp.float32)

def setup_inputs(seed: int = 0):
    key = jax.random.key(seed)
    ks = jax.random.split(key, 22)
    inp = {}
    inp["atomic_numbers"] = jax.random.randint(ks[0], (N_ATOMS,), 0, 10)
    inp["positional_encodings"] = jax.random.normal(ks[1], (N_ATOMS, 3), dtype=jnp.float32)
    inp["emb"] = jax.random.normal(ks[2], (10, D), dtype=jnp.float32)
    inp["Wm1"] = _lin(ks[3], D, (D, D)); inp["bm1"] = _lin(ks[4], D, (D,))
    inp["Wm2"] = _lin(ks[5], D, (D, 384)); inp["bm2"] = _lin(ks[6], D, (384,))
    inp["Ww"] = _lin(ks[7], N_RBF, (N_RBF, 384)); inp["bw"] = _lin(ks[8], N_RBF, (384,))
    inp["Wa1"] = _lin(ks[9], 256, (256, D)); inp["ba1"] = _lin(ks[10], 256, (D,))
    inp["Wa2"] = _lin(ks[11], D, (D, 384)); inp["ba2"] = _lin(ks[12], D, (384,))
    inp["Wv"] = _lin(ks[13], D, (D, D)); inp["bv"] = _lin(ks[14], D, (D,))
    inp["Wu"] = _lin(ks[15], D, (D, D)); inp["bu"] = _lin(ks[16], D, (D,))
    inp["Wo1"] = _lin(ks[17], D, (D, D)); inp["bo1"] = _lin(ks[18], D, (D,))
    inp["Wo2"] = _lin(ks[19], D, (D, D)); inp["bo2"] = _lin(ks[20], D, (D,))
    return inp

def _silu(x):
    return x * jax.nn.sigmoid(x)

def _rbf(r, n, r_cut):
    n_values = jnp.arange(1, n + 1, dtype=jnp.float32)
    r_norms = jnp.linalg.norm(r, axis=1, keepdims=True)[:, :, None]
    return jnp.sin(n_values[None, None, :] * jnp.pi / r_cut * r_norms) / r_norms

def _fcut(t, R_c):
    return jnp.where(t <= R_c, 0.5 * (jnp.cos(jnp.pi * t / R_c) + 1.0), jnp.zeros_like(t))

def _message(s_all, r_full, v_all, mask, n_nodes, Wm1, bm1, Wm2, bm2, Ww, bw):
    phi = _silu(s_all @ Wm1 + bm1) @ Wm2 + bm2
    org_r_masked = jnp.where(mask[:, :, None], r_full, 0.0)
    gnorm = jnp.linalg.norm(org_r_masked)

    def row(carry, xs):
        r_row, m_row = xs
        r_safe = jnp.where(m_row[:, None], r_row, jnp.ones_like(r_row))
        rb = _fcut(_rbf(r_safe, N_RBF, R_CUT), R_CUT)
        w = rb @ Ww + bw
        split = jnp.where(m_row[:, None, None], w * phi, 0.0)
        s0, s1, s2 = split[..., :D], split[..., D:2 * D], split[..., 2 * D:]
        out_s_row = jnp.sum(s1, axis=0)
        org_rn = r_row / gnorm
        org_rn = jnp.repeat(org_rn[:, :, None], D, axis=2)
        vv = jnp.where(m_row[:, None, None], s2 * org_rn + s0 * v_all, 0.0)
        out_v_row = jnp.sum(vv, axis=0)
        return carry, (out_v_row, out_s_row)

    _, (out_v, out_s) = jax.lax.scan(row, None, (r_full, mask))
    return out_v, out_s

def _update(s, v, Wa1, ba1, Wa2, ba2, Wv, bv, Wu, bu):
    vV = v @ Wv + bv
    u = vV @ Wu + bu
    s_stack = jnp.concatenate([jnp.linalg.norm(vV, axis=1, keepdims=True), s], axis=2)
    split = _silu(s_stack @ Wa1 + ba1) @ Wa2 + ba2
    a0, a1, a2 = split[..., :D], split[..., D:2 * D], split[..., 2 * D:]
    out_v = u * a0
    ss = jnp.sum(u * vV, axis=1)[:, None, :] * a1
    out_s = ss + a2
    return out_v, out_s

def reference(atomic_numbers, positional_encodings, emb, Wm1, bm1, Wm2, bm2, Ww, bw, Wa1, ba1, Wa2, ba2, Wv, bv, Wu, bu, Wo1, bo1, Wo2, bo2):
    pos = positional_encodings
    n = pos.shape[0]
    diff = pos[:, None, :] - pos[None, :, :]
    dist = jnp.sqrt(jnp.sum(diff * diff, axis=-1))
    mask = (dist <= R_CUT) & (~jnp.eye(n, dtype=bool))
    r = diff
    s = emb[atomic_numbers][:, None, :]
    v = jnp.zeros((n, 3, D), dtype=jnp.float32)
    for _ in range(3):
        v_d = jax.lax.stop_gradient(v); s_d = jax.lax.stop_gradient(s)
        dv, ds = _message(s, r, v_d, mask, n, Wm1, bm1, Wm2, bm2, Ww, bw)
        v = dv + v_d; s = ds + s_d
        v_d = jax.lax.stop_gradient(v); s_d = jax.lax.stop_gradient(s)
        dv, ds = _update(s_d, v_d, Wa1, ba1, Wa2, ba2, Wv, bv, Wu, bu)
        v = dv + v_d; s = ds + s_d
    out = _silu(s @ Wo1 + bo1) @ Wo2 + bo2
    return jnp.sum(out)

if __name__ == "__main__":
    import jax
    _d = setup_inputs()
    print(jax.jit(kernel)(*tuple(_d.values())))

</pallas_src>

<mosaic_0001>
#map = affine_map<(d0, d1) -> (0, 0)>
#map1 = affine_map<(d0, d1) -> (0)>
module attributes {stable_mosaic.version = 14 : i64} {
  func.func @_gather_body(%arg0: i32, %arg1: i32, %arg2: memref<2048x256xf32, #tpu.memory_space<hbm>>, %arg3: memref<57344xi32, #tpu.memory_space<hbm>>, %arg4: memref<57344x256xf32, #tpu.memory_space<hbm>>, %arg5: memref<1792xi32, #tpu.memory_space<vmem>>, %arg6: memref<64x256xf32, #tpu.memory_space<vmem>>, %arg7: memref<64x256xf32, #tpu.memory_space<vmem>>, %arg8: memref<!tpu.dma_semaphore, #tpu.memory_space<semaphore_mem>>, %arg9: memref<!tpu.dma_semaphore, #tpu.memory_space<semaphore_mem>>) attributes {dimension_semantics = [#tpu.dimension_semantics<core_parallel>, #tpu.dimension_semantics<subcore_parallel>], iteration_bounds = array<i64: 2, 16>, scalar_prefetch = 0 : i64, scratch_operands = 5 : i64, tpu.core_type = #tpu.core_type<sc_vector_subcore>, window_params = [{transform_indices = #map}, {transform_indices = #map1}, {transform_indices = #map}]} {
    %mul3A = arith.constant 2 : i32
    %mul3A_0 = arith.muli %arg1, %mul3A : i32
    %add3A = arith.addi %mul3A_0, %arg0 : i32
    %mul3A_1 = arith.constant 1792 : i32
    %mul3A_2 = arith.muli %add3A, %mul3A_1 : i32
    %multiple_of3A = tpu.assume_multiple %mul3A_2, 1792 : i32
    "tpu.region"() ({
      %run_scoped3A = tpu.sem_alloc : memref<!tpu.dma_semaphore, #tpu.memory_space<semaphore_mem>>
      %dma_start3A_13 = tpu.memref_slice %arg3[%multiple_of3A] : memref<57344xi32, #tpu.memory_space<hbm>> -> memref<1792xi32, #tpu.memory_space<hbm>>
      %dma_start3A_14 = tpu.memref_slice %arg3[%multiple_of3A] : memref<57344xi32, #tpu.memory_space<hbm>> -> memref<1792xi32, #tpu.memory_space<hbm>>
      tpu.enqueue_dma source(%dma_start3A_14 : memref<1792xi32, #tpu.memory_space<hbm>>) target(%arg5 : memref<1792xi32, #tpu.memory_space<vmem>>) target_semaphore(%run_scoped3A : memref<!tpu.dma_semaphore, #tpu.memory_space<semaphore_mem>>)
      %dma_wait3A = tpu.memref_slice %arg3[%multiple_of3A] : memref<57344xi32, #tpu.memory_space<hbm>> -> memref<1792xi32, #tpu.memory_space<hbm>>
      %dma_wait3A_15 = tpu.memref_slice %arg3[%multiple_of3A] : memref<57344xi32, #tpu.memory_space<hbm>> -> memref<1792xi32, #tpu.memory_space<hbm>>
      tpu.wait_dma2 semaphore(%run_scoped3A : memref<!tpu.dma_semaphore, #tpu.memory_space<semaphore_mem>>) src(%dma_wait3A_15 : memref<1792xi32, #tpu.memory_space<hbm>>) dst(%arg5 : memref<1792xi32, #tpu.memory_space<vmem>>)
      tpu.yield
    }) : () -> ()
    %multiple_of3A_3 = arith.constant 0 : i32
    %multiple_of3A_4 = tpu.assume_multiple %multiple_of3A_3, 64 : i32
    %dma_start3A = tpu.memref_slice %arg5[%multiple_of3A_4] : memref<1792xi32, #tpu.memory_space<vmem>> -> memref<64xi32, #tpu.memory_space<vmem>>
    %dma_start3A_5 = arith.constant 0 : i32
    %dma_start3A_6 = arith.constant 0 : i32
    %dma_start3A_7 = tpu.memref_slice %arg2[%dma_start3A_5, %dma_start3A_6] : memref<2048x256xf32, #tpu.memory_space<hbm>> -> memref<2048x256xf32, #tpu.memory_space<hbm>>
    tpu.enqueue_indirect_dma source(%dma_start3A_7 : memref<2048x256xf32, #tpu.memory_space<hbm>>) target(%arg6 : memref<64x256xf32, #tpu.memory_space<vmem>>) offsets(%dma_start3A : memref<64xi32, #tpu.memory_space<vmem>>) semaphore(%arg8 : memref<!tpu.dma_semaphore, #tpu.memory_space<semaphore_mem>>)
    %scan3A = arith.constant 0 : i32
    %scan3A_8 = arith.constant 0 : i32
    %scan3A_9 = arith.constant 14 : i32
    %scan3A_10 = arith.addi %scan3A_8, %scan3A_9 : i32
    %scan3A_11 = arith.constant 1 : i32
    scf.for %scan3A_13 = %scan3A_8 to %scan3A_10 step %scan3A_11  : i32 {
      %mul3A_14 = arith.constant 2 : i32
      %mul3A_15 = arith.muli %mul3A_14, %scan3A_13 : i32
      %multiple_of3A_16 = tpu.assume_multiple %mul3A_15, 2 : i32
      %add3A_17 = arith.constant 1 : i32
      %add3A_18 = arith.addi %multiple_of3A_16, %add3A_17 : i32
      %mul3A_19 = arith.constant 64 : i32
      %mul3A_20 = arith.muli %add3A_18, %mul3A_19 : i32
      %multiple_of3A_21 = tpu.assume_multiple %mul3A_20, 64 : i32
      %dma_start3A_22 = tpu.memref_slice %arg5[%multiple_of3A_21] : memref<1792xi32, #tpu.memory_space<vmem>> -> memref<64xi32, #tpu.memory_space<vmem>>
      %dma_start3A_23 = arith.constant 0 : i32
      %dma_start3A_24 = arith.constant 0 : i32
      %dma_start3A_25 = tpu.memref_slice %arg2[%dma_start3A_23, %dma_start3A_24] : memref<2048x256xf32, #tpu.memory_space<hbm>> -> memref<2048x256xf32, #tpu.memory_space<hbm>>
      tpu.enqueue_indirect_dma source(%dma_start3A_25 : memref<2048x256xf32, #tpu.memory_space<hbm>>) target(%arg7 : memref<64x256xf32, #tpu.memory_space<vmem>>) offsets(%dma_start3A_22 : memref<64xi32, #tpu.memory_space<vmem>>) semaphore(%arg9 : memref<!tpu.dma_semaphore, #tpu.memory_space<semaphore_mem>>)
      %mul3A_26 = arith.constant 64 : i32
      %mul3A_27 = arith.muli %multiple_of3A_16, %mul3A_26 : i32
      %multiple_of3A_28 = tpu.assume_multiple %mul3A_27, 64 : i32
      %dma_wait3A = tpu.memref_slice %arg5[%multiple_of3A_28] : memref<1792xi32, #tpu.memory_space<vmem>> -> memref<64xi32, #tpu.memory_space<vmem>>
      %dma_wait3A_29 = arith.constant 0 : i32
      %dma_wait3A_30 = arith.constant 0 : i32
      %dma_wait3A_31 = tpu.memref_slice %arg2[%dma_wait3A_29, %dma_wait3A_30] : memref<2048x256xf32, #tpu.memory_space<hbm>> -> memref<2048x256xf32, #tpu.memory_space<hbm>>
      tpu.wait_indirect_dma semaphore(%arg8 : memref<!tpu.dma_semaphore, #tpu.memory_space<semaphore_mem>>) src(%dma_wait3A_31 : memref<2048x256xf32, #tpu.memory_space<hbm>>) dst(%arg6 : memref<64x256xf32, #tpu.memory_space<vmem>>)
      %mul3A_32 = arith.constant 64 : i32
      %mul3A_33 = arith.muli %multiple_of3A_16, %mul3A_32 : i32
      %multiple_of3A_34 = tpu.assume_multiple %mul3A_33, 64 : i32
      %add3A_35 = arith.addi %multiple_of3A, %multiple_of3A_34 : i32
      "tpu.region"() ({
        %run_scoped3A = tpu.sem_alloc : memref<!tpu.dma_semaphore, #tpu.memory_space<semaphore_mem>>
        %dma_start3A_53 = arith.constant 0 : i32
        %dma_start3A_54 = tpu.memref_slice %arg4[%add3A_35, %dma_start3A_53] : memref<57344x256xf32, #tpu.memory_space<hbm>> -> memref<64x256xf32, #tpu.memory_space<hbm>>
        %dma_start3A_55 = arith.constant 0 : i32
        %dma_start3A_56 = tpu.memref_slice %arg4[%add3A_35, %dma_start3A_55] : memref<57344x256xf32, #tpu.memory_space<hbm>> -> memref<64x256xf32, #tpu.memory_space<hbm>>
        tpu.enqueue_dma source(%arg6 : memref<64x256xf32, #tpu.memory_space<vmem>>) target(%dma_start3A_56 : memref<64x256xf32, #tpu.memory_space<hbm>>) target_semaphore(%run_scoped3A : memref<!tpu.dma_semaphore, #tpu.memory_space<semaphore_mem>>)
        %dma_wait3A_57 = arith.constant 0 : i32
        %dma_wait3A_58 = tpu.memref_slice %arg4[%add3A_35, %dma_wait3A_57] : memref<57344x256xf32, #tpu.memory_space<hbm>> -> memref<64x256xf32, #tpu.memory_space<hbm>>
        %dma_wait3A_59 = arith.constant 0 : i32
        %dma_wait3A_60 = tpu.memref_slice %arg4[%add3A_35, %dma_wait3A_59] : memref<57344x256xf32, #tpu.memory_space<hbm>> -> memref<64x256xf32, #tpu.memory_space<hbm>>
        tpu.wait_dma2 semaphore(%run_scoped3A : memref<!tpu.dma_semaphore, #tpu.memory_space<semaphore_mem>>) src(%arg6 : memref<64x256xf32, #tpu.memory_space<vmem>>) dst(%dma_wait3A_60 : memref<64x256xf32, #tpu.memory_space<hbm>>)
        tpu.yield
      }) : () -> ()
      %lt3A = arith.constant 13 : i32
      %lt3A_36 = arith.cmpi slt, %scan3A_13, %lt3A : i32
      %convert_element_type3A = arith.extui %lt3A_36 : i1 to i32
      %cond3A = arith.constant 0 : i32
      %cond3A_37 = arith.cmpi ne, %convert_element_type3A, %cond3A : i32
      scf.if %cond3A_37 {
        %add3A_53 = arith.constant 2 : i32
        %add3A_54 = arith.addi %multiple_of3A_16, %add3A_53 : i32
        %mul3A_55 = arith.constant 64 : i32
        %mul3A_56 = arith.muli %add3A_54, %mul3A_55 : i32
        %multiple_of3A_57 = tpu.assume_multiple %mul3A_56, 64 : i32
        %dma_start3A_58 = tpu.memref_slice %arg5[%multiple_of3A_57] : memref<1792xi32, #tpu.memory_space<vmem>> -> memref<64xi32, #tpu.memory_space<vmem>>
        %dma_start3A_59 = arith.constant 0 : i32
        %dma_start3A_60 = arith.constant 0 : i32
        %dma_start3A_61 = tpu.memref_slice %arg2[%dma_start3A_59, %dma_start3A_60] : memref<2048x256xf32, #tpu.memory_space<hbm>> -> memref<2048x256xf32, #tpu.memory_space<hbm>>
        tpu.enqueue_indirect_dma source(%dma_start3A_61 : memref<2048x256xf32, #tpu.memory_space<hbm>>) target(%arg6 : memref<64x256xf32, #tpu.memory_space<vmem>>) offsets(%dma_start3A_58 : memref<64xi32, #tpu.memory_space<vmem>>) semaphore(%arg8 : memref<!tpu.dma_semaphore, #tpu.memory_space<semaphore_mem>>)
      } else {
      }
      %add3A_38 = arith.constant 1 : i32
      %add3A_39 = arith.addi %multiple_of3A_16, %add3A_38 : i32
      %mul3A_40 = arith.constant 64 : i32
      %mul3A_41 = arith.muli %add3A_39, %mul3A_40 : i32
      %multiple_of3A_42 = tpu.assume_multiple %mul3A_41, 64 : i32
      %dma_wait3A_43 = tpu.memref_slice %arg5[%multiple_of3A_42] : memref<1792xi32, #tpu.memory_space<vmem>> -> memref<64xi32, #tpu.memory_space<vmem>>
      %dma_wait3A_44 = arith.constant 0 : i32
      %dma_wait3A_45 = arith.constant 0 : i32
      %dma_wait3A_46 = tpu.memref_slice %arg2[%dma_wait3A_44, %dma_wait3A_45] : memref<2048x256xf32, #tpu.memory_space<hbm>> -> memref<2048x256xf32, #tpu.memory_space<hbm>>
      tpu.wait_indirect_dma semaphore(%arg9 : memref<!tpu.dma_semaphore, #tpu.memory_space<semaphore_mem>>) src(%dma_wait3A_46 : memref<2048x256xf32, #tpu.memory_space<hbm>>) dst(%arg7 : memref<64x256xf32, #tpu.memory_space<vmem>>)
      %add3A_47 = arith.constant 1 : i32
      %add3A_48 = arith.addi %multiple_of3A_16, %add3A_47 : i32
      %mul3A_49 = arith.constant 64 : i32
      %mul3A_50 = arith.muli %add3A_48, %mul3A_49 : i32
      %multiple_of3A_51 = tpu.assume_multiple %mul3A_50, 64 : i32
      %add3A_52 = arith.addi %multiple_of3A, %multiple_of3A_51 : i32
      "tpu.region"() ({
        %run_scoped3A = tpu.sem_alloc : memref<!tpu.dma_semaphore, #tpu.memory_space<semaphore_mem>>
        %dma_start3A_53 = arith.constant 0 : i32
        %dma_start3A_54 = tpu.memref_slice %arg4[%add3A_52, %dma_start3A_53] : memref<57344x256xf32, #tpu.memory_space<hbm>> -> memref<64x256xf32, #tpu.memory_space<hbm>>
        %dma_start3A_55 = arith.constant 0 : i32
        %dma_start3A_56 = tpu.memref_slice %arg4[%add3A_52, %dma_start3A_55] : memref<57344x256xf32, #tpu.memory_space<hbm>> -> memref<64x256xf32, #tpu.memory_space<hbm>>
        tpu.enqueue_dma source(%arg7 : memref<64x256xf32, #tpu.memory_space<vmem>>) target(%dma_start3A_56 : memref<64x256xf32, #tpu.memory_space<hbm>>) target_semaphore(%run_scoped3A : memref<!tpu.dma_semaphore, #tpu.memory_space<semaphore_mem>>)
        %dma_wait3A_57 = arith.constant 0 : i32
        %dma_wait3A_58 = tpu.memref_slice %arg4[%add3A_52, %dma_wait3A_57] : memref<57344x256xf32, #tpu.memory_space<hbm>> -> memref<64x256xf32, #tpu.memory_space<hbm>>
        %dma_wait3A_59 = arith.constant 0 : i32
        %dma_wait3A_60 = tpu.memref_slice %arg4[%add3A_52, %dma_wait3A_59] : memref<57344x256xf32, #tpu.memory_space<hbm>> -> memref<64x256xf32, #tpu.memory_space<hbm>>
        tpu.wait_dma2 semaphore(%run_scoped3A : memref<!tpu.dma_semaphore, #tpu.memory_space<semaphore_mem>>) src(%arg7 : memref<64x256xf32, #tpu.memory_space<vmem>>) dst(%dma_wait3A_60 : memref<64x256xf32, #tpu.memory_space<hbm>>)
        tpu.yield
      }) : () -> ()
    }
    %scan3A_12 = arith.constant 14 : i32
    return
  }
}

#map = affine_map<(d0, d1) -> (0, 0)>
#map1 = affine_map<(d0, d1) -> (0)>
module attributes {stable_mosaic.version = 14 : i64} {
  func.func @_gather_body(%arg0: i32, %arg1: i32, %arg2: memref<2048x768xf32, #tpu.memory_space<hbm>>, %arg3: memref<57344xi32, #tpu.memory_space<hbm>>, %arg4: memref<57344x768xf32, #tpu.memory_space<hbm>>, %arg5: memref<1792xi32, #tpu.memory_space<vmem>>, %arg6: memref<64x768xf32, #tpu.memory_space<vmem>>, %arg7: memref<64x768xf32, #tpu.memory_space<vmem>>, %arg8: memref<!tpu.dma_semaphore, #tpu.memory_space<semaphore_mem>>, %arg9: memref<!tpu.dma_semaphore, #tpu.memory_space<semaphore_mem>>) attributes {dimension_semantics = [#tpu.dimension_semantics<core_parallel>, #tpu.dimension_semantics<subcore_parallel>], iteration_bounds = array<i64: 2, 16>, scalar_prefetch = 0 : i64, scratch_operands = 5 : i64, tpu.core_type = #tpu.core_type<sc_vector_subcore>, window_params = [{transform_indices = #map}, {transform_indices = #map1}, {transform_indices = #map}]} {
    %mul3A = arith.constant 2 : i32
    %mul3A_0 = arith.muli %arg1, %mul3A : i32
    %add3A = arith.addi %mul3A_0, %arg0 : i32
    %mul3A_1 = arith.constant 1792 : i32
    %mul3A_2 = arith.muli %add3A, %mul3A_1 : i32
    %multiple_of3A = tpu.assume_multiple %mul3A_2, 1792 : i32
    "tpu.region"() ({
      %run_scoped3A = tpu.sem_alloc : memref<!tpu.dma_semaphore, #tpu.memory_space<semaphore_mem>>
      %dma_start3A_13 = tpu.memref_slice %arg3[%multiple_of3A] : memref<57344xi32, #tpu.memory_space<hbm>> -> memref<1792xi32, #tpu.memory_space<hbm>>
      %dma_start3A_14 = tpu.memref_slice %arg3[%multiple_of3A] : memref<57344xi32, #tpu.memory_space<hbm>> -> memref<1792xi32, #tpu.memory_space<hbm>>
      tpu.enqueue_dma source(%dma_start3A_14 : memref<1792xi32, #tpu.memory_space<hbm>>) target(%arg5 : memref<1792xi32, #tpu.memory_space<vmem>>) target_semaphore(%run_scoped3A : memref<!tpu.dma_semaphore, #tpu.memory_space<semaphore_mem>>)
      %dma_wait3A = tpu.memref_slice %arg3[%multiple_of3A] : memref<57344xi32, #tpu.memory_space<hbm>> -> memref<1792xi32, #tpu.memory_space<hbm>>
      %dma_wait3A_15 = tpu.memref_slice %arg3[%multiple_of3A] : memref<57344xi32, #tpu.memory_space<hbm>> -> memref<1792xi32, #tpu.memory_space<hbm>>
      tpu.wait_dma2 semaphore(%run_scoped3A : memref<!tpu.dma_semaphore, #tpu.memory_space<semaphore_mem>>) src(%dma_wait3A_15 : memref<1792xi32, #tpu.memory_space<hbm>>) dst(%arg5 : memref<1792xi32, #tpu.memory_space<vmem>>)
      tpu.yield
    }) : () -> ()
    %multiple_of3A_3 = arith.constant 0 : i32
    %multiple_of3A_4 = tpu.assume_multiple %multiple_of3A_3, 64 : i32
    %dma_start3A = tpu.memref_slice %arg5[%multiple_of3A_4] : memref<1792xi32, #tpu.memory_space<vmem>> -> memref<64xi32, #tpu.memory_space<vmem>>
    %dma_start3A_5 = arith.constant 0 : i32
    %dma_start3A_6 = arith.constant 0 : i32
    %dma_start3A_7 = tpu.memref_slice %arg2[%dma_start3A_5, %dma_start3A_6] : memref<2048x768xf32, #tpu.memory_space<hbm>> -> memref<2048x768xf32, #tpu.memory_space<hbm>>
    tpu.enqueue_indirect_dma source(%dma_start3A_7 : memref<2048x768xf32, #tpu.memory_space<hbm>>) target(%arg6 : memref<64x768xf32, #tpu.memory_space<vmem>>) offsets(%dma_start3A : memref<64xi32, #tpu.memory_space<vmem>>) semaphore(%arg8 : memref<!tpu.dma_semaphore, #tpu.memory_space<semaphore_mem>>)
    %scan3A = arith.constant 0 : i32
    %scan3A_8 = arith.constant 0 : i32
    %scan3A_9 = arith.constant 14 : i32
    %scan3A_10 = arith.addi %scan3A_8, %scan3A_9 : i32
    %scan3A_11 = arith.constant 1 : i32
    scf.for %scan3A_13 = %scan3A_8 to %scan3A_10 step %scan3A_11  : i32 {
      %mul3A_14 = arith.constant 2 : i32
      %mul3A_15 = arith.muli %mul3A_14, %scan3A_13 : i32
      %multiple_of3A_16 = tpu.assume_multiple %mul3A_15, 2 : i32
      %add3A_17 = arith.constant 1 : i32
      %add3A_18 = arith.addi %multiple_of3A_16, %add3A_17 : i32
      %mul3A_19 = arith.constant 64 : i32
      %mul3A_20 = arith.muli %add3A_18, %mul3A_19 : i32
      %multiple_of3A_21 = tpu.assume_multiple %mul3A_20, 64 : i32
      %dma_start3A_22 = tpu.memref_slice %arg5[%multiple_of3A_21] : memref<1792xi32, #tpu.memory_space<vmem>> -> memref<64xi32, #tpu.memory_space<vmem>>
      %dma_start3A_23 = arith.constant 0 : i32
      %dma_start3A_24 = arith.constant 0 : i32
      %dma_start3A_25 = tpu.memref_slice %arg2[%dma_start3A_23, %dma_start3A_24] : memref<2048x768xf32, #tpu.memory_space<hbm>> -> memref<2048x768xf32, #tpu.memory_space<hbm>>
      tpu.enqueue_indirect_dma source(%dma_start3A_25 : memref<2048x768xf32, #tpu.memory_space<hbm>>) target(%arg7 : memref<64x768xf32, #tpu.memory_space<vmem>>) offsets(%dma_start3A_22 : memref<64xi32, #tpu.memory_space<vmem>>) semaphore(%arg9 : memref<!tpu.dma_semaphore, #tpu.memory_space<semaphore_mem>>)
      %mul3A_26 = arith.constant 64 : i32
      %mul3A_27 = arith.muli %multiple_of3A_16, %mul3A_26 : i32
      %multiple_of3A_28 = tpu.assume_multiple %mul3A_27, 64 : i32
      %dma_wait3A = tpu.memref_slice %arg5[%multiple_of3A_28] : memref<1792xi32, #tpu.memory_space<vmem>> -> memref<64xi32, #tpu.memory_space<vmem>>
      %dma_wait3A_29 = arith.constant 0 : i32
      %dma_wait3A_30 = arith.constant 0 : i32
      %dma_wait3A_31 = tpu.memref_slice %arg2[%dma_wait3A_29, %dma_wait3A_30] : memref<2048x768xf32, #tpu.memory_space<hbm>> -> memref<2048x768xf32, #tpu.memory_space<hbm>>
      tpu.wait_indirect_dma semaphore(%arg8 : memref<!tpu.dma_semaphore, #tpu.memory_space<semaphore_mem>>) src(%dma_wait3A_31 : memref<2048x768xf32, #tpu.memory_space<hbm>>) dst(%arg6 : memref<64x768xf32, #tpu.memory_space<vmem>>)
      %mul3A_32 = arith.constant 64 : i32
      %mul3A_33 = arith.muli %multiple_of3A_16, %mul3A_32 : i32
      %multiple_of3A_34 = tpu.assume_multiple %mul3A_33, 64 : i32
      %add3A_35 = arith.addi %multiple_of3A, %multiple_of3A_34 : i32
      "tpu.region"() ({
        %run_scoped3A = tpu.sem_alloc : memref<!tpu.dma_semaphore, #tpu.memory_space<semaphore_mem>>
        %dma_start3A_53 = arith.constant 0 : i32
        %dma_start3A_54 = tpu.memref_slice %arg4[%add3A_35, %dma_start3A_53] : memref<57344x768xf32, #tpu.memory_space<hbm>> -> memref<64x768xf32, #tpu.memory_space<hbm>>
        %dma_start3A_55 = arith.constant 0 : i32
        %dma_start3A_56 = tpu.memref_slice %arg4[%add3A_35, %dma_start3A_55] : memref<57344x768xf32, #tpu.memory_space<hbm>> -> memref<64x768xf32, #tpu.memory_space<hbm>>
        tpu.enqueue_dma source(%arg6 : memref<64x768xf32, #tpu.memory_space<vmem>>) target(%dma_start3A_56 : memref<64x768xf32, #tpu.memory_space<hbm>>) target_semaphore(%run_scoped3A : memref<!tpu.dma_semaphore, #tpu.memory_space<semaphore_mem>>)
        %dma_wait3A_57 = arith.constant 0 : i32
        %dma_wait3A_58 = tpu.memref_slice %arg4[%add3A_35, %dma_wait3A_57] : memref<57344x768xf32, #tpu.memory_space<hbm>> -> memref<64x768xf32, #tpu.memory_space<hbm>>
        %dma_wait3A_59 = arith.constant 0 : i32
        %dma_wait3A_60 = tpu.memref_slice %arg4[%add3A_35, %dma_wait3A_59] : memref<57344x768xf32, #tpu.memory_space<hbm>> -> memref<64x768xf32, #tpu.memory_space<hbm>>
        tpu.wait_dma2 semaphore(%run_scoped3A : memref<!tpu.dma_semaphore, #tpu.memory_space<semaphore_mem>>) src(%arg6 : memref<64x768xf32, #tpu.memory_space<vmem>>) dst(%dma_wait3A_60 : memref<64x768xf32, #tpu.memory_space<hbm>>)
        tpu.yield
      }) : () -> ()
      %lt3A = arith.constant 13 : i32
      %lt3A_36 = arith.cmpi slt, %scan3A_13, %lt3A : i32
      %convert_element_type3A = arith.extui %lt3A_36 : i1 to i32
      %cond3A = arith.constant 0 : i32
      %cond3A_37 = arith.cmpi ne, %convert_element_type3A, %cond3A : i32
      scf.if %cond3A_37 {
        %add3A_53 = arith.constant 2 : i32
        %add3A_54 = arith.addi %multiple_of3A_16, %add3A_53 : i32
        %mul3A_55 = arith.constant 64 : i32
        %mul3A_56 = arith.muli %add3A_54, %mul3A_55 : i32
        %multiple_of3A_57 = tpu.assume_multiple %mul3A_56, 64 : i32
        %dma_start3A_58 = tpu.memref_slice %arg5[%multiple_of3A_57] : memref<1792xi32, #tpu.memory_space<vmem>> -> memref<64xi32, #tpu.memory_space<vmem>>
        %dma_start3A_59 = arith.constant 0 : i32
        %dma_start3A_60 = arith.constant 0 : i32
        %dma_start3A_61 = tpu.memref_slice %arg2[%dma_start3A_59, %dma_start3A_60] : memref<2048x768xf32, #tpu.memory_space<hbm>> -> memref<2048x768xf32, #tpu.memory_space<hbm>>
        tpu.enqueue_indirect_dma source(%dma_start3A_61 : memref<2048x768xf32, #tpu.memory_space<hbm>>) target(%arg6 : memref<64x768xf32, #tpu.memory_space<vmem>>) offsets(%dma_start3A_58 : memref<64xi32, #tpu.memory_space<vmem>>) semaphore(%arg8 : memref<!tpu.dma_semaphore, #tpu.memory_space<semaphore_mem>>)
      } else {
      }
      %add3A_38 = arith.constant 1 : i32
      %add3A_39 = arith.addi %multiple_of3A_16, %add3A_38 : i32
      %mul3A_40 = arith.constant 64 : i32
      %mul3A_41 = arith.muli %add3A_39, %mul3A_40 : i32
      %multiple_of3A_42 = tpu.assume_multiple %mul3A_41, 64 : i32
      %dma_wait3A_43 = tpu.memref_slice %arg5[%multiple_of3A_42] : memref<1792xi32, #tpu.memory_space<vmem>> -> memref<64xi32, #tpu.memory_space<vmem>>
      %dma_wait3A_44 = arith.constant 0 : i32
      %dma_wait3A_45 = arith.constant 0 : i32
      %dma_wait3A_46 = tpu.memref_slice %arg2[%dma_wait3A_44, %dma_wait3A_45] : memref<2048x768xf32, #tpu.memory_space<hbm>> -> memref<2048x768xf32, #tpu.memory_space<hbm>>
      tpu.wait_indirect_dma semaphore(%arg9 : memref<!tpu.dma_semaphore, #tpu.memory_space<semaphore_mem>>) src(%dma_wait3A_46 : memref<2048x768xf32, #tpu.memory_space<hbm>>) dst(%arg7 : memref<64x768xf32, #tpu.memory_space<vmem>>)
      %add3A_47 = arith.constant 1 : i32
      %add3A_48 = arith.addi %multiple_of3A_16, %add3A_47 : i32
      %mul3A_49 = arith.constant 64 : i32
      %mul3A_50 = arith.muli %add3A_48, %mul3A_49 : i32
      %multiple_of3A_51 = tpu.assume_multiple %mul3A_50, 64 : i32
      %add3A_52 = arith.addi %multiple_of3A, %multiple_of3A_51 : i32
      "tpu.region"() ({
        %run_scoped3A = tpu.sem_alloc : memref<!tpu.dma_semaphore, #tpu.memory_space<semaphore_mem>>
        %dma_start3A_53 = arith.constant 0 : i32
        %dma_start3A_54 = tpu.memref_slice %arg4[%add3A_52, %dma_start3A_53] : memref<57344x768xf32, #tpu.memory_space<hbm>> -> memref<64x768xf32, #tpu.memory_space<hbm>>
        %dma_start3A_55 = arith.constant 0 : i32
        %dma_start3A_56 = tpu.memref_slice %arg4[%add3A_52, %dma_start3A_55] : memref<57344x768xf32, #tpu.memory_space<hbm>> -> memref<64x768xf32, #tpu.memory_space<hbm>>
        tpu.enqueue_dma source(%arg7 : memref<64x768xf32, #tpu.memory_space<vmem>>) target(%dma_start3A_56 : memref<64x768xf32, #tpu.memory_space<hbm>>) target_semaphore(%run_scoped3A : memref<!tpu.dma_semaphore, #tpu.memory_space<semaphore_mem>>)
        %dma_wait3A_57 = arith.constant 0 : i32
        %dma_wait3A_58 = tpu.memref_slice %arg4[%add3A_52, %dma_wait3A_57] : memref<57344x768xf32, #tpu.memory_space<hbm>> -> memref<64x768xf32, #tpu.memory_space<hbm>>
        %dma_wait3A_59 = arith.constant 0 : i32
        %dma_wait3A_60 = tpu.memref_slice %arg4[%add3A_52, %dma_wait3A_59] : memref<57344x768xf32, #tpu.memory_space<hbm>> -> memref<64x768xf32, #tpu.memory_space<hbm>>
        tpu.wait_dma2 semaphore(%run_scoped3A : memref<!tpu.dma_semaphore, #tpu.memory_space<semaphore_mem>>) src(%arg7 : memref<64x768xf32, #tpu.memory_space<vmem>>) dst(%dma_wait3A_60 : memref<64x768xf32, #tpu.memory_space<hbm>>)
        tpu.yield
      }) : () -> ()
    }
    %scan3A_12 = arith.constant 14 : i32
    return
  }
}

#map = affine_map<(d0, d1) -> (0, 0)>
#map1 = affine_map<(d0, d1) -> (0)>
module attributes {stable_mosaic.version = 14 : i64} {
  func.func @_gather_body(%arg0: i32, %arg1: i32, %arg2: memref<2048x768xf32, #tpu.memory_space<hbm>>, %arg3: memref<57344xi32, #tpu.memory_space<hbm>>, %arg4: memref<57344x768xf32, #tpu.memory_space<hbm>>, %arg5: memref<1792xi32, #tpu.memory_space<vmem>>, %arg6: memref<64x768xf32, #tpu.memory_space<vmem>>, %arg7: memref<64x768xf32, #tpu.memory_space<vmem>>, %arg8: memref<!tpu.dma_semaphore, #tpu.memory_space<semaphore_mem>>, %arg9: memref<!tpu.dma_semaphore, #tpu.memory_space<semaphore_mem>>) attributes {dimension_semantics = [#tpu.dimension_semantics<core_parallel>, #tpu.dimension_semantics<subcore_parallel>], iteration_bounds = array<i64: 2, 16>, scalar_prefetch = 0 : i64, scratch_operands = 5 : i64, tpu.core_type = #tpu.core_type<sc_vector_subcore>, window_params = [{transform_indices = #map}, {transform_indices = #map1}, {transform_indices = #map}]} {
    %mul3A = arith.constant 2 : i32
    %mul3A_0 = arith.muli %arg1, %mul3A : i32
    %add3A = arith.addi %mul3A_0, %arg0 : i32
    %mul3A_1 = arith.constant 1792 : i32
    %mul3A_2 = arith.muli %add3A, %mul3A_1 : i32
    %multiple_of3A = tpu.assume_multiple %mul3A_2, 1792 : i32
    "tpu.region"() ({
      %run_scoped3A = tpu.sem_alloc : memref<!tpu.dma_semaphore, #tpu.memory_space<semaphore_mem>>
      %dma_start3A_13 = tpu.memref_slice %arg3[%multiple_of3A] : memref<57344xi32, #tpu.memory_space<hbm>> -> memref<1792xi32, #tpu.memory_space<hbm>>
      %dma_start3A_14 = tpu.memref_slice %arg3[%multiple_of3A] : memref<57344xi32, #tpu.memory_space<hbm>> -> memref<1792xi32, #tpu.memory_space<hbm>>
      tpu.enqueue_dma source(%dma_start3A_14 : memref<1792xi32, #tpu.memory_space<hbm>>) target(%arg5 : memref<1792xi32, #tpu.memory_space<vmem>>) target_semaphore(%run_scoped3A : memref<!tpu.dma_semaphore, #tpu.memory_space<semaphore_mem>>)
      %dma_wait3A = tpu.memref_slice %arg3[%multiple_of3A] : memref<57344xi32, #tpu.memory_space<hbm>> -> memref<1792xi32, #tpu.memory_space<hbm>>
      %dma_wait3A_15 = tpu.memref_slice %arg3[%multiple_of3A] : memref<57344xi32, #tpu.memory_space<hbm>> -> memref<1792xi32, #tpu.memory_space<hbm>>
      tpu.wait_dma2 semaphore(%run_scoped3A : memref<!tpu.dma_semaphore, #tpu.memory_space<semaphore_mem>>) src(%dma_wait3A_15 : memref<1792xi32, #tpu.memory_space<hbm>>) dst(%arg5 : memref<1792xi32, #tpu.memory_space<vmem>>)
      tpu.yield
    }) : () -> ()
    %multiple_of3A_3 = arith.constant 0 : i32
    %multiple_of3A_4 = tpu.assume_multiple %multiple_of3A_3, 64 : i32
    %dma_start3A = tpu.memref_slice %arg5[%multiple_of3A_4] : memref<1792xi32, #tpu.memory_space<vmem>> -> memref<64xi32, #tpu.memory_space<vmem>>
    %dma_start3A_5 = arith.constant 0 : i32
    %dma_start3A_6 = arith.constant 0 : i32
    %dma_start3A_7 = tpu.memref_slice %arg2[%dma_start3A_5, %dma_start3A_6] : memref<2048x768xf32, #tpu.memory_space<hbm>> -> memref<2048x768xf32, #tpu.memory_space<hbm>>
    tpu.enqueue_indirect_dma source(%dma_start3A_7 : memref<2048x768xf32, #tpu.memory_space<hbm>>) target(%arg6 : memref<64x768xf32, #tpu.memory_space<vmem>>) offsets(%dma_start3A : memref<64xi32, #tpu.memory_space<vmem>>) semaphore(%arg8 : memref<!tpu.dma_semaphore, #tpu.memory_space<semaphore_mem>>)
    %scan3A = arith.constant 0 : i32
    %scan3A_8 = arith.constant 0 : i32
    %scan3A_9 = arith.constant 14 : i32
    %scan3A_10 = arith.addi %scan3A_8, %scan3A_9 : i32
    %scan3A_11 = arith.constant 1 : i32
    scf.for %scan3A_13 = %scan3A_8 to %scan3A_10 step %scan3A_11  : i32 {
      %mul3A_14 = arith.constant 2 : i32
      %mul3A_15 = arith.muli %mul3A_14, %scan3A_13 : i32
      %multiple_of3A_16 = tpu.assume_multiple %mul3A_15, 2 : i32
      %add3A_17 = arith.constant 1 : i32
      %add3A_18 = arith.addi %multiple_of3A_16, %add3A_17 : i32
      %mul3A_19 = arith.constant 64 : i32
      %mul3A_20 = arith.muli %add3A_18, %mul3A_19 : i32
      %multiple_of3A_21 = tpu.assume_multiple %mul3A_20, 64 : i32
      %dma_start3A_22 = tpu.memref_slice %arg5[%multiple_of3A_21] : memref<1792xi32, #tpu.memory_space<vmem>> -> memref<64xi32, #tpu.memory_space<vmem>>
      %dma_start3A_23 = arith.constant 0 : i32
      %dma_start3A_24 = arith.constant 0 : i32
      %dma_start3A_25 = tpu.memref_slice %arg2[%dma_start3A_23, %dma_start3A_24] : memref<2048x768xf32, #tpu.memory_space<hbm>> -> memref<2048x768xf32, #tpu.memory_space<hbm>>
      tpu.enqueue_indirect_dma source(%dma_start3A_25 : memref<2048x768xf32, #tpu.memory_space<hbm>>) target(%arg7 : memref<64x768xf32, #tpu.memory_space<vmem>>) offsets(%dma_start3A_22 : memref<64xi32, #tpu.memory_space<vmem>>) semaphore(%arg9 : memref<!tpu.dma_semaphore, #tpu.memory_space<semaphore_mem>>)
      %mul3A_26 = arith.constant 64 : i32
      %mul3A_27 = arith.muli %multiple_of3A_16, %mul3A_26 : i32
      %multiple_of3A_28 = tpu.assume_multiple %mul3A_27, 64 : i32
      %dma_wait3A = tpu.memref_slice %arg5[%multiple_of3A_28] : memref<1792xi32, #tpu.memory_space<vmem>> -> memref<64xi32, #tpu.memory_space<vmem>>
      %dma_wait3A_29 = arith.constant 0 : i32
      %dma_wait3A_30 = arith.constant 0 : i32
      %dma_wait3A_31 = tpu.memref_slice %arg2[%dma_wait3A_29, %dma_wait3A_30] : memref<2048x768xf32, #tpu.memory_space<hbm>> -> memref<2048x768xf32, #tpu.memory_space<hbm>>
      tpu.wait_indirect_dma semaphore(%arg8 : memref<!tpu.dma_semaphore, #tpu.memory_space<semaphore_mem>>) src(%dma_wait3A_31 : memref<2048x768xf32, #tpu.memory_space<hbm>>) dst(%arg6 : memref<64x768xf32, #tpu.memory_space<vmem>>)
      %mul3A_32 = arith.constant 64 : i32
      %mul3A_33 = arith.muli %multiple_of3A_16, %mul3A_32 : i32
      %multiple_of3A_34 = tpu.assume_multiple %mul3A_33, 64 : i32
      %add3A_35 = arith.addi %multiple_of3A, %multiple_of3A_34 : i32
      "tpu.region"() ({
        %run_scoped3A = tpu.sem_alloc : memref<!tpu.dma_semaphore, #tpu.memory_space<semaphore_mem>>
        %dma_start3A_53 = arith.constant 0 : i32
        %dma_start3A_54 = tpu.memref_slice %arg4[%add3A_35, %dma_start3A_53] : memref<57344x768xf32, #tpu.memory_space<hbm>> -> memref<64x768xf32, #tpu.memory_space<hbm>>
        %dma_start3A_55 = arith.constant 0 : i32
        %dma_start3A_56 = tpu.memref_slice %arg4[%add3A_35, %dma_start3A_55] : memref<57344x768xf32, #tpu.memory_space<hbm>> -> memref<64x768xf32, #tpu.memory_space<hbm>>
        tpu.enqueue_dma source(%arg6 : memref<64x768xf32, #tpu.memory_space<vmem>>) target(%dma_start3A_56 : memref<64x768xf32, #tpu.memory_space<hbm>>) target_semaphore(%run_scoped3A : memref<!tpu.dma_semaphore, #tpu.memory_space<semaphore_mem>>)
        %dma_wait3A_57 = arith.constant 0 : i32
        %dma_wait3A_58 = tpu.memref_slice %arg4[%add3A_35, %dma_wait3A_57] : memref<57344x768xf32, #tpu.memory_space<hbm>> -> memref<64x768xf32, #tpu.memory_space<hbm>>
        %dma_wait3A_59 = arith.constant 0 : i32
        %dma_wait3A_60 = tpu.memref_slice %arg4[%add3A_35, %dma_wait3A_59] : memref<57344x768xf32, #tpu.memory_space<hbm>> -> memref<64x768xf32, #tpu.memory_space<hbm>>
        tpu.wait_dma2 semaphore(%run_scoped3A : memref<!tpu.dma_semaphore, #tpu.memory_space<semaphore_mem>>) src(%arg6 : memref<64x768xf32, #tpu.memory_space<vmem>>) dst(%dma_wait3A_60 : memref<64x768xf32, #tpu.memory_space<hbm>>)
        tpu.yield
      }) : () -> ()
      %lt3A = arith.constant 13 : i32
      %lt3A_36 = arith.cmpi slt, %scan3A_13, %lt3A : i32
      %convert_element_type3A = arith.extui %lt3A_36 : i1 to i32
      %cond3A = arith.constant 0 : i32
      %cond3A_37 = arith.cmpi ne, %convert_element_type3A, %cond3A : i32
      scf.if %cond3A_37 {
        %add3A_53 = arith.constant 2 : i32
        %add3A_54 = arith.addi %multiple_of3A_16, %add3A_53 : i32
        %mul3A_55 = arith.constant 64 : i32
        %mul3A_56 = arith.muli %add3A_54, %mul3A_55 : i32
        %multiple_of3A_57 = tpu.assume_multiple %mul3A_56, 64 : i32
        %dma_start3A_58 = tpu.memref_slice %arg5[%multiple_of3A_57] : memref<1792xi32, #tpu.memory_space<vmem>> -> memref<64xi32, #tpu.memory_space<vmem>>
        %dma_start3A_59 = arith.constant 0 : i32
        %dma_start3A_60 = arith.constant 0 : i32
        %dma_start3A_61 = tpu.memref_slice %arg2[%dma_start3A_59, %dma_start3A_60] : memref<2048x768xf32, #tpu.memory_space<hbm>> -> memref<2048x768xf32, #tpu.memory_space<hbm>>
        tpu.enqueue_indirect_dma source(%dma_start3A_61 : memref<2048x768xf32, #tpu.memory_space<hbm>>) target(%arg6 : memref<64x768xf32, #tpu.memory_space<vmem>>) offsets(%dma_start3A_58 : memref<64xi32, #tpu.memory_space<vmem>>) semaphore(%arg8 : memref<!tpu.dma_semaphore, #tpu.memory_space<semaphore_mem>>)
      } else {
      }
      %add3A_38 = arith.constant 1 : i32
      %add3A_39 = arith.addi %multiple_of3A_16, %add3A_38 : i32
      %mul3A_40 = arith.constant 64 : i32
      %mul3A_41 = arith.muli %add3A_39, %mul3A_40 : i32
      %multiple_of3A_42 = tpu.assume_multiple %mul3A_41, 64 : i32
      %dma_wait3A_43 = tpu.memref_slice %arg5[%multiple_of3A_42] : memref<1792xi32, #tpu.memory_space<vmem>> -> memref<64xi32, #tpu.memory_space<vmem>>
      %dma_wait3A_44 = arith.constant 0 : i32
      %dma_wait3A_45 = arith.constant 0 : i32
      %dma_wait3A_46 = tpu.memref_slice %arg2[%dma_wait3A_44, %dma_wait3A_45] : memref<2048x768xf32, #tpu.memory_space<hbm>> -> memref<2048x768xf32, #tpu.memory_space<hbm>>
      tpu.wait_indirect_dma semaphore(%arg9 : memref<!tpu.dma_semaphore, #tpu.memory_space<semaphore_mem>>) src(%dma_wait3A_46 : memref<2048x768xf32, #tpu.memory_space<hbm>>) dst(%arg7 : memref<64x768xf32, #tpu.memory_space<vmem>>)
      %add3A_47 = arith.constant 1 : i32
      %add3A_48 = arith.addi %multiple_of3A_16, %add3A_47 : i32
      %mul3A_49 = arith.constant 64 : i32
      %mul3A_50 = arith.muli %add3A_48, %mul3A_49 : i32
      %multiple_of3A_51 = tpu.assume_multiple %mul3A_50, 64 : i32
      %add3A_52 = arith.addi %multiple_of3A, %multiple_of3A_51 : i32
      "tpu.region"() ({
        %run_scoped3A = tpu.sem_alloc : memref<!tpu.dma_semaphore, #tpu.memory_space<semaphore_mem>>
        %dma_start3A_53 = arith.constant 0 : i32
        %dma_start3A_54 = tpu.memref_slice %arg4[%add3A_52, %dma_start3A_53] : memref<57344x768xf32, #tpu.memory_space<hbm>> -> memref<64x768xf32, #tpu.memory_space<hbm>>
        %dma_start3A_55 = arith.constant 0 : i32
        %dma_start3A_56 = tpu.memref_slice %arg4[%add3A_52, %dma_start3A_55] : memref<57344x768xf32, #tpu.memory_space<hbm>> -> memref<64x768xf32, #tpu.memory_space<hbm>>
        tpu.enqueue_dma source(%arg7 : memref<64x768xf32, #tpu.memory_space<vmem>>) target(%dma_start3A_56 : memref<64x768xf32, #tpu.memory_space<hbm>>) target_semaphore(%run_scoped3A : memref<!tpu.dma_semaphore, #tpu.memory_space<semaphore_mem>>)
        %dma_wait3A_57 = arith.constant 0 : i32
        %dma_wait3A_58 = tpu.memref_slice %arg4[%add3A_52, %dma_wait3A_57] : memref<57344x768xf32, #tpu.memory_space<hbm>> -> memref<64x768xf32, #tpu.memory_space<hbm>>
        %dma_wait3A_59 = arith.constant 0 : i32
        %dma_wait3A_60 = tpu.memref_slice %arg4[%add3A_52, %dma_wait3A_59] : memref<57344x768xf32, #tpu.memory_space<hbm>> -> memref<64x768xf32, #tpu.memory_space<hbm>>
        tpu.wait_dma2 semaphore(%run_scoped3A : memref<!tpu.dma_semaphore, #tpu.memory_space<semaphore_mem>>) src(%arg7 : memref<64x768xf32, #tpu.memory_space<vmem>>) dst(%dma_wait3A_60 : memref<64x768xf32, #tpu.memory_space<hbm>>)
        tpu.yield
      }) : () -> ()
    }
    %scan3A_12 = arith.constant 14 : i32
    return
  }
}

module attributes {stable_mosaic.version = 14 : i64} {
  func.func @_init_body(%arg0: i32, %arg1: memref<256x16xf32, #tpu.memory_space<vmem>>, %arg2: memref<16x128xf32, #tpu.memory_space<vmem>>, %arg3: memref<128x128xf32, #tpu.memory_space<vmem>>, %arg4: memref<128x384xf32, #tpu.memory_space<vmem>>, %arg5: memref<8x384xf32, #tpu.memory_space<vmem>>, %arg6: memref<256x128xf32, #tpu.memory_space<vmem>>, %arg7: memref<256x768xf32, #tpu.memory_space<vmem>>) attributes {dimension_semantics = [#tpu.dimension_semantics<arbitrary>], iteration_bounds = array<i64: 8>, scalar_prefetch = 0 : i64, scratch_operands = 0 : i64, tpu.core_type = #tpu.core_type<tc>, window_params = [{transform_indices = @transform_0, window_bounds = array<i64: 256, 16>}, {pipeline_mode = #tpu.pipeline_mode<synchronous>, transform_indices = @transform_1, window_bounds = array<i64: 16, 128>}, {pipeline_mode = #tpu.pipeline_mode<synchronous>, transform_indices = @transform_2, window_bounds = array<i64: 128, 128>}, {pipeline_mode = #tpu.pipeline_mode<synchronous>, transform_indices = @transform_3, window_bounds = array<i64: 128, 384>}, {pipeline_mode = #tpu.pipeline_mode<synchronous>, transform_indices = @transform_4, window_bounds = array<i64: 8, 384>}, {transform_indices = @transform_5, window_bounds = array<i64: 256, 128>}, {transform_indices = @transform_6, window_bounds = array<i64: 256, 768>}]} {
    %get3A = arith.constant 0 : index
    %get3A_0 = arith.constant 0 : index
    %get3A_1 = vector.load %arg1[%get3A, %get3A_0] : memref<256x16xf32, #tpu.memory_space<vmem>>, vector<256x16xf32>
    %get3A_2 = arith.constant 0 : index
    %get3A_3 = arith.constant 0 : index
    %get3A_4 = vector.load %arg2[%get3A_2, %get3A_3] : memref<16x128xf32, #tpu.memory_space<vmem>>, vector<16x128xf32>
    %dot_general3A = arith.constant dense<0.000000e+00> : vector<256x128xf32>
    %dot_general3A_5 = tpu.matmul %get3A_1, %get3A_4, %dot_general3A {dimension_numbers = #tpu.dot_dimension_numbers<[1], [0], [0], [1], [0, 0, 1, 1], [], []>, transpose_lhs_hint = false} : vector<256x16xf32>, vector<16x128xf32>, vector<256x128xf32> -> vector<256x128xf32>
    %get3A_6 = arith.constant 0 : index
    %get3A_7 = arith.constant 0 : index
    %get3A_8 = vector.load %arg5[%get3A_6, %get3A_7] : memref<8x384xf32, #tpu.memory_space<vmem>>, vector<8x384xf32>
    %get3A_9 = arith.constant 0 : index
    %get3A_10 = arith.constant 0 : index
    %get3A_11 = vector.load %arg3[%get3A_9, %get3A_10] : memref<128x128xf32, #tpu.memory_space<vmem>>, vector<128x128xf32>
    %dot_general3A_12 = arith.constant dense<0.000000e+00> : vector<256x128xf32>
    %dot_general3A_13 = tpu.matmul %dot_general3A_5, %get3A_11, %dot_general3A_12 {dimension_numbers = #tpu.dot_dimension_numbers<[1], [0], [0], [1], [0, 0, 1, 1], [], []>, transpose_lhs_hint = false} : vector<256x128xf32>, vector<128x128xf32>, vector<256x128xf32> -> vector<256x128xf32>
    %slice3A = vector.extract_strided_slice %get3A_8 {offsets = [4, 0], sizes = [1, 128], strides = [1, 1]} : vector<8x384xf32> to vector<1x128xf32>
    %add3A = vector.broadcast %slice3A : vector<1x128xf32> to vector<256x128xf32>
    %add3A_14 = arith.addf %dot_general3A_13, %add3A : vector<256x128xf32>
    %logistic3A = arith.negf %add3A_14 : vector<256x128xf32>
    %logistic3A_15 = math.exp %logistic3A : vector<256x128xf32>
    %logistic3A_16 = arith.constant 1.000000e+00 : f32
    %logistic3A_17 = vector.broadcast %logistic3A_16 : f32 to vector<256x128xf32>
    %logistic3A_18 = arith.addf %logistic3A_17, %logistic3A_15 : vector<256x128xf32>
    %logistic3A_19 = arith.divf %logistic3A_17, %logistic3A_18 : vector<256x128xf32>
    %mul3A = arith.mulf %add3A_14, %logistic3A_19 : vector<256x128xf32>
    %get3A_20 = arith.constant 0 : index
    %get3A_21 = arith.constant 0 : index
    %get3A_22 = vector.load %arg4[%get3A_20, %get3A_21] : memref<128x384xf32, #tpu.memory_space<vmem>>, vector<128x384xf32>
    %dot_general3A_23 = arith.constant dense<0.000000e+00> : vector<256x384xf32>
    %dot_general3A_24 = tpu.matmul %mul3A, %get3A_22, %dot_general3A_23 {dimension_numbers = #tpu.dot_dimension_numbers<[1], [0], [0], [1], [0, 0, 1, 1], [], []>, transpose_lhs_hint = false} : vector<256x128xf32>, vector<128x384xf32>, vector<256x384xf32> -> vector<256x384xf32>
    %slice3A_25 = vector.extract_strided_slice %get3A_8 {offsets = [5, 0], sizes = [1, 384], strides = [1, 1]} : vector<8x384xf32> to vector<1x384xf32>
    %add3A_26 = vector.broadcast %slice3A_25 : vector<1x384xf32> to vector<256x384xf32>
    %add3A_27 = arith.addf %dot_general3A_24, %add3A_26 : vector<256x384xf32>
    %swap3A = arith.constant 0 : index
    %swap3A_28 = arith.constant 0 : index
    %swap3A_29 = vector.load %arg6[%swap3A, %swap3A_28] : memref<256x128xf32, #tpu.memory_space<vmem>>, vector<256x128xf32>
    tpu.vector_store %arg6[%swap3A, %swap3A_28], %dot_general3A_5 {strides = array<i32>} : memref<256x128xf32, #tpu.memory_space<vmem>>, vector<256x128xf32>,
    %broadcast_in_dim3A = arith.constant 0.000000e+00 : f32
    %broadcast_in_dim3A_30 = vector.broadcast %broadcast_in_dim3A : f32 to vector<256x384xf32>
    %concatenate3A = tpu.concatenate %add3A_27, %broadcast_in_dim3A_30 in 1 : vector<256x384xf32>, vector<256x384xf32> -> vector<256x768xf32>
    %swap3A_31 = arith.constant 0 : index
    %swap3A_32 = arith.constant 0 : index
    %swap3A_33 = vector.load %arg7[%swap3A_31, %swap3A_32] : memref<256x768xf32, #tpu.memory_space<vmem>>, vector<256x768xf32>
    tpu.vector_store %arg7[%swap3A_31, %swap3A_32], %concatenate3A {strides = array<i32>} : memref<256x768xf32, #tpu.memory_space<vmem>>, vector<256x768xf32>,
    return
  }
  func.func @transform_0(%arg0: i32) -> (i32, i32) {
    %c0_i32 = arith.constant 0 : i32
    %c0_i32_0 = arith.constant 0 : i32
    return %arg0, %c0_i32 : i32, i32
  }
  func.func @transform_1(%arg0: i32) -> (i32, i32) {
    %c0_i32 = arith.constant 0 : i32
    %c0_i32_0 = arith.constant 0 : i32
    %c0_i32_1 = arith.constant 0 : i32
    return %c0_i32, %c0_i32_0 : i32, i32
  }
  func.func @transform_2(%arg0: i32) -> (i32, i32) {
    %c0_i32 = arith.constant 0 : i32
    %c0_i32_0 = arith.constant 0 : i32
    %c0_i32_1 = arith.constant 0 : i32
    return %c0_i32, %c0_i32_0 : i32, i32
  }
  func.func @transform_3(%arg0: i32) -> (i32, i32) {
    %c0_i32 = arith.constant 0 : i32
    %c0_i32_0 = arith.constant 0 : i32
    %c0_i32_1 = arith.constant 0 : i32
    return %c0_i32, %c0_i32_0 : i32, i32
  }
  func.func @transform_4(%arg0: i32) -> (i32, i32) {
    %c0_i32 = arith.constant 0 : i32
    %c0_i32_0 = arith.constant 0 : i32
    %c0_i32_1 = arith.constant 0 : i32
    return %c0_i32, %c0_i32_0 : i32, i32
  }
  func.func @transform_5(%arg0: i32) -> (i32, i32) {
    %c0_i32 = arith.constant 0 : i32
    %c0_i32_0 = arith.constant 0 : i32
    return %arg0, %c0_i32 : i32, i32
  }
  func.func @transform_6(%arg0: i32) -> (i32, i32) {
    %c0_i32 = arith.constant 0 : i32
    %c0_i32_0 = arith.constant 0 : i32
    return %arg0, %c0_i32 : i32, i32
  }
}

module attributes {stable_mosaic.version = 14 : i64} {
  func.func @_edge_prep_body(%arg0: i32, %arg1: memref<8x512xf32, #tpu.memory_space<vmem>>, %arg2: memref<24x512xf32, #tpu.memory_space<vmem>>, %arg3: memref<24x384xf32, #tpu.memory_space<vmem>>, %arg4: memref<512x640xf32, #tpu.memory_space<vmem>>) attributes {dimension_semantics = [#tpu.dimension_semantics<arbitrary>], iteration_bounds = array<i64: 112>, scalar_prefetch = 0 : i64, scratch_operands = 0 : i64, tpu.core_type = #tpu.core_type<tc>, window_params = [{transform_indices = @transform_0, window_bounds = array<i64: 8, 512>}, {transform_indices = @transform_1, window_bounds = array<i64: 24, 512>}, {pipeline_mode = #tpu.pipeline_mode<synchronous>, transform_indices = @transform_2, window_bounds = array<i64: 24, 384>}, {transform_indices = @transform_3, window_bounds = array<i64: 512, 640>}]} {
    %get3A = arith.constant 0 : index
    %get3A_0 = arith.constant 0 : index
    %get3A_1 = vector.load %arg1[%get3A, %get3A_0] : memref<8x512xf32, #tpu.memory_space<vmem>>, vector<8x512xf32>
    %slice3A = vector.extract_strided_slice %get3A_1 {offsets = [4, 0], sizes = [1, 512], strides = [1, 1]} : vector<8x512xf32> to vector<1x512xf32>
    %iota3A = tpu.iota {dimensions = array<i32: 0>} : vector<24x512xi32>
    %get3A_2 = arith.constant 0 : index
    %get3A_3 = arith.constant 0 : index
    %get3A_4 = vector.load %arg2[%get3A_2, %get3A_3] : memref<24x512xf32, #tpu.memory_space<vmem>>, vector<24x512xf32>
    %lt3A = arith.constant 20 : i32
    %lt3A_5 = vector.broadcast %lt3A : i32 to vector<24x512xi32>
    %lt3A_6 = arith.cmpi slt, %iota3A, %lt3A_5 : vector<24x512xi32>
    %jit3A = arith.constant 0.000000e+00 : f32
    %broadcast_in_dim3A = vector.broadcast %jit3A : f32 to vector<24x512xf32>
    %select_n3A = arith.select %lt3A_6, %get3A_4, %broadcast_in_dim3A : vector<24x512xi1>, vector<24x512xf32>
    %eq3A = arith.constant 23 : i32
    %eq3A_7 = vector.broadcast %eq3A : i32 to vector<24x512xi32>
    %eq3A_8 = arith.cmpi eq, %iota3A, %eq3A_7 : vector<24x512xi32>
    %jit3A_9 = arith.constant 1.000000e+00 : f32
    %jit3A_10 = arith.constant 0.000000e+00 : f32
    %broadcast_in_dim3A_11 = vector.broadcast %jit3A_9 : f32 to vector<24x512xf32>
    %broadcast_in_dim3A_12 = vector.broadcast %jit3A_10 : f32 to vector<24x512xf32>
    %select_n3A_13 = arith.select %eq3A_8, %broadcast_in_dim3A_11, %broadcast_in_dim3A_12 : vector<24x512xi1>, vector<24x512xf32>
    %add3A = arith.addf %select_n3A, %select_n3A_13 : vector<24x512xf32>
    %mul3A = vector.broadcast %slice3A : vector<1x512xf32> to vector<24x512xf32>
    %mul3A_14 = arith.mulf %add3A, %mul3A : vector<24x512xf32>
    %get3A_15 = arith.constant 0 : index
    %get3A_16 = arith.constant 0 : index
    %get3A_17 = vector.load %arg3[%get3A_15, %get3A_16] : memref<24x384xf32, #tpu.memory_space<vmem>>, vector<24x384xf32>
    %slice3A_18 = vector.extract_strided_slice %get3A_17 {offsets = [0, 0], sizes = [24, 256], strides = [1, 1]} : vector<24x384xf32> to vector<24x256xf32>
    %dot_general3A = arith.constant dense<0.000000e+00> : vector<512x256xf32>
    %dot_general3A_19 = tpu.matmul %mul3A_14, %slice3A_18, %dot_general3A {dimension_numbers = #tpu.dot_dimension_numbers<[0], [0], [1], [1], [0, 1, 1, 1], [], []>, transpose_lhs_hint = false} : vector<24x512xf32>, vector<24x256xf32>, vector<512x256xf32> -> vector<512x256xf32>
    %slice3A_20 = vector.extract_strided_slice %get3A_17 {offsets = [0, 256], sizes = [24, 128], strides = [1, 1]} : vector<24x384xf32> to vector<24x128xf32>
    %slice3A_21 = vector.extract_strided_slice %get3A_1 {offsets = [0, 0], sizes = [1, 512], strides = [1, 1]} : vector<8x512xf32> to vector<1x512xf32>
    %mul3A_22 = vector.broadcast %slice3A_21 : vector<1x512xf32> to vector<24x512xf32>
    %mul3A_23 = arith.mulf %mul3A_14, %mul3A_22 : vector<24x512xf32>
    %dot_general3A_24 = arith.constant dense<0.000000e+00> : vector<512x128xf32>
    %dot_general3A_25 = tpu.matmul %mul3A_23, %slice3A_20, %dot_general3A_24 {dimension_numbers = #tpu.dot_dimension_numbers<[0], [0], [1], [1], [0, 1, 1, 1], [], []>, transpose_lhs_hint = false} : vector<24x512xf32>, vector<24x128xf32>, vector<512x128xf32> -> vector<512x128xf32>
    %slice3A_26 = vector.extract_strided_slice %get3A_1 {offsets = [1, 0], sizes = [1, 512], strides = [1, 1]} : vector<8x512xf32> to vector<1x512xf32>
    %mul3A_27 = vector.broadcast %slice3A_26 : vector<1x512xf32> to vector<24x512xf32>
    %mul3A_28 = arith.mulf %mul3A_14, %mul3A_27 : vector<24x512xf32>
    %dot_general3A_29 = arith.constant dense<0.000000e+00> : vector<512x128xf32>
    %dot_general3A_30 = tpu.matmul %mul3A_28, %slice3A_20, %dot_general3A_29 {dimension_numbers = #tpu.dot_dimension_numbers<[0], [0], [1], [1], [0, 1, 1, 1], [], []>, transpose_lhs_hint = false} : vector<24x512xf32>, vector<24x128xf32>, vector<512x128xf32> -> vector<512x128xf32>
    %slice3A_31 = vector.extract_strided_slice %get3A_1 {offsets = [2, 0], sizes = [1, 512], strides = [1, 1]} : vector<8x512xf32> to vector<1x512xf32>
    %mul3A_32 = vector.broadcast %slice3A_31 : vector<1x512xf32> to vector<24x512xf32>
    %mul3A_33 = arith.mulf %mul3A_14, %mul3A_32 : vector<24x512xf32>
    %dot_general3A_34 = arith.constant dense<0.000000e+00> : vector<512x128xf32>
    %dot_general3A_35 = tpu.matmul %mul3A_33, %slice3A_20, %dot_general3A_34 {dimension_numbers = #tpu.dot_dimension_numbers<[0], [0], [1], [1], [0, 1, 1, 1], [], []>, transpose_lhs_hint = false} : vector<24x512xf32>, vector<24x128xf32>, vector<512x128xf32> -> vector<512x128xf32>
    %concatenate3A = tpu.concatenate %dot_general3A_19, %dot_general3A_25, %dot_general3A_30, %dot_general3A_35 in 1 : vector<512x256xf32>, vector<512x128xf32>, vector<512x128xf32>, vector<512x128xf32> -> vector<512x640xf32>
    %swap3A = arith.constant 0 : index
    %swap3A_36 = arith.constant 0 : index
    %swap3A_37 = vector.load %arg4[%swap3A, %swap3A_36] : memref<512x640xf32, #tpu.memory_space<vmem>>, vector<512x640xf32>
    tpu.vector_store %arg4[%swap3A, %swap3A_36], %concatenate3A {strides = array<i32>} : memref<512x640xf32, #tpu.memory_space<vmem>>, vector<512x640xf32>,
    return
  }
  func.func @transform_0(%arg0: i32) -> (i32, i32) {
    %c0_i32 = arith.constant 0 : i32
    %c0_i32_0 = arith.constant 0 : i32
    return %c0_i32, %arg0 : i32, i32
  }
  func.func @transform_1(%arg0: i32) -> (i32, i32) {
    %c0_i32 = arith.constant 0 : i32
    %c0_i32_0 = arith.constant 0 : i32
    return %c0_i32, %arg0 : i32, i32
  }
  func.func @transform_2(%arg0: i32) -> (i32, i32) {
    %c0_i32 = arith.constant 0 : i32
    %c0_i32_0 = arith.constant 0 : i32
    %c0_i32_1 = arith.constant 0 : i32
    return %c0_i32, %c0_i32_0 : i32, i32
  }
  func.func @transform_3(%arg0: i32) -> (i32, i32) {
    %c0_i32 = arith.constant 0 : i32
    %c0_i32_0 = arith.constant 0 : i32
    return %arg0, %c0_i32 : i32, i32
  }
}

module attributes {stable_mosaic.version = 14 : i64} {
  func.func @_edge_seg1_body(%arg0: i32, %arg1: i32, %arg2: memref<256x256xf32, #tpu.memory_space<vmem>>, %arg3: memref<256x640xf32, #tpu.memory_space<vmem>>, %arg4: memref<1x1x256xi32, #tpu.memory_space<vmem>>, %arg5: memref<64x512xf32, #tpu.memory_space<vmem>>) attributes {dimension_semantics = [#tpu.dimension_semantics<arbitrary>, #tpu.dimension_semantics<arbitrary>], iteration_bounds = array<i64: 32, 7>, scalar_prefetch = 0 : i64, scratch_operands = 0 : i64, tpu.core_type = #tpu.core_type<tc>, window_params = [{transform_indices = @transform_0, window_bounds = array<i64: 256, 256>}, {transform_indices = @transform_1, window_bounds = array<i64: 256, 640>}, {transform_indices = @transform_2, window_bounds = array<i64: 1, 1, 256>}, {transform_indices = @transform_3, window_bounds = array<i64: 64, 512>}]} {
    %get3A = arith.constant 0 : index
    %get3A_0 = arith.constant 0 : index
    %get3A_1 = vector.load %arg2[%get3A, %get3A_0] : memref<256x256xf32, #tpu.memory_space<vmem>>, vector<256x256xf32>
    %get3A_2 = arith.constant 0 : index
    %get3A_3 = arith.constant 0 : index
    %get3A_4 = vector.load %arg3[%get3A_2, %get3A_3] : memref<256x640xf32, #tpu.memory_space<vmem>>, vector<256x640xf32>
    %slice3A = vector.extract_strided_slice %get3A_1 {offsets = [0, 0], sizes = [256, 128], strides = [1, 1]} : vector<256x256xf32> to vector<256x128xf32>
    %slice3A_5 = vector.extract_strided_slice %get3A_1 {offsets = [0, 128], sizes = [256, 128], strides = [1, 1]} : vector<256x256xf32> to vector<256x128xf32>
    %slice3A_6 = vector.extract_strided_slice %get3A_4 {offsets = [0, 128], sizes = [256, 128], strides = [1, 1]} : vector<256x640xf32> to vector<256x128xf32>
    %mul3A = arith.mulf %slice3A_6, %slice3A : vector<256x128xf32>
    %slice3A_7 = vector.extract_strided_slice %get3A_4 {offsets = [0, 256], sizes = [256, 128], strides = [1, 1]} : vector<256x640xf32> to vector<256x128xf32>
    %mul3A_8 = arith.mulf %slice3A_7, %slice3A_5 : vector<256x128xf32>
    %slice3A_9 = vector.extract_strided_slice %get3A_4 {offsets = [0, 384], sizes = [256, 128], strides = [1, 1]} : vector<256x640xf32> to vector<256x128xf32>
    %mul3A_10 = arith.mulf %slice3A_9, %slice3A_5 : vector<256x128xf32>
    %slice3A_11 = vector.extract_strided_slice %get3A_4 {offsets = [0, 512], sizes = [256, 128], strides = [1, 1]} : vector<256x640xf32> to vector<256x128xf32>
    %mul3A_12 = arith.mulf %slice3A_11, %slice3A_5 : vector<256x128xf32>
    %concatenate3A = tpu.concatenate %mul3A, %mul3A_8, %mul3A_10, %mul3A_12 in 1 : vector<256x128xf32>, vector<256x128xf32>, vector<256x128xf32>, vector<256x128xf32> -> vector<256x512xf32>
    %get3A_13 = arith.constant 0 : index
    %get3A_14 = arith.constant 0 : index
    %get3A_15 = arith.constant 0 : index
    %get3A_16 = vector.load %arg4[%get3A_13, %get3A_14, %get3A_15] : memref<1x1x256xi32, #tpu.memory_space<vmem>>, vector<1x1x256xi32>
    %get3A_17 = vector.shape_cast %get3A_16 : vector<1x1x256xi32> to vector<1x256xi32>
    %iota3A = tpu.iota {dimensions = array<i32: 0>} : vector<64x256xi32>
    %mul3A_18 = arith.constant 64 : i32
    %mul3A_19 = arith.muli %arg0, %mul3A_18 : i32
    %add3A = vector.broadcast %mul3A_19 : i32 to vector<64x256xi32>
    %add3A_20 = arith.addi %iota3A, %add3A : vector<64x256xi32>
    %eq3A = vector.broadcast %get3A_17 : vector<1x256xi32> to vector<64x256xi32>
    %eq3A_21 = arith.cmpi eq, %add3A_20, %eq3A : vector<64x256xi32>
    %convert_element_type3A = arith.extui %eq3A_21 : vector<64x256xi1> to vector<64x256xi32>
    %convert_element_type3A_22 = arith.sitofp %convert_element_type3A : vector<64x256xi32> to vector<64x256xf32>
    %dot_general3A = arith.constant dense<0.000000e+00> : vector<64x512xf32>
    %dot_general3A_23 = tpu.matmul %convert_element_type3A_22, %concatenate3A, %dot_general3A {dimension_numbers = #tpu.dot_dimension_numbers<[1], [0], [0], [1], [0, 0, 1, 1], [], []>, transpose_lhs_hint = false} : vector<64x256xf32>, vector<256x512xf32>, vector<64x512xf32> -> vector<64x512xf32>
    %eq3A_24 = arith.constant 0 : i32
    %eq3A_25 = arith.cmpi eq, %arg1, %eq3A_24 : i32
    %convert_element_type3A_26 = arith.extui %eq3A_25 : i1 to i32
    %cond3A = arith.constant 0 : i32
    %cond3A_27 = arith.cmpi ne, %convert_element_type3A_26, %cond3A : i32
    scf.if %cond3A_27 {
      %broadcast_in_dim3A = arith.constant 0.000000e+00 : f32
      %broadcast_in_dim3A_34 = vector.broadcast %broadcast_in_dim3A : f32 to vector<64x512xf32>
      %swap3A_35 = arith.constant 0 : index
      %swap3A_36 = arith.constant 0 : index
      %swap3A_37 = vector.load %arg5[%swap3A_35, %swap3A_36] : memref<64x512xf32, #tpu.memory_space<vmem>>, vector<64x512xf32>
      tpu.vector_store %arg5[%swap3A_35, %swap3A_36], %broadcast_in_dim3A_34 {strides = array<i32>} : memref<64x512xf32, #tpu.memory_space<vmem>>, vector<64x512xf32>,
    } else {
    }
    %get3A_28 = arith.constant 0 : index
    %get3A_29 = arith.constant 0 : index
    %get3A_30 = vector.load %arg5[%get3A_28, %get3A_29] : memref<64x512xf32, #tpu.memory_space<vmem>>, vector<64x512xf32>
    %add3A_31 = arith.addf %get3A_30, %dot_general3A_23 : vector<64x512xf32>
    %swap3A = arith.constant 0 : index
    %swap3A_32 = arith.constant 0 : index
    %swap3A_33 = vector.load %arg5[%swap3A, %swap3A_32] : memref<64x512xf32, #tpu.memory_space<vmem>>, vector<64x512xf32>
    tpu.vector_store %arg5[%swap3A, %swap3A_32], %add3A_31 {strides = array<i32>} : memref<64x512xf32, #tpu.memory_space<vmem>>, vector<64x512xf32>,
    return
  }
  func.func @transform_0(%arg0: i32, %arg1: i32) -> (i32, i32) {
    %mul3A = arith.constant 7 : i32
    %mul3A_0 = arith.muli %arg0, %mul3A : i32
    %add3A = arith.addi %mul3A_0, %arg1 : i32
    %c0_i32 = arith.constant 0 : i32
    %c0_i32_1 = arith.constant 0 : i32
    return %add3A, %c0_i32 : i32, i32
  }
  func.func @transform_1(%arg0: i32, %arg1: i32) -> (i32, i32) {
    %mul3A = arith.constant 7 : i32
    %mul3A_0 = arith.muli %arg0, %mul3A : i32
    %add3A = arith.addi %mul3A_0, %arg1 : i32
    %c0_i32 = arith.constant 0 : i32
    %c0_i32_1 = arith.constant 0 : i32
    return %add3A, %c0_i32 : i32, i32
  }
  func.func @transform_2(%arg0: i32, %arg1: i32) -> (i32, i32, i32) {
    %mul3A = arith.constant 7 : i32
    %mul3A_0 = arith.muli %arg0, %mul3A : i32
    %add3A = arith.addi %mul3A_0, %arg1 : i32
    %c0_i32 = arith.constant 0 : i32
    %c0_i32_1 = arith.constant 0 : i32
    %c0_i32_2 = arith.constant 0 : i32
    return %add3A, %c0_i32, %c0_i32_1 : i32, i32, i32
  }
  func.func @transform_3(%arg0: i32, %arg1: i32) -> (i32, i32) {
    %c0_i32 = arith.constant 0 : i32
    %c0_i32_0 = arith.constant 0 : i32
    return %arg0, %c0_i32 : i32, i32
  }
}

module attributes {stable_mosaic.version = 14 : i64} {
  func.func @_update_body(%arg0: i32, %arg1: memref<256x128xf32, #tpu.memory_space<vmem>>, %arg2: memref<256x768xf32, #tpu.memory_space<vmem>>, %arg3: memref<256x512xf32, #tpu.memory_space<vmem>>, %arg4: memref<128x128xf32, #tpu.memory_space<vmem>>, %arg5: memref<128x128xf32, #tpu.memory_space<vmem>>, %arg6: memref<256x128xf32, #tpu.memory_space<vmem>>, %arg7: memref<128x384xf32, #tpu.memory_space<vmem>>, %arg8: memref<128x128xf32, #tpu.memory_space<vmem>>, %arg9: memref<128x384xf32, #tpu.memory_space<vmem>>, %arg10: memref<8x384xf32, #tpu.memory_space<vmem>>, %arg11: memref<256x128xf32, #tpu.memory_space<vmem>>, %arg12: memref<256x768xf32, #tpu.memory_space<vmem>>) attributes {dimension_semantics = [#tpu.dimension_semantics<arbitrary>], iteration_bounds = array<i64: 8>, scalar_prefetch = 0 : i64, scratch_operands = 0 : i64, tpu.core_type = #tpu.core_type<tc>, window_params = [{transform_indices = @transform_0, window_bounds = array<i64: 256, 128>}, {transform_indices = @transform_1, window_bounds = array<i64: 256, 768>}, {transform_indices = @transform_2, window_bounds = array<i64: 256, 512>}, {pipeline_mode = #tpu.pipeline_mode<synchronous>, transform_indices = @transform_3, window_bounds = array<i64: 128, 128>}, {pipeline_mode = #tpu.pipeline_mode<synchronous>, transform_indices = @transform_4, window_bounds = array<i64: 128, 128>}, {pipeline_mode = #tpu.pipeline_mode<synchronous>, transform_indices = @transform_5, window_bounds = array<i64: 256, 128>}, {pipeline_mode = #tpu.pipeline_mode<synchronous>, transform_indices = @transform_6, window_bounds = array<i64: 128, 384>}, {pipeline_mode = #tpu.pipeline_mode<synchronous>, transform_indices = @transform_7, window_bounds = array<i64: 128, 128>}, {pipeline_mode = #tpu.pipeline_mode<synchronous>, transform_indices = @transform_8, window_bounds = array<i64: 128, 384>}, {pipeline_mode = #tpu.pipeline_mode<synchronous>, transform_indices = @transform_9, window_bounds = array<i64: 8, 384>}, {transform_indices = @transform_10, window_bounds = array<i64: 256, 128>}, {transform_indices = @transform_11, window_bounds = array<i64: 256, 768>}]} {
    %get3A = arith.constant 0 : index
    %get3A_0 = arith.constant 0 : index
    %get3A_1 = vector.load %arg3[%get3A, %get3A_0] : memref<256x512xf32, #tpu.memory_space<vmem>>, vector<256x512xf32>
    %get3A_2 = arith.constant 0 : index
    %get3A_3 = arith.constant 0 : index
    %get3A_4 = vector.load %arg10[%get3A_2, %get3A_3] : memref<8x384xf32, #tpu.memory_space<vmem>>, vector<8x384xf32>
    %get3A_5 = arith.constant 0 : index
    %get3A_6 = arith.constant 0 : index
    %get3A_7 = vector.load %arg2[%get3A_5, %get3A_6] : memref<256x768xf32, #tpu.memory_space<vmem>>, vector<256x768xf32>
    %get3A_8 = arith.constant 0 : index
    %get3A_9 = arith.constant 0 : index
    %get3A_10 = vector.load %arg1[%get3A_8, %get3A_9] : memref<256x128xf32, #tpu.memory_space<vmem>>, vector<256x128xf32>
    %slice3A = vector.extract_strided_slice %get3A_1 {offsets = [0, 0], sizes = [256, 128], strides = [1, 1]} : vector<256x512xf32> to vector<256x128xf32>
    %add3A = arith.addf %get3A_10, %slice3A : vector<256x128xf32>
    %slice3A_11 = vector.extract_strided_slice %get3A_7 {offsets = [0, 384], sizes = [256, 128], strides = [1, 1]} : vector<256x768xf32> to vector<256x128xf32>
    %slice3A_12 = vector.extract_strided_slice %get3A_1 {offsets = [0, 128], sizes = [256, 128], strides = [1, 1]} : vector<256x512xf32> to vector<256x128xf32>
    %add3A_13 = arith.addf %slice3A_11, %slice3A_12 : vector<256x128xf32>
    %slice3A_14 = vector.extract_strided_slice %get3A_7 {offsets = [0, 512], sizes = [256, 128], strides = [1, 1]} : vector<256x768xf32> to vector<256x128xf32>
    %slice3A_15 = vector.extract_strided_slice %get3A_1 {offsets = [0, 256], sizes = [256, 128], strides = [1, 1]} : vector<256x512xf32> to vector<256x128xf32>
    %add3A_16 = arith.addf %slice3A_14, %slice3A_15 : vector<256x128xf32>
    %slice3A_17 = vector.extract_strided_slice %get3A_7 {offsets = [0, 640], sizes = [256, 128], strides = [1, 1]} : vector<256x768xf32> to vector<256x128xf32>
    %slice3A_18 = vector.extract_strided_slice %get3A_1 {offsets = [0, 384], sizes = [256, 128], strides = [1, 1]} : vector<256x512xf32> to vector<256x128xf32>
    %add3A_19 = arith.addf %slice3A_17, %slice3A_18 : vector<256x128xf32>
    %get3A_20 = arith.constant 0 : index
    %get3A_21 = arith.constant 0 : index
    %get3A_22 = vector.load %arg4[%get3A_20, %get3A_21] : memref<128x128xf32, #tpu.memory_space<vmem>>, vector<128x128xf32>
    %get3A_23 = arith.constant 0 : index
    %get3A_24 = arith.constant 0 : index
    %get3A_25 = vector.load %arg5[%get3A_23, %get3A_24] : memref<128x128xf32, #tpu.memory_space<vmem>>, vector<128x128xf32>
    %dot_general3A = arith.constant dense<0.000000e+00> : vector<256x128xf32>
    %dot_general3A_26 = tpu.matmul %add3A_13, %get3A_22, %dot_general3A {dimension_numbers = #tpu.dot_dimension_numbers<[1], [0], [0], [1], [0, 0, 1, 1], [], []>, transpose_lhs_hint = false} : vector<256x128xf32>, vector<128x128xf32>, vector<256x128xf32> -> vector<256x128xf32>
    %slice3A_27 = vector.extract_strided_slice %get3A_4 {offsets = [0, 0], sizes = [1, 128], strides = [1, 1]} : vector<8x384xf32> to vector<1x128xf32>
    %add3A_28 = vector.broadcast %slice3A_27 : vector<1x128xf32> to vector<256x128xf32>
    %add3A_29 = arith.addf %dot_general3A_26, %add3A_28 : vector<256x128xf32>
    %dot_general3A_30 = arith.constant dense<0.000000e+00> : vector<256x128xf32>
    %dot_general3A_31 = tpu.matmul %add3A_16, %get3A_22, %dot_general3A_30 {dimension_numbers = #tpu.dot_dimension_numbers<[1], [0], [0], [1], [0, 0, 1, 1], [], []>, transpose_lhs_hint = false} : vector<256x128xf32>, vector<128x128xf32>, vector<256x128xf32> -> vector<256x128xf32>
    %slice3A_32 = vector.extract_strided_slice %get3A_4 {offsets = [0, 0], sizes = [1, 128], strides = [1, 1]} : vector<8x384xf32> to vector<1x128xf32>
    %add3A_33 = vector.broadcast %slice3A_32 : vector<1x128xf32> to vector<256x128xf32>
    %add3A_34 = arith.addf %dot_general3A_31, %add3A_33 : vector<256x128xf32>
    %dot_general3A_35 = arith.constant dense<0.000000e+00> : vector<256x128xf32>
    %dot_general3A_36 = tpu.matmul %add3A_19, %get3A_22, %dot_general3A_35 {dimension_numbers = #tpu.dot_dimension_numbers<[1], [0], [0], [1], [0, 0, 1, 1], [], []>, transpose_lhs_hint = false} : vector<256x128xf32>, vector<128x128xf32>, vector<256x128xf32> -> vector<256x128xf32>
    %slice3A_37 = vector.extract_strided_slice %get3A_4 {offsets = [0, 0], sizes = [1, 128], strides = [1, 1]} : vector<8x384xf32> to vector<1x128xf32>
    %add3A_38 = vector.broadcast %slice3A_37 : vector<1x128xf32> to vector<256x128xf32>
    %add3A_39 = arith.addf %dot_general3A_36, %add3A_38 : vector<256x128xf32>
    %dot_general3A_40 = arith.constant dense<0.000000e+00> : vector<256x128xf32>
    %dot_general3A_41 = tpu.matmul %add3A_29, %get3A_25, %dot_general3A_40 {dimension_numbers = #tpu.dot_dimension_numbers<[1], [0], [0], [1], [0, 0, 1, 1], [], []>, transpose_lhs_hint = false} : vector<256x128xf32>, vector<128x128xf32>, vector<256x128xf32> -> vector<256x128xf32>
    %slice3A_42 = vector.extract_strided_slice %get3A_4 {offsets = [1, 0], sizes = [1, 128], strides = [1, 1]} : vector<8x384xf32> to vector<1x128xf32>
    %add3A_43 = vector.broadcast %slice3A_42 : vector<1x128xf32> to vector<256x128xf32>
    %add3A_44 = arith.addf %dot_general3A_41, %add3A_43 : vector<256x128xf32>
    %dot_general3A_45 = arith.constant dense<0.000000e+00> : vector<256x128xf32>
    %dot_general3A_46 = tpu.matmul %add3A_34, %get3A_25, %dot_general3A_45 {dimension_numbers = #tpu.dot_dimension_numbers<[1], [0], [0], [1], [0, 0, 1, 1], [], []>, transpose_lhs_hint = false} : vector<256x128xf32>, vector<128x128xf32>, vector<256x128xf32> -> vector<256x128xf32>
    %slice3A_47 = vector.extract_strided_slice %get3A_4 {offsets = [1, 0], sizes = [1, 128], strides = [1, 1]} : vector<8x384xf32> to vector<1x128xf32>
    %add3A_48 = vector.broadcast %slice3A_47 : vector<1x128xf32> to vector<256x128xf32>
    %add3A_49 = arith.addf %dot_general3A_46, %add3A_48 : vector<256x128xf32>
    %dot_general3A_50 = arith.constant dense<0.000000e+00> : vector<256x128xf32>
    %dot_general3A_51 = tpu.matmul %add3A_39, %get3A_25, %dot_general3A_50 {dimension_numbers = #tpu.dot_dimension_numbers<[1], [0], [0], [1], [0, 0, 1, 1], [], []>, transpose_lhs_hint = false} : vector<256x128xf32>, vector<128x128xf32>, vector<256x128xf32> -> vector<256x128xf32>
    %slice3A_52 = vector.extract_strided_slice %get3A_4 {offsets = [1, 0], sizes = [1, 128], strides = [1, 1]} : vector<8x384xf32> to vector<1x128xf32>
    %add3A_53 = vector.broadcast %slice3A_52 : vector<1x128xf32> to vector<256x128xf32>
    %add3A_54 = arith.addf %dot_general3A_51, %add3A_53 : vector<256x128xf32>
    %mul3A = arith.mulf %add3A_29, %add3A_29 : vector<256x128xf32>
    %mul3A_55 = arith.mulf %add3A_34, %add3A_34 : vector<256x128xf32>
    %add3A_56 = arith.addf %mul3A, %mul3A_55 : vector<256x128xf32>
    %mul3A_57 = arith.mulf %add3A_39, %add3A_39 : vector<256x128xf32>
    %add3A_58 = arith.addf %add3A_56, %mul3A_57 : vector<256x128xf32>
    %sqrt3A = math.sqrt %add3A_58 : vector<256x128xf32>
    %get3A_59 = arith.constant 0 : index
    %get3A_60 = arith.constant 0 : index
    %get3A_61 = vector.load %arg6[%get3A_59, %get3A_60] : memref<256x128xf32, #tpu.memory_space<vmem>>, vector<256x128xf32>
    %slice3A_62 = vector.extract_strided_slice %get3A_61 {offsets = [0, 0], sizes = [128, 128], strides = [1, 1]} : vector<256x128xf32> to vector<128x128xf32>
    %dot_general3A_63 = arith.constant dense<0.000000e+00> : vector<256x128xf32>
    %dot_general3A_64 = tpu.matmul %sqrt3A, %slice3A_62, %dot_general3A_63 {dimension_numbers = #tpu.dot_dimension_numbers<[1], [0], [0], [1], [0, 0, 1, 1], [], []>, transpose_lhs_hint = false} : vector<256x128xf32>, vector<128x128xf32>, vector<256x128xf32> -> vector<256x128xf32>
    %slice3A_65 = vector.extract_strided_slice %get3A_61 {offsets = [128, 0], sizes = [128, 128], strides = [1, 1]} : vector<256x128xf32> to vector<128x128xf32>
    %dot_general3A_66 = arith.constant dense<0.000000e+00> : vector<256x128xf32>
    %dot_general3A_67 = tpu.matmul %add3A, %slice3A_65, %dot_general3A_66 {dimension_numbers = #tpu.dot_dimension_numbers<[1], [0], [0], [1], [0, 0, 1, 1], [], []>, transpose_lhs_hint = false} : vector<256x128xf32>, vector<128x128xf32>, vector<256x128xf32> -> vector<256x128xf32>
    %add3A_68 = arith.addf %dot_general3A_64, %dot_general3A_67 : vector<256x128xf32>
    %slice3A_69 = vector.extract_strided_slice %get3A_4 {offsets = [2, 0], sizes = [1, 128], strides = [1, 1]} : vector<8x384xf32> to vector<1x128xf32>
    %add3A_70 = vector.broadcast %slice3A_69 : vector<1x128xf32> to vector<256x128xf32>
    %add3A_71 = arith.addf %add3A_68, %add3A_70 : vector<256x128xf32>
    %logistic3A = arith.negf %add3A_71 : vector<256x128xf32>
    %logistic3A_72 = math.exp %logistic3A : vector<256x128xf32>
    %logistic3A_73 = arith.constant 1.000000e+00 : f32
    %logistic3A_74 = vector.broadcast %logistic3A_73 : f32 to vector<256x128xf32>
    %logistic3A_75 = arith.addf %logistic3A_74, %logistic3A_72 : vector<256x128xf32>
    %logistic3A_76 = arith.divf %logistic3A_74, %logistic3A_75 : vector<256x128xf32>
    %mul3A_77 = arith.mulf %add3A_71, %logistic3A_76 : vector<256x128xf32>
    %get3A_78 = arith.constant 0 : index
    %get3A_79 = arith.constant 0 : index
    %get3A_80 = vector.load %arg7[%get3A_78, %get3A_79] : memref<128x384xf32, #tpu.memory_space<vmem>>, vector<128x384xf32>
    %dot_general3A_81 = arith.constant dense<0.000000e+00> : vector<256x384xf32>
    %dot_general3A_82 = tpu.matmul %mul3A_77, %get3A_80, %dot_general3A_81 {dimension_numbers = #tpu.dot_dimension_numbers<[1], [0], [0], [1], [0, 0, 1, 1], [], []>, transpose_lhs_hint = false} : vector<256x128xf32>, vector<128x384xf32>, vector<256x384xf32> -> vector<256x384xf32>
    %slice3A_83 = vector.extract_strided_slice %get3A_4 {offsets = [3, 0], sizes = [1, 384], strides = [1, 1]} : vector<8x384xf32> to vector<1x384xf32>
    %add3A_84 = vector.broadcast %slice3A_83 : vector<1x384xf32> to vector<256x384xf32>
    %add3A_85 = arith.addf %dot_general3A_82, %add3A_84 : vector<256x384xf32>
    %slice3A_86 = vector.extract_strided_slice %add3A_85 {offsets = [0, 0], sizes = [256, 128], strides = [1, 1]} : vector<256x384xf32> to vector<256x128xf32>
    %slice3A_87 = vector.extract_strided_slice %add3A_85 {offsets = [0, 128], sizes = [256, 128], strides = [1, 1]} : vector<256x384xf32> to vector<256x128xf32>
    %slice3A_88 = vector.extract_strided_slice %add3A_85 {offsets = [0, 256], sizes = [256, 128], strides = [1, 1]} : vector<256x384xf32> to vector<256x128xf32>
    %mul3A_89 = arith.mulf %add3A_44, %slice3A_86 : vector<256x128xf32>
    %add3A_90 = arith.addf %add3A_13, %mul3A_89 : vector<256x128xf32>
    %mul3A_91 = arith.mulf %add3A_49, %slice3A_86 : vector<256x128xf32>
    %add3A_92 = arith.addf %add3A_16, %mul3A_91 : vector<256x128xf32>
    %mul3A_93 = arith.mulf %add3A_54, %slice3A_86 : vector<256x128xf32>
    %add3A_94 = arith.addf %add3A_19, %mul3A_93 : vector<256x128xf32>
    %mul3A_95 = arith.mulf %add3A_44, %add3A_29 : vector<256x128xf32>
    %mul3A_96 = arith.mulf %add3A_49, %add3A_34 : vector<256x128xf32>
    %add3A_97 = arith.addf %mul3A_95, %mul3A_96 : vector<256x128xf32>
    %mul3A_98 = arith.mulf %add3A_54, %add3A_39 : vector<256x128xf32>
    %add3A_99 = arith.addf %add3A_97, %mul3A_98 : vector<256x128xf32>
    %mul3A_100 = arith.mulf %add3A_99, %slice3A_87 : vector<256x128xf32>
    %add3A_101 = arith.addf %add3A, %mul3A_100 : vector<256x128xf32>
    %add3A_102 = arith.addf %add3A_101, %slice3A_88 : vector<256x128xf32>
    %get3A_103 = arith.constant 0 : index
    %get3A_104 = arith.constant 0 : index
    %get3A_105 = vector.load %arg8[%get3A_103, %get3A_104] : memref<128x128xf32, #tpu.memory_space<vmem>>, vector<128x128xf32>
    %dot_general3A_106 = arith.constant dense<0.000000e+00> : vector<256x128xf32>
    %dot_general3A_107 = tpu.matmul %add3A_102, %get3A_105, %dot_general3A_106 {dimension_numbers = #tpu.dot_dimension_numbers<[1], [0], [0], [1], [0, 0, 1, 1], [], []>, transpose_lhs_hint = false} : vector<256x128xf32>, vector<128x128xf32>, vector<256x128xf32> -> vector<256x128xf32>
    %slice3A_108 = vector.extract_strided_slice %get3A_4 {offsets = [4, 0], sizes = [1, 128], strides = [1, 1]} : vector<8x384xf32> to vector<1x128xf32>
    %add3A_109 = vector.broadcast %slice3A_108 : vector<1x128xf32> to vector<256x128xf32>
    %add3A_110 = arith.addf %dot_general3A_107, %add3A_109 : vector<256x128xf32>
    %logistic3A_111 = arith.negf %add3A_110 : vector<256x128xf32>
    %logistic3A_112 = math.exp %logistic3A_111 : vector<256x128xf32>
    %logistic3A_113 = arith.constant 1.000000e+00 : f32
    %logistic3A_114 = vector.broadcast %logistic3A_113 : f32 to vector<256x128xf32>
    %logistic3A_115 = arith.addf %logistic3A_114, %logistic3A_112 : vector<256x128xf32>
    %logistic3A_116 = arith.divf %logistic3A_114, %logistic3A_115 : vector<256x128xf32>
    %mul3A_117 = arith.mulf %add3A_110, %logistic3A_116 : vector<256x128xf32>
    %get3A_118 = arith.constant 0 : index
    %get3A_119 = arith.constant 0 : index
    %get3A_120 = vector.load %arg9[%get3A_118, %get3A_119] : memref<128x384xf32, #tpu.memory_space<vmem>>, vector<128x384xf32>
    %dot_general3A_121 = arith.constant dense<0.000000e+00> : vector<256x384xf32>
    %dot_general3A_122 = tpu.matmul %mul3A_117, %get3A_120, %dot_general3A_121 {dimension_numbers = #tpu.dot_dimension_numbers<[1], [0], [0], [1], [0, 0, 1, 1], [], []>, transpose_lhs_hint = false} : vector<256x128xf32>, vector<128x384xf32>, vector<256x384xf32> -> vector<256x384xf32>
    %slice3A_123 = vector.extract_strided_slice %get3A_4 {offsets = [5, 0], sizes = [1, 384], strides = [1, 1]} : vector<8x384xf32> to vector<1x384xf32>
    %add3A_124 = vector.broadcast %slice3A_123 : vector<1x384xf32> to vector<256x384xf32>
    %add3A_125 = arith.addf %dot_general3A_122, %add3A_124 : vector<256x384xf32>
    %swap3A = arith.constant 0 : index
    %swap3A_126 = arith.constant 0 : index
    %swap3A_127 = vector.load %arg11[%swap3A, %swap3A_126] : memref<256x128xf32, #tpu.memory_space<vmem>>, vector<256x128xf32>
    tpu.vector_store %arg11[%swap3A, %swap3A_126], %add3A_102 {strides = array<i32>} : memref<256x128xf32, #tpu.memory_space<vmem>>, vector<256x128xf32>,
    %concatenate3A = tpu.concatenate %add3A_125, %add3A_90, %add3A_92, %add3A_94 in 1 : vector<256x384xf32>, vector<256x128xf32>, vector<256x128xf32>, vector<256x128xf32> -> vector<256x768xf32>
    %swap3A_128 = arith.constant 0 : index
    %swap3A_129 = arith.constant 0 : index
    %swap3A_130 = vector.load %arg12[%swap3A_128, %swap3A_129] : memref<256x768xf32, #tpu.memory_space<vmem>>, vector<256x768xf32>
    tpu.vector_store %arg12[%swap3A_128, %swap3A_129], %concatenate3A {strides = array<i32>} : memref<256x768xf32, #tpu.memory_space<vmem>>, vector<256x768xf32>,
    return
  }
  func.func @transform_0(%arg0: i32) -> (i32, i32) {
    %c0_i32 = arith.constant 0 : i32
    %c0_i32_0 = arith.constant 0 : i32
    return %arg0, %c0_i32 : i32, i32
  }
  func.func @transform_1(%arg0: i32) -> (i32, i32) {
    %c0_i32 = arith.constant 0 : i32
    %c0_i32_0 = arith.constant 0 : i32
    return %arg0, %c0_i32 : i32, i32
  }
  func.func @transform_2(%arg0: i32) -> (i32, i32) {
    %c0_i32 = arith.constant 0 : i32
    %c0_i32_0 = arith.constant 0 : i32
    return %arg0, %c0_i32 : i32, i32
  }
  func.func @transform_3(%arg0: i32) -> (i32, i32) {
    %c0_i32 = arith.constant 0 : i32
    %c0_i32_0 = arith.constant 0 : i32
    %c0_i32_1 = arith.constant 0 : i32
    return %c0_i32, %c0_i32_0 : i32, i32
  }
  func.func @transform_4(%arg0: i32) -> (i32, i32) {
    %c0_i32 = arith.constant 0 : i32
    %c0_i32_0 = arith.constant 0 : i32
    %c0_i32_1 = arith.constant 0 : i32
    return %c0_i32, %c0_i32_0 : i32, i32
  }
  func.func @transform_5(%arg0: i32) -> (i32, i32) {
    %c0_i32 = arith.constant 0 : i32
    %c0_i32_0 = arith.constant 0 : i32
    %c0_i32_1 = arith.constant 0 : i32
    return %c0_i32, %c0_i32_0 : i32, i32
  }
  func.func @transform_6(%arg0: i32) -> (i32, i32) {
    %c0_i32 = arith.constant 0 : i32
    %c0_i32_0 = arith.constant 0 : i32
    %c0_i32_1 = arith.constant 0 : i32
    return %c0_i32, %c0_i32_0 : i32, i32
  }
  func.func @transform_7(%arg0: i32) -> (i32, i32) {
    %c0_i32 = arith.constant 0 : i32
    %c0_i32_0 = arith.constant 0 : i32
    %c0_i32_1 = arith.constant 0 : i32
    return %c0_i32, %c0_i32_0 : i32, i32
  }
  func.func @transform_8(%arg0: i32) -> (i32, i32) {
    %c0_i32 = arith.constant 0 : i32
    %c0_i32_0 = arith.constant 0 : i32
    %c0_i32_1 = arith.constant 0 : i32
    return %c0_i32, %c0_i32_0 : i32, i32
  }
  func.func @transform_9(%arg0: i32) -> (i32, i32) {
    %c0_i32 = arith.constant 0 : i32
    %c0_i32_0 = arith.constant 0 : i32
    %c0_i32_1 = arith.constant 0 : i32
    return %c0_i32, %c0_i32_0 : i32, i32
  }
  func.func @transform_10(%arg0: i32) -> (i32, i32) {
    %c0_i32 = arith.constant 0 : i32
    %c0_i32_0 = arith.constant 0 : i32
    return %arg0, %c0_i32 : i32, i32
  }
  func.func @transform_11(%arg0: i32) -> (i32, i32) {
    %c0_i32 = arith.constant 0 : i32
    %c0_i32_0 = arith.constant 0 : i32
    return %arg0, %c0_i32 : i32, i32
  }
}

module attributes {stable_mosaic.version = 14 : i64} {
  func.func @_edge_seg_body(%arg0: i32, %arg1: i32, %arg2: memref<256x768xf32, #tpu.memory_space<vmem>>, %arg3: memref<256x640xf32, #tpu.memory_space<vmem>>, %arg4: memref<1x1x256xi32, #tpu.memory_space<vmem>>, %arg5: memref<64x512xf32, #tpu.memory_space<vmem>>) attributes {dimension_semantics = [#tpu.dimension_semantics<arbitrary>, #tpu.dimension_semantics<arbitrary>], iteration_bounds = array<i64: 32, 7>, scalar_prefetch = 0 : i64, scratch_operands = 0 : i64, tpu.core_type = #tpu.core_type<tc>, window_params = [{transform_indices = @transform_0, window_bounds = array<i64: 256, 768>}, {transform_indices = @transform_1, window_bounds = array<i64: 256, 640>}, {transform_indices = @transform_2, window_bounds = array<i64: 1, 1, 256>}, {transform_indices = @transform_3, window_bounds = array<i64: 64, 512>}]} {
    %get3A = arith.constant 0 : index
    %get3A_0 = arith.constant 0 : index
    %get3A_1 = vector.load %arg2[%get3A, %get3A_0] : memref<256x768xf32, #tpu.memory_space<vmem>>, vector<256x768xf32>
    %get3A_2 = arith.constant 0 : index
    %get3A_3 = arith.constant 0 : index
    %get3A_4 = vector.load %arg3[%get3A_2, %get3A_3] : memref<256x640xf32, #tpu.memory_space<vmem>>, vector<256x640xf32>
    %slice3A = vector.extract_strided_slice %get3A_1 {offsets = [0, 0], sizes = [256, 128], strides = [1, 1]} : vector<256x768xf32> to vector<256x128xf32>
    %slice3A_5 = vector.extract_strided_slice %get3A_1 {offsets = [0, 128], sizes = [256, 128], strides = [1, 1]} : vector<256x768xf32> to vector<256x128xf32>
    %slice3A_6 = vector.extract_strided_slice %get3A_1 {offsets = [0, 256], sizes = [256, 128], strides = [1, 1]} : vector<256x768xf32> to vector<256x128xf32>
    %slice3A_7 = vector.extract_strided_slice %get3A_4 {offsets = [0, 0], sizes = [256, 128], strides = [1, 1]} : vector<256x640xf32> to vector<256x128xf32>
    %slice3A_8 = vector.extract_strided_slice %get3A_4 {offsets = [0, 128], sizes = [256, 128], strides = [1, 1]} : vector<256x640xf32> to vector<256x128xf32>
    %mul3A = arith.mulf %slice3A_8, %slice3A_5 : vector<256x128xf32>
    %mul3A_9 = arith.mulf %slice3A_7, %slice3A : vector<256x128xf32>
    %slice3A_10 = vector.extract_strided_slice %get3A_4 {offsets = [0, 256], sizes = [256, 128], strides = [1, 1]} : vector<256x640xf32> to vector<256x128xf32>
    %slice3A_11 = vector.extract_strided_slice %get3A_1 {offsets = [0, 384], sizes = [256, 128], strides = [1, 1]} : vector<256x768xf32> to vector<256x128xf32>
    %mul3A_12 = arith.mulf %slice3A_10, %slice3A_6 : vector<256x128xf32>
    %mul3A_13 = arith.mulf %mul3A_9, %slice3A_11 : vector<256x128xf32>
    %add3A = arith.addf %mul3A_12, %mul3A_13 : vector<256x128xf32>
    %slice3A_14 = vector.extract_strided_slice %get3A_4 {offsets = [0, 384], sizes = [256, 128], strides = [1, 1]} : vector<256x640xf32> to vector<256x128xf32>
    %slice3A_15 = vector.extract_strided_slice %get3A_1 {offsets = [0, 512], sizes = [256, 128], strides = [1, 1]} : vector<256x768xf32> to vector<256x128xf32>
    %mul3A_16 = arith.mulf %slice3A_14, %slice3A_6 : vector<256x128xf32>
    %mul3A_17 = arith.mulf %mul3A_9, %slice3A_15 : vector<256x128xf32>
    %add3A_18 = arith.addf %mul3A_16, %mul3A_17 : vector<256x128xf32>
    %slice3A_19 = vector.extract_strided_slice %get3A_4 {offsets = [0, 512], sizes = [256, 128], strides = [1, 1]} : vector<256x640xf32> to vector<256x128xf32>
    %slice3A_20 = vector.extract_strided_slice %get3A_1 {offsets = [0, 640], sizes = [256, 128], strides = [1, 1]} : vector<256x768xf32> to vector<256x128xf32>
    %mul3A_21 = arith.mulf %slice3A_19, %slice3A_6 : vector<256x128xf32>
    %mul3A_22 = arith.mulf %mul3A_9, %slice3A_20 : vector<256x128xf32>
    %add3A_23 = arith.addf %mul3A_21, %mul3A_22 : vector<256x128xf32>
    %concatenate3A = tpu.concatenate %mul3A, %add3A, %add3A_18, %add3A_23 in 1 : vector<256x128xf32>, vector<256x128xf32>, vector<256x128xf32>, vector<256x128xf32> -> vector<256x512xf32>
    %get3A_24 = arith.constant 0 : index
    %get3A_25 = arith.constant 0 : index
    %get3A_26 = arith.constant 0 : index
    %get3A_27 = vector.load %arg4[%get3A_24, %get3A_25, %get3A_26] : memref<1x1x256xi32, #tpu.memory_space<vmem>>, vector<1x1x256xi32>
    %get3A_28 = vector.shape_cast %get3A_27 : vector<1x1x256xi32> to vector<1x256xi32>
    %iota3A = tpu.iota {dimensions = array<i32: 0>} : vector<64x256xi32>
    %mul3A_29 = arith.constant 64 : i32
    %mul3A_30 = arith.muli %arg0, %mul3A_29 : i32
    %add3A_31 = vector.broadcast %mul3A_30 : i32 to vector<64x256xi32>
    %add3A_32 = arith.addi %iota3A, %add3A_31 : vector<64x256xi32>
    %eq3A = vector.broadcast %get3A_28 : vector<1x256xi32> to vector<64x256xi32>
    %eq3A_33 = arith.cmpi eq, %add3A_32, %eq3A : vector<64x256xi32>
    %convert_element_type3A = arith.extui %eq3A_33 : vector<64x256xi1> to vector<64x256xi32>
    %convert_element_type3A_34 = arith.sitofp %convert_element_type3A : vector<64x256xi32> to vector<64x256xf32>
    %dot_general3A = arith.constant dense<0.000000e+00> : vector<64x512xf32>
    %dot_general3A_35 = tpu.matmul %convert_element_type3A_34, %concatenate3A, %dot_general3A {dimension_numbers = #tpu.dot_dimension_numbers<[1], [0], [0], [1], [0, 0, 1, 1], [], []>, transpose_lhs_hint = false} : vector<64x256xf32>, vector<256x512xf32>, vector<64x512xf32> -> vector<64x512xf32>
    %eq3A_36 = arith.constant 0 : i32
    %eq3A_37 = arith.cmpi eq, %arg1, %eq3A_36 : i32
    %convert_element_type3A_38 = arith.extui %eq3A_37 : i1 to i32
    %cond3A = arith.constant 0 : i32
    %cond3A_39 = arith.cmpi ne, %convert_element_type3A_38, %cond3A : i32
    scf.if %cond3A_39 {
      %broadcast_in_dim3A = arith.constant 0.000000e+00 : f32
      %broadcast_in_dim3A_46 = vector.broadcast %broadcast_in_dim3A : f32 to vector<64x512xf32>
      %swap3A_47 = arith.constant 0 : index
      %swap3A_48 = arith.constant 0 : index
      %swap3A_49 = vector.load %arg5[%swap3A_47, %swap3A_48] : memref<64x512xf32, #tpu.memory_space<vmem>>, vector<64x512xf32>
      tpu.vector_store %arg5[%swap3A_47, %swap3A_48], %broadcast_in_dim3A_46 {strides = array<i32>} : memref<64x512xf32, #tpu.memory_space<vmem>>, vector<64x512xf32>,
    } else {
    }
    %get3A_40 = arith.constant 0 : index
    %get3A_41 = arith.constant 0 : index
    %get3A_42 = vector.load %arg5[%get3A_40, %get3A_41] : memref<64x512xf32, #tpu.memory_space<vmem>>, vector<64x512xf32>
    %add3A_43 = arith.addf %get3A_42, %dot_general3A_35 : vector<64x512xf32>
    %swap3A = arith.constant 0 : index
    %swap3A_44 = arith.constant 0 : index
    %swap3A_45 = vector.load %arg5[%swap3A, %swap3A_44] : memref<64x512xf32, #tpu.memory_space<vmem>>, vector<64x512xf32>
    tpu.vector_store %arg5[%swap3A, %swap3A_44], %add3A_43 {strides = array<i32>} : memref<64x512xf32, #tpu.memory_space<vmem>>, vector<64x512xf32>,
    return
  }
  func.func @transform_0(%arg0: i32, %arg1: i32) -> (i32, i32) {
    %mul3A = arith.constant 7 : i32
    %mul3A_0 = arith.muli %arg0, %mul3A : i32
    %add3A = arith.addi %mul3A_0, %arg1 : i32
    %c0_i32 = arith.constant 0 : i32
    %c0_i32_1 = arith.constant 0 : i32
    return %add3A, %c0_i32 : i32, i32
  }
  func.func @transform_1(%arg0: i32, %arg1: i32) -> (i32, i32) {
    %mul3A = arith.constant 7 : i32
    %mul3A_0 = arith.muli %arg0, %mul3A : i32
    %add3A = arith.addi %mul3A_0, %arg1 : i32
    %c0_i32 = arith.constant 0 : i32
    %c0_i32_1 = arith.constant 0 : i32
    return %add3A, %c0_i32 : i32, i32
  }
  func.func @transform_2(%arg0: i32, %arg1: i32) -> (i32, i32, i32) {
    %mul3A = arith.constant 7 : i32
    %mul3A_0 = arith.muli %arg0, %mul3A : i32
    %add3A = arith.addi %mul3A_0, %arg1 : i32
    %c0_i32 = arith.constant 0 : i32
    %c0_i32_1 = arith.constant 0 : i32
    %c0_i32_2 = arith.constant 0 : i32
    return %add3A, %c0_i32, %c0_i32_1 : i32, i32, i32
  }
  func.func @transform_3(%arg0: i32, %arg1: i32) -> (i32, i32) {
    %c0_i32 = arith.constant 0 : i32
    %c0_i32_0 = arith.constant 0 : i32
    return %arg0, %c0_i32 : i32, i32
  }
}

module attributes {stable_mosaic.version = 14 : i64} {
  func.func @_update_body(%arg0: i32, %arg1: memref<256x128xf32, #tpu.memory_space<vmem>>, %arg2: memref<256x768xf32, #tpu.memory_space<vmem>>, %arg3: memref<256x512xf32, #tpu.memory_space<vmem>>, %arg4: memref<128x128xf32, #tpu.memory_space<vmem>>, %arg5: memref<128x128xf32, #tpu.memory_space<vmem>>, %arg6: memref<256x128xf32, #tpu.memory_space<vmem>>, %arg7: memref<128x384xf32, #tpu.memory_space<vmem>>, %arg8: memref<128x128xf32, #tpu.memory_space<vmem>>, %arg9: memref<128x384xf32, #tpu.memory_space<vmem>>, %arg10: memref<8x384xf32, #tpu.memory_space<vmem>>, %arg11: memref<256x128xf32, #tpu.memory_space<vmem>>, %arg12: memref<256x768xf32, #tpu.memory_space<vmem>>) attributes {dimension_semantics = [#tpu.dimension_semantics<arbitrary>], iteration_bounds = array<i64: 8>, scalar_prefetch = 0 : i64, scratch_operands = 0 : i64, tpu.core_type = #tpu.core_type<tc>, window_params = [{transform_indices = @transform_0, window_bounds = array<i64: 256, 128>}, {transform_indices = @transform_1, window_bounds = array<i64: 256, 768>}, {transform_indices = @transform_2, window_bounds = array<i64: 256, 512>}, {pipeline_mode = #tpu.pipeline_mode<synchronous>, transform_indices = @transform_3, window_bounds = array<i64: 128, 128>}, {pipeline_mode = #tpu.pipeline_mode<synchronous>, transform_indices = @transform_4, window_bounds = array<i64: 128, 128>}, {pipeline_mode = #tpu.pipeline_mode<synchronous>, transform_indices = @transform_5, window_bounds = array<i64: 256, 128>}, {pipeline_mode = #tpu.pipeline_mode<synchronous>, transform_indices = @transform_6, window_bounds = array<i64: 128, 384>}, {pipeline_mode = #tpu.pipeline_mode<synchronous>, transform_indices = @transform_7, window_bounds = array<i64: 128, 128>}, {pipeline_mode = #tpu.pipeline_mode<synchronous>, transform_indices = @transform_8, window_bounds = array<i64: 128, 384>}, {pipeline_mode = #tpu.pipeline_mode<synchronous>, transform_indices = @transform_9, window_bounds = array<i64: 8, 384>}, {transform_indices = @transform_10, window_bounds = array<i64: 256, 128>}, {transform_indices = @transform_11, window_bounds = array<i64: 256, 768>}]} {
    %get3A = arith.constant 0 : index
    %get3A_0 = arith.constant 0 : index
    %get3A_1 = vector.load %arg3[%get3A, %get3A_0] : memref<256x512xf32, #tpu.memory_space<vmem>>, vector<256x512xf32>
    %get3A_2 = arith.constant 0 : index
    %get3A_3 = arith.constant 0 : index
    %get3A_4 = vector.load %arg10[%get3A_2, %get3A_3] : memref<8x384xf32, #tpu.memory_space<vmem>>, vector<8x384xf32>
    %get3A_5 = arith.constant 0 : index
    %get3A_6 = arith.constant 0 : index
    %get3A_7 = vector.load %arg2[%get3A_5, %get3A_6] : memref<256x768xf32, #tpu.memory_space<vmem>>, vector<256x768xf32>
    %get3A_8 = arith.constant 0 : index
    %get3A_9 = arith.constant 0 : index
    %get3A_10 = vector.load %arg1[%get3A_8, %get3A_9] : memref<256x128xf32, #tpu.memory_space<vmem>>, vector<256x128xf32>
    %slice3A = vector.extract_strided_slice %get3A_1 {offsets = [0, 0], sizes = [256, 128], strides = [1, 1]} : vector<256x512xf32> to vector<256x128xf32>
    %add3A = arith.addf %get3A_10, %slice3A : vector<256x128xf32>
    %slice3A_11 = vector.extract_strided_slice %get3A_7 {offsets = [0, 384], sizes = [256, 128], strides = [1, 1]} : vector<256x768xf32> to vector<256x128xf32>
    %slice3A_12 = vector.extract_strided_slice %get3A_1 {offsets = [0, 128], sizes = [256, 128], strides = [1, 1]} : vector<256x512xf32> to vector<256x128xf32>
    %add3A_13 = arith.addf %slice3A_11, %slice3A_12 : vector<256x128xf32>
    %slice3A_14 = vector.extract_strided_slice %get3A_7 {offsets = [0, 512], sizes = [256, 128], strides = [1, 1]} : vector<256x768xf32> to vector<256x128xf32>
    %slice3A_15 = vector.extract_strided_slice %get3A_1 {offsets = [0, 256], sizes = [256, 128], strides = [1, 1]} : vector<256x512xf32> to vector<256x128xf32>
    %add3A_16 = arith.addf %slice3A_14, %slice3A_15 : vector<256x128xf32>
    %slice3A_17 = vector.extract_strided_slice %get3A_7 {offsets = [0, 640], sizes = [256, 128], strides = [1, 1]} : vector<256x768xf32> to vector<256x128xf32>
    %slice3A_18 = vector.extract_strided_slice %get3A_1 {offsets = [0, 384], sizes = [256, 128], strides = [1, 1]} : vector<256x512xf32> to vector<256x128xf32>
    %add3A_19 = arith.addf %slice3A_17, %slice3A_18 : vector<256x128xf32>
    %get3A_20 = arith.constant 0 : index
    %get3A_21 = arith.constant 0 : index
    %get3A_22 = vector.load %arg4[%get3A_20, %get3A_21] : memref<128x128xf32, #tpu.memory_space<vmem>>, vector<128x128xf32>
    %get3A_23 = arith.constant 0 : index
    %get3A_24 = arith.constant 0 : index
    %get3A_25 = vector.load %arg5[%get3A_23, %get3A_24] : memref<128x128xf32, #tpu.memory_space<vmem>>, vector<128x128xf32>
    %dot_general3A = arith.constant dense<0.000000e+00> : vector<256x128xf32>
    %dot_general3A_26 = tpu.matmul %add3A_13, %get3A_22, %dot_general3A {dimension_numbers = #tpu.dot_dimension_numbers<[1], [0], [0], [1], [0, 0, 1, 1], [], []>, transpose_lhs_hint = false} : vector<256x128xf32>, vector<128x128xf32>, vector<256x128xf32> -> vector<256x128xf32>
    %slice3A_27 = vector.extract_strided_slice %get3A_4 {offsets = [0, 0], sizes = [1, 128], strides = [1, 1]} : vector<8x384xf32> to vector<1x128xf32>
    %add3A_28 = vector.broadcast %slice3A_27 : vector<1x128xf32> to vector<256x128xf32>
    %add3A_29 = arith.addf %dot_general3A_26, %add3A_28 : vector<256x128xf32>
    %dot_general3A_30 = arith.constant dense<0.000000e+00> : vector<256x128xf32>
    %dot_general3A_31 = tpu.matmul %add3A_16, %get3A_22, %dot_general3A_30 {dimension_numbers = #tpu.dot_dimension_numbers<[1], [0], [0], [1], [0, 0, 1, 1], [], []>, transpose_lhs_hint = false} : vector<256x128xf32>, vector<128x128xf32>, vector<256x128xf32> -> vector<256x128xf32>
    %slice3A_32 = vector.extract_strided_slice %get3A_4 {offsets = [0, 0], sizes = [1, 128], strides = [1, 1]} : vector<8x384xf32> to vector<1x128xf32>
    %add3A_33 = vector.broadcast %slice3A_32 : vector<1x128xf32> to vector<256x128xf32>
    %add3A_34 = arith.addf %dot_general3A_31, %add3A_33 : vector<256x128xf32>
    %dot_general3A_35 = arith.constant dense<0.000000e+00> : vector<256x128xf32>
    %dot_general3A_36 = tpu.matmul %add3A_19, %get3A_22, %dot_general3A_35 {dimension_numbers = #tpu.dot_dimension_numbers<[1], [0], [0], [1], [0, 0, 1, 1], [], []>, transpose_lhs_hint = false} : vector<256x128xf32>, vector<128x128xf32>, vector<256x128xf32> -> vector<256x128xf32>
    %slice3A_37 = vector.extract_strided_slice %get3A_4 {offsets = [0, 0], sizes = [1, 128], strides = [1, 1]} : vector<8x384xf32> to vector<1x128xf32>
    %add3A_38 = vector.broadcast %slice3A_37 : vector<1x128xf32> to vector<256x128xf32>
    %add3A_39 = arith.addf %dot_general3A_36, %add3A_38 : vector<256x128xf32>
    %dot_general3A_40 = arith.constant dense<0.000000e+00> : vector<256x128xf32>
    %dot_general3A_41 = tpu.matmul %add3A_29, %get3A_25, %dot_general3A_40 {dimension_numbers = #tpu.dot_dimension_numbers<[1], [0], [0], [1], [0, 0, 1, 1], [], []>, transpose_lhs_hint = false} : vector<256x128xf32>, vector<128x128xf32>, vector<256x128xf32> -> vector<256x128xf32>
    %slice3A_42 = vector.extract_strided_slice %get3A_4 {offsets = [1, 0], sizes = [1, 128], strides = [1, 1]} : vector<8x384xf32> to vector<1x128xf32>
    %add3A_43 = vector.broadcast %slice3A_42 : vector<1x128xf32> to vector<256x128xf32>
    %add3A_44 = arith.addf %dot_general3A_41, %add3A_43 : vector<256x128xf32>
    %dot_general3A_45 = arith.constant dense<0.000000e+00> : vector<256x128xf32>
    %dot_general3A_46 = tpu.matmul %add3A_34, %get3A_25, %dot_general3A_45 {dimension_numbers = #tpu.dot_dimension_numbers<[1], [0], [0], [1], [0, 0, 1, 1], [], []>, transpose_lhs_hint = false} : vector<256x128xf32>, vector<128x128xf32>, vector<256x128xf32> -> vector<256x128xf32>
    %slice3A_47 = vector.extract_strided_slice %get3A_4 {offsets = [1, 0], sizes = [1, 128], strides = [1, 1]} : vector<8x384xf32> to vector<1x128xf32>
    %add3A_48 = vector.broadcast %slice3A_47 : vector<1x128xf32> to vector<256x128xf32>
    %add3A_49 = arith.addf %dot_general3A_46, %add3A_48 : vector<256x128xf32>
    %dot_general3A_50 = arith.constant dense<0.000000e+00> : vector<256x128xf32>
    %dot_general3A_51 = tpu.matmul %add3A_39, %get3A_25, %dot_general3A_50 {dimension_numbers = #tpu.dot_dimension_numbers<[1], [0], [0], [1], [0, 0, 1, 1], [], []>, transpose_lhs_hint = false} : vector<256x128xf32>, vector<128x128xf32>, vector<256x128xf32> -> vector<256x128xf32>
    %slice3A_52 = vector.extract_strided_slice %get3A_4 {offsets = [1, 0], sizes = [1, 128], strides = [1, 1]} : vector<8x384xf32> to vector<1x128xf32>
    %add3A_53 = vector.broadcast %slice3A_52 : vector<1x128xf32> to vector<256x128xf32>
    %add3A_54 = arith.addf %dot_general3A_51, %add3A_53 : vector<256x128xf32>
    %mul3A = arith.mulf %add3A_29, %add3A_29 : vector<256x128xf32>
    %mul3A_55 = arith.mulf %add3A_34, %add3A_34 : vector<256x128xf32>
    %add3A_56 = arith.addf %mul3A, %mul3A_55 : vector<256x128xf32>
    %mul3A_57 = arith.mulf %add3A_39, %add3A_39 : vector<256x128xf32>
    %add3A_58 = arith.addf %add3A_56, %mul3A_57 : vector<256x128xf32>
    %sqrt3A = math.sqrt %add3A_58 : vector<256x128xf32>
    %get3A_59 = arith.constant 0 : index
    %get3A_60 = arith.constant 0 : index
    %get3A_61 = vector.load %arg6[%get3A_59, %get3A_60] : memref<256x128xf32, #tpu.memory_space<vmem>>, vector<256x128xf32>
    %slice3A_62 = vector.extract_strided_slice %get3A_61 {offsets = [0, 0], sizes = [128, 128], strides = [1, 1]} : vector<256x128xf32> to vector<128x128xf32>
    %dot_general3A_63 = arith.constant dense<0.000000e+00> : vector<256x128xf32>
    %dot_general3A_64 = tpu.matmul %sqrt3A, %slice3A_62, %dot_general3A_63 {dimension_numbers = #tpu.dot_dimension_numbers<[1], [0], [0], [1], [0, 0, 1, 1], [], []>, transpose_lhs_hint = false} : vector<256x128xf32>, vector<128x128xf32>, vector<256x128xf32> -> vector<256x128xf32>
    %slice3A_65 = vector.extract_strided_slice %get3A_61 {offsets = [128, 0], sizes = [128, 128], strides = [1, 1]} : vector<256x128xf32> to vector<128x128xf32>
    %dot_general3A_66 = arith.constant dense<0.000000e+00> : vector<256x128xf32>
    %dot_general3A_67 = tpu.matmul %add3A, %slice3A_65, %dot_general3A_66 {dimension_numbers = #tpu.dot_dimension_numbers<[1], [0], [0], [1], [0, 0, 1, 1], [], []>, transpose_lhs_hint = false} : vector<256x128xf32>, vector<128x128xf32>, vector<256x128xf32> -> vector<256x128xf32>
    %add3A_68 = arith.addf %dot_general3A_64, %dot_general3A_67 : vector<256x128xf32>
    %slice3A_69 = vector.extract_strided_slice %get3A_4 {offsets = [2, 0], sizes = [1, 128], strides = [1, 1]} : vector<8x384xf32> to vector<1x128xf32>
    %add3A_70 = vector.broadcast %slice3A_69 : vector<1x128xf32> to vector<256x128xf32>
    %add3A_71 = arith.addf %add3A_68, %add3A_70 : vector<256x128xf32>
    %logistic3A = arith.negf %add3A_71 : vector<256x128xf32>
    %logistic3A_72 = math.exp %logistic3A : vector<256x128xf32>
    %logistic3A_73 = arith.constant 1.000000e+00 : f32
    %logistic3A_74 = vector.broadcast %logistic3A_73 : f32 to vector<256x128xf32>
    %logistic3A_75 = arith.addf %logistic3A_74, %logistic3A_72 : vector<256x128xf32>
    %logistic3A_76 = arith.divf %logistic3A_74, %logistic3A_75 : vector<256x128xf32>
    %mul3A_77 = arith.mulf %add3A_71, %logistic3A_76 : vector<256x128xf32>
    %get3A_78 = arith.constant 0 : index
    %get3A_79 = arith.constant 0 : index
    %get3A_80 = vector.load %arg7[%get3A_78, %get3A_79] : memref<128x384xf32, #tpu.memory_space<vmem>>, vector<128x384xf32>
    %dot_general3A_81 = arith.constant dense<0.000000e+00> : vector<256x384xf32>
    %dot_general3A_82 = tpu.matmul %mul3A_77, %get3A_80, %dot_general3A_81 {dimension_numbers = #tpu.dot_dimension_numbers<[1], [0], [0], [1], [0, 0, 1, 1], [], []>, transpose_lhs_hint = false} : vector<256x128xf32>, vector<128x384xf32>, vector<256x384xf32> -> vector<256x384xf32>
    %slice3A_83 = vector.extract_strided_slice %get3A_4 {offsets = [3, 0], sizes = [1, 384], strides = [1, 1]} : vector<8x384xf32> to vector<1x384xf32>
    %add3A_84 = vector.broadcast %slice3A_83 : vector<1x384xf32> to vector<256x384xf32>
    %add3A_85 = arith.addf %dot_general3A_82, %add3A_84 : vector<256x384xf32>
    %slice3A_86 = vector.extract_strided_slice %add3A_85 {offsets = [0, 0], sizes = [256, 128], strides = [1, 1]} : vector<256x384xf32> to vector<256x128xf32>
    %slice3A_87 = vector.extract_strided_slice %add3A_85 {offsets = [0, 128], sizes = [256, 128], strides = [1, 1]} : vector<256x384xf32> to vector<256x128xf32>
    %slice3A_88 = vector.extract_strided_slice %add3A_85 {offsets = [0, 256], sizes = [256, 128], strides = [1, 1]} : vector<256x384xf32> to vector<256x128xf32>
    %mul3A_89 = arith.mulf %add3A_44, %slice3A_86 : vector<256x128xf32>
    %add3A_90 = arith.addf %add3A_13, %mul3A_89 : vector<256x128xf32>
    %mul3A_91 = arith.mulf %add3A_49, %slice3A_86 : vector<256x128xf32>
    %add3A_92 = arith.addf %add3A_16, %mul3A_91 : vector<256x128xf32>
    %mul3A_93 = arith.mulf %add3A_54, %slice3A_86 : vector<256x128xf32>
    %add3A_94 = arith.addf %add3A_19, %mul3A_93 : vector<256x128xf32>
    %mul3A_95 = arith.mulf %add3A_44, %add3A_29 : vector<256x128xf32>
    %mul3A_96 = arith.mulf %add3A_49, %add3A_34 : vector<256x128xf32>
    %add3A_97 = arith.addf %mul3A_95, %mul3A_96 : vector<256x128xf32>
    %mul3A_98 = arith.mulf %add3A_54, %add3A_39 : vector<256x128xf32>
    %add3A_99 = arith.addf %add3A_97, %mul3A_98 : vector<256x128xf32>
    %mul3A_100 = arith.mulf %add3A_99, %slice3A_87 : vector<256x128xf32>
    %add3A_101 = arith.addf %add3A, %mul3A_100 : vector<256x128xf32>
    %add3A_102 = arith.addf %add3A_101, %slice3A_88 : vector<256x128xf32>
    %get3A_103 = arith.constant 0 : index
    %get3A_104 = arith.constant 0 : index
    %get3A_105 = vector.load %arg8[%get3A_103, %get3A_104] : memref<128x128xf32, #tpu.memory_space<vmem>>, vector<128x128xf32>
    %dot_general3A_106 = arith.constant dense<0.000000e+00> : vector<256x128xf32>
    %dot_general3A_107 = tpu.matmul %add3A_102, %get3A_105, %dot_general3A_106 {dimension_numbers = #tpu.dot_dimension_numbers<[1], [0], [0], [1], [0, 0, 1, 1], [], []>, transpose_lhs_hint = false} : vector<256x128xf32>, vector<128x128xf32>, vector<256x128xf32> -> vector<256x128xf32>
    %slice3A_108 = vector.extract_strided_slice %get3A_4 {offsets = [4, 0], sizes = [1, 128], strides = [1, 1]} : vector<8x384xf32> to vector<1x128xf32>
    %add3A_109 = vector.broadcast %slice3A_108 : vector<1x128xf32> to vector<256x128xf32>
    %add3A_110 = arith.addf %dot_general3A_107, %add3A_109 : vector<256x128xf32>
    %logistic3A_111 = arith.negf %add3A_110 : vector<256x128xf32>
    %logistic3A_112 = math.exp %logistic3A_111 : vector<256x128xf32>
    %logistic3A_113 = arith.constant 1.000000e+00 : f32
    %logistic3A_114 = vector.broadcast %logistic3A_113 : f32 to vector<256x128xf32>
    %logistic3A_115 = arith.addf %logistic3A_114, %logistic3A_112 : vector<256x128xf32>
    %logistic3A_116 = arith.divf %logistic3A_114, %logistic3A_115 : vector<256x128xf32>
    %mul3A_117 = arith.mulf %add3A_110, %logistic3A_116 : vector<256x128xf32>
    %get3A_118 = arith.constant 0 : index
    %get3A_119 = arith.constant 0 : index
    %get3A_120 = vector.load %arg9[%get3A_118, %get3A_119] : memref<128x384xf32, #tpu.memory_space<vmem>>, vector<128x384xf32>
    %dot_general3A_121 = arith.constant dense<0.000000e+00> : vector<256x384xf32>
    %dot_general3A_122 = tpu.matmul %mul3A_117, %get3A_120, %dot_general3A_121 {dimension_numbers = #tpu.dot_dimension_numbers<[1], [0], [0], [1], [0, 0, 1, 1], [], []>, transpose_lhs_hint = false} : vector<256x128xf32>, vector<128x384xf32>, vector<256x384xf32> -> vector<256x384xf32>
    %slice3A_123 = vector.extract_strided_slice %get3A_4 {offsets = [5, 0], sizes = [1, 384], strides = [1, 1]} : vector<8x384xf32> to vector<1x384xf32>
    %add3A_124 = vector.broadcast %slice3A_123 : vector<1x384xf32> to vector<256x384xf32>
    %add3A_125 = arith.addf %dot_general3A_122, %add3A_124 : vector<256x384xf32>
    %swap3A = arith.constant 0 : index
    %swap3A_126 = arith.constant 0 : index
    %swap3A_127 = vector.load %arg11[%swap3A, %swap3A_126] : memref<256x128xf32, #tpu.memory_space<vmem>>, vector<256x128xf32>
    tpu.vector_store %arg11[%swap3A, %swap3A_126], %add3A_102 {strides = array<i32>} : memref<256x128xf32, #tpu.memory_space<vmem>>, vector<256x128xf32>,
    %concatenate3A = tpu.concatenate %add3A_125, %add3A_90, %add3A_92, %add3A_94 in 1 : vector<256x384xf32>, vector<256x128xf32>, vector<256x128xf32>, vector<256x128xf32> -> vector<256x768xf32>
    %swap3A_128 = arith.constant 0 : index
    %swap3A_129 = arith.constant 0 : index
    %swap3A_130 = vector.load %arg12[%swap3A_128, %swap3A_129] : memref<256x768xf32, #tpu.memory_space<vmem>>, vector<256x768xf32>
    tpu.vector_store %arg12[%swap3A_128, %swap3A_129], %concatenate3A {strides = array<i32>} : memref<256x768xf32, #tpu.memory_space<vmem>>, vector<256x768xf32>,
    return
  }
  func.func @transform_0(%arg0: i32) -> (i32, i32) {
    %c0_i32 = arith.constant 0 : i32
    %c0_i32_0 = arith.constant 0 : i32
    return %arg0, %c0_i32 : i32, i32
  }
  func.func @transform_1(%arg0: i32) -> (i32, i32) {
    %c0_i32 = arith.constant 0 : i32
    %c0_i32_0 = arith.constant 0 : i32
    return %arg0, %c0_i32 : i32, i32
  }
  func.func @transform_2(%arg0: i32) -> (i32, i32) {
    %c0_i32 = arith.constant 0 : i32
    %c0_i32_0 = arith.constant 0 : i32
    return %arg0, %c0_i32 : i32, i32
  }
  func.func @transform_3(%arg0: i32) -> (i32, i32) {
    %c0_i32 = arith.constant 0 : i32
    %c0_i32_0 = arith.constant 0 : i32
    %c0_i32_1 = arith.constant 0 : i32
    return %c0_i32, %c0_i32_0 : i32, i32
  }
  func.func @transform_4(%arg0: i32) -> (i32, i32) {
    %c0_i32 = arith.constant 0 : i32
    %c0_i32_0 = arith.constant 0 : i32
    %c0_i32_1 = arith.constant 0 : i32
    return %c0_i32, %c0_i32_0 : i32, i32
  }
  func.func @transform_5(%arg0: i32) -> (i32, i32) {
    %c0_i32 = arith.constant 0 : i32
    %c0_i32_0 = arith.constant 0 : i32
    %c0_i32_1 = arith.constant 0 : i32
    return %c0_i32, %c0_i32_0 : i32, i32
  }
  func.func @transform_6(%arg0: i32) -> (i32, i32) {
    %c0_i32 = arith.constant 0 : i32
    %c0_i32_0 = arith.constant 0 : i32
    %c0_i32_1 = arith.constant 0 : i32
    return %c0_i32, %c0_i32_0 : i32, i32
  }
  func.func @transform_7(%arg0: i32) -> (i32, i32) {
    %c0_i32 = arith.constant 0 : i32
    %c0_i32_0 = arith.constant 0 : i32
    %c0_i32_1 = arith.constant 0 : i32
    return %c0_i32, %c0_i32_0 : i32, i32
  }
  func.func @transform_8(%arg0: i32) -> (i32, i32) {
    %c0_i32 = arith.constant 0 : i32
    %c0_i32_0 = arith.constant 0 : i32
    %c0_i32_1 = arith.constant 0 : i32
    return %c0_i32, %c0_i32_0 : i32, i32
  }
  func.func @transform_9(%arg0: i32) -> (i32, i32) {
    %c0_i32 = arith.constant 0 : i32
    %c0_i32_0 = arith.constant 0 : i32
    %c0_i32_1 = arith.constant 0 : i32
    return %c0_i32, %c0_i32_0 : i32, i32
  }
  func.func @transform_10(%arg0: i32) -> (i32, i32) {
    %c0_i32 = arith.constant 0 : i32
    %c0_i32_0 = arith.constant 0 : i32
    return %arg0, %c0_i32 : i32, i32
  }
  func.func @transform_11(%arg0: i32) -> (i32, i32) {
    %c0_i32 = arith.constant 0 : i32
    %c0_i32_0 = arith.constant 0 : i32
    return %arg0, %c0_i32 : i32, i32
  }
}

module attributes {stable_mosaic.version = 14 : i64} {
  func.func @_readout_body(%arg0: i32, %arg1: memref<256x128xf32, #tpu.memory_space<vmem>>, %arg2: memref<128x128xf32, #tpu.memory_space<vmem>>, %arg3: memref<8x384xf32, #tpu.memory_space<vmem>>, %arg4: memref<128x128xf32, #tpu.memory_space<vmem>>, %arg5: memref<1x1xf32, #tpu.memory_space<vmem>>) attributes {dimension_semantics = [#tpu.dimension_semantics<arbitrary>], iteration_bounds = array<i64: 8>, scalar_prefetch = 0 : i64, scratch_operands = 0 : i64, tpu.core_type = #tpu.core_type<tc>, window_params = [{transform_indices = @transform_0, window_bounds = array<i64: 256, 128>}, {pipeline_mode = #tpu.pipeline_mode<synchronous>, transform_indices = @transform_1, window_bounds = array<i64: 128, 128>}, {pipeline_mode = #tpu.pipeline_mode<synchronous>, transform_indices = @transform_2, window_bounds = array<i64: 8, 384>}, {pipeline_mode = #tpu.pipeline_mode<synchronous>, transform_indices = @transform_3, window_bounds = array<i64: 128, 128>}, {pipeline_mode = #tpu.pipeline_mode<synchronous>, transform_indices = @transform_4, window_bounds = array<i64: 1, 1>}]} {
    %get3A = arith.constant 0 : index
    %get3A_0 = arith.constant 0 : index
    %get3A_1 = vector.load %arg1[%get3A, %get3A_0] : memref<256x128xf32, #tpu.memory_space<vmem>>, vector<256x128xf32>
    %get3A_2 = arith.constant 0 : index
    %get3A_3 = arith.constant 0 : index
    %get3A_4 = vector.load %arg2[%get3A_2, %get3A_3] : memref<128x128xf32, #tpu.memory_space<vmem>>, vector<128x128xf32>
    %dot_general3A = arith.constant dense<0.000000e+00> : vector<256x128xf32>
    %dot_general3A_5 = tpu.matmul %get3A_1, %get3A_4, %dot_general3A {dimension_numbers = #tpu.dot_dimension_numbers<[1], [0], [0], [1], [0, 0, 1, 1], [], []>, transpose_lhs_hint = false} : vector<256x128xf32>, vector<128x128xf32>, vector<256x128xf32> -> vector<256x128xf32>
    %get3A_6 = arith.constant 0 : index
    %get3A_7 = arith.constant 0 : index
    %get3A_8 = vector.load %arg3[%get3A_6, %get3A_7] : memref<8x384xf32, #tpu.memory_space<vmem>>, vector<8x384xf32>
    %slice3A = vector.extract_strided_slice %get3A_8 {offsets = [6, 0], sizes = [1, 128], strides = [1, 1]} : vector<8x384xf32> to vector<1x128xf32>
    %add3A = vector.broadcast %slice3A : vector<1x128xf32> to vector<256x128xf32>
    %add3A_9 = arith.addf %dot_general3A_5, %add3A : vector<256x128xf32>
    %logistic3A = arith.negf %add3A_9 : vector<256x128xf32>
    %logistic3A_10 = math.exp %logistic3A : vector<256x128xf32>
    %logistic3A_11 = arith.constant 1.000000e+00 : f32
    %logistic3A_12 = vector.broadcast %logistic3A_11 : f32 to vector<256x128xf32>
    %logistic3A_13 = arith.addf %logistic3A_12, %logistic3A_10 : vector<256x128xf32>
    %logistic3A_14 = arith.divf %logistic3A_12, %logistic3A_13 : vector<256x128xf32>
    %mul3A = arith.mulf %add3A_9, %logistic3A_14 : vector<256x128xf32>
    %get3A_15 = arith.constant 0 : index
    %get3A_16 = arith.constant 0 : index
    %get3A_17 = vector.load %arg4[%get3A_15, %get3A_16] : memref<128x128xf32, #tpu.memory_space<vmem>>, vector<128x128xf32>
    %dot_general3A_18 = arith.constant dense<0.000000e+00> : vector<256x128xf32>
    %dot_general3A_19 = tpu.matmul %mul3A, %get3A_17, %dot_general3A_18 {dimension_numbers = #tpu.dot_dimension_numbers<[1], [0], [0], [1], [0, 0, 1, 1], [], []>, transpose_lhs_hint = false} : vector<256x128xf32>, vector<128x128xf32>, vector<256x128xf32> -> vector<256x128xf32>
    %reduce_sum3A = vector.shape_cast %dot_general3A_19 : vector<256x128xf32> to vector<1x256x128xf32>
    %reduce_sum3A_20 = arith.constant dense<0.000000e+00> : vector<1xf32>
    %reduce_sum3A_21 = vector.multi_reduction <add>, %reduce_sum3A, %reduce_sum3A_20 [1, 2] : vector<1x256x128xf32> to vector<1xf32>
    %reduce_sum3A_22 = vector.shape_cast %reduce_sum3A_21 : vector<1xf32> to vector<1x1x1xf32>
    %reduce_sum3A_23 = vector.extract %reduce_sum3A_22[0, 0, 0] : f32 from vector<1x1x1xf32>
    %broadcast_in_dim3A = vector.broadcast %reduce_sum3A_23 : f32 to vector<1x1xf32>
    %eq3A = arith.constant 0 : i32
    %eq3A_24 = arith.cmpi eq, %arg0, %eq3A : i32
    %convert_element_type3A = arith.extui %eq3A_24 : i1 to i32
    %cond3A = arith.constant 0 : i32
    %cond3A_25 = arith.cmpi ne, %convert_element_type3A, %cond3A : i32
    scf.if %cond3A_25 {
      %broadcast_in_dim3A_32 = arith.constant 0.000000e+00 : f32
      %broadcast_in_dim3A_33 = vector.broadcast %broadcast_in_dim3A_32 : f32 to vector<1x1xf32>
      %swap3A_34 = arith.constant 0 : index
      %swap3A_35 = arith.constant 0 : index
      %swap3A_36 = vector.load %arg5[%swap3A_34, %swap3A_35] : memref<1x1xf32, #tpu.memory_space<vmem>>, vector<1x1xf32>
      tpu.vector_store %arg5[%swap3A_34, %swap3A_35], %broadcast_in_dim3A_33 {strides = array<i32>} : memref<1x1xf32, #tpu.memory_space<vmem>>, vector<1x1xf32>,
    } else {
    }
    %get3A_26 = arith.constant 0 : index
    %get3A_27 = arith.constant 0 : index
    %get3A_28 = vector.load %arg5[%get3A_26, %get3A_27] : memref<1x1xf32, #tpu.memory_space<vmem>>, vector<1x1xf32>
    %add3A_29 = arith.addf %get3A_28, %broadcast_in_dim3A : vector<1x1xf32>
    %swap3A = arith.constant 0 : index
    %swap3A_30 = arith.constant 0 : index
    %swap3A_31 = vector.load %arg5[%swap3A, %swap3A_30] : memref<1x1xf32, #tpu.memory_space<vmem>>, vector<1x1xf32>
    tpu.vector_store %arg5[%swap3A, %swap3A_30], %add3A_29 {strides = array<i32>} : memref<1x1xf32, #tpu.memory_space<vmem>>, vector<1x1xf32>,
    return
  }
  func.func @transform_0(%arg0: i32) -> (i32, i32) {
    %c0_i32 = arith.constant 0 : i32
    %c0_i32_0 = arith.constant 0 : i32
    return %arg0, %c0_i32 : i32, i32
  }
  func.func @transform_1(%arg0: i32) -> (i32, i32) {
    %c0_i32 = arith.constant 0 : i32
    %c0_i32_0 = arith.constant 0 : i32
    %c0_i32_1 = arith.constant 0 : i32
    return %c0_i32, %c0_i32_0 : i32, i32
  }
  func.func @transform_2(%arg0: i32) -> (i32, i32) {
    %c0_i32 = arith.constant 0 : i32
    %c0_i32_0 = arith.constant 0 : i32
    %c0_i32_1 = arith.constant 0 : i32
    return %c0_i32, %c0_i32_0 : i32, i32
  }
  func.func @transform_3(%arg0: i32) -> (i32, i32) {
    %c0_i32 = arith.constant 0 : i32
    %c0_i32_0 = arith.constant 0 : i32
    %c0_i32_1 = arith.constant 0 : i32
    return %c0_i32, %c0_i32_0 : i32, i32
  }
  func.func @transform_4(%arg0: i32) -> (i32, i32) {
    %c0_i32 = arith.constant 0 : i32
    %c0_i32_0 = arith.constant 0 : i32
    %c0_i32_1 = arith.constant 0 : i32
    return %c0_i32, %c0_i32_0 : i32, i32
  }
}

</mosaic_0001>

<sc_bundles>
// kernel: gather_offload_async_start.1
scs
__scs_entry_jumppad:
0x0: {  	(pc) =	sbr.rel $0x88, $3  }
0x1: {  	(tag) =	ssettag $0x0;
	lr =	simm.s32 $0x1  }
0x2: {  	[smem:$0x3F8C] =	sst lr;
	_ =	strace $0xD0000000  }
0x3: {  	_ = 	snop  }
0x4: {  	_ = 	snop  }
0x5: {  	_ = 	snop  }
0x6: {  	_ = 	snop  }
0x7: {  	_ = 	snop  }
__scs_overlays_trampoline_lowered:
0x8: {  	[smem:$0x3F9B] =	sst s0  }
0x9: {  	[smem:$0x3F9C] =	sst s1  }
0xa: {  	[smem:$0x3F9D] =	sst s2  }
0xb: {  	[smem:$0x3F9E] =	sst s3  }
0xc: {  	[smem:$0x3F9F] =	sst s4  }
0xd: {  	[smem:$0x3FA0] =	sst s5  }
0xe: {  	[smem:$0x3FA1] =	sst s6  }
0xf: {  	[smem:$0x3FA2] =	sst s7  }
0x10: {  	[smem:$0x3FA3] =	sst s8  }
0x11: {  	[smem:$0x3FA4] =	sst s9;
	s0 =	simm.s32 @!p0 $0x0  }
0x12: {  	s1 =	sld [smem:$0x3F8A];
	s0 =	simm.s32 @p0 $0x1  }
0x13: {  	[smem:$0x3FA5] =	sst s0;
	s0 =	simm.s32 @!p1 $0x0  }
0x14: {  	s2 =	sld [smem:$0x3F89];
	s0 =	simm.s32 @p1 $0x1  }
0x15: {  	[smem:$0x3FA6] =	sst s0;
	s0 =	simm.s32 @!p2 $0x0  }
0x16: {  	s3 =	sld [smem:$0x3FDB];
	s0 =	simm.s32 @p2 $0x1  }
0x17: {  	s4 =	simm.s32 $0x1BF5;
	[smem:$0x3FA8] =	sst s0  }
0x18: {  	s0 =	sld [smem:$0x3F8B];
	_ =	swait.ge [sflag:s4], $0x0  }
0x19: {  	s7 =	sld [smem:$0x3F8C]  }
0x1a: {  	s8 =	sadd.s32 $0xFFFFE003, lr  }
0x1b: {  	s9 =	sadd.s32 $0xFFFFFEF7, lr;
	s5 =	simm.s32 $0xFFFFFFFF;
	p2 =	slt.u32 s8, $0xFFFFF086  }
0x1c: {  	p1 =	slt.u32 s9, $0xF7A;
	s5 =	simm.s32 @!p2 $0x0  }
0x1d: {  	s5 =	simm.s32 @p1 $0x1;
	p0 =	seq.s32 s7, s2  }
0x1e: {  	s7 =	smul.u32 @!p0 $0xF7A, s2;
	p2 =	seq.s32 @!p0 s5, $0x0  }
0x1f: {  	s9 =	smul.u32 $0xF7A, s1;
	s8 =	simm.s32 @!p0 $0x1BF5;
	p2 =	por !p2, p0  }
0x20: {  	[sflag:s8] =	ssyncset.s32 @!p0 $0xFFFFF086;
	s6 =	sadd.s32 @!p0 s3, s7;
	s7 =	simm.s32 @!p0 $0x108  }
0x21: {  	s3 =	sadd.s32 s3, s9;
	s6 =	sadd.s32 @!p0 $0x88, s6;
	s7 =	simm.s32 @p2 $0x1082  }
0x22: {  	[simem:s7], [sflag:s8] =	dma.local @!p0 [hbm:s6], $0xF7A  }
0x23: {  	s9 =	sor.u32 $0xD0000000, s2;
	s6 =	simm.s32 $0x108;
	_ =	swait.ge @!p0 [sflag:s8], $0x0  }
0x24: {  	s3 =	sadd.s32 $0x88, s3;
	s6 =	simm.s32 @!p1 $0x1082;
	[sflag:s4] =	ssyncset.s32 $0xFFFFF086  }
0x25: {  	[simem:s6], [sflag:s4] =	dma.local [hbm:s3], $0xF7A  }
0x26: {  	[smem:$0x3F8C] =	sst s1;
	(tag) =	ssettag s2;
	_ =	strace s9  }
0x27: {  	s1 =	sld [smem:$0x3F9C]  }
0x28: {  	s2 =	sld [smem:$0x3F9D]  }
0x29: {  	s4 =	sld [smem:$0x3F9F]  }
0x2a: {  	p0 =	seq.s32 s5, $0x0;
	s5 =	sld [smem:$0x3FA0]  }
0x2b: {  	s6 =	sld [smem:$0x3FA1]  }
0x2c: {  	s7 =	sld [smem:$0x3FA2]  }
0x2d: {  	s3 =	simm.s32 $0x108;
	s8 =	sld [smem:$0x3FA3]  }
0x2e: {  	s3 =	simm.s32 @!p0 $0x1082;
	s9 =	sld [smem:$0x3FA4]  }
0x2f: {  	lr =	sadd.s32 s0, s3;
	s0 =	sld [smem:$0x3F9B]  }
0x30: {  	s3 =	sld [smem:$0x3F9E]  }
0x31: {  	[smem:$0x3FA7] =	sst s10  }
0x32: {  	s10 =	sld [smem:$0x3FA5];
	_ =	sdelay $0x3  }
0x33: {  	p0 =	seq.s32 s10, $0x1;
	s10 =	sld [smem:$0x3FA7];
	_ =	sdelay $0x3  }
0x34: {  	[smem:$0x3FA7] =	sst s10  }
0x35: {  	s10 =	sld [smem:$0x3FA6];
	_ =	sdelay $0x3  }
0x36: {  	p1 =	seq.s32 s10, $0x1;
	s10 =	sld [smem:$0x3FA7];
	_ =	sdelay $0x3  }
0x37: {  	[smem:$0x3FA7] =	sst s10  }
0x38: {  	s10 =	sld [smem:$0x3FA8]  }
0x39: {  	_ = 	snop;
	(pc) =	sbr.ind lr, $3  }
0x3a: {  	_ = 	snop  }
0x3b: {  	_ = 	snop  }
0x3c: {  	p2 =	seq.s32 s10, $0x1;
	s10 =	sld [smem:$0x3FA7]  }
0x3d: {  	_ =	shalt  }
0x3e: {  	_ =	shalt  }
0x3f: {  	_ =	shalt  }
0x40: {  	_ =	shalt  }
0x41: {  	_ =	shalt  }
0x42: {  	_ =	shalt  }
0x43: {  	_ =	shalt  }
0x44: {  	_ =	shalt  }
0x45: {  	_ =	shalt  }
0x46: {  	_ =	shalt  }
0x47: {  	_ =	shalt  }
0x48: {  	_ =	shalt  }
0x49: {  	_ =	shalt  }
0x4a: {  	_ =	shalt  }
0x4b: {  	_ =	shalt  }
0x4c: {  	_ =	shalt  }
0x4d: {  	_ =	shalt  }
0x4e: {  	_ =	shalt  }
0x4f: {  	_ =	shalt  }
0x50: {  	_ =	shalt  }
0x51: {  	_ =	shalt  }
0x52: {  	_ =	shalt  }
0x53: {  	_ =	shalt  }
0x54: {  	_ =	shalt  }
0x55: {  	_ =	shalt  }
0x56: {  	_ =	shalt  }
0x57: {  	_ =	shalt  }
0x58: {  	_ =	shalt  }
0x59: {  	_ =	shalt  }
0x5a: {  	_ =	shalt  }
0x5b: {  	_ =	shalt  }
0x5c: {  	_ =	shalt  }
0x5d: {  	_ =	shalt  }
0x5e: {  	_ =	shalt  }
0x5f: {  	_ =	shalt  }
0x60: {  	_ =	shalt  }
0x61: {  	_ =	shalt  }
0x62: {  	_ =	shalt  }
0x63: {  	_ =	shalt  }
0x64: {  	_ =	shalt  }
0x65: {  	_ =	shalt  }
0x66: {  	_ =	shalt  }
0x67: {  	_ =	shalt  }
0x68: {  	_ =	shalt  }
0x69: {  	_ =	shalt  }
0x6a: {  	_ =	shalt  }
0x6b: {  	_ =	shalt  }
0x6c: {  	_ =	shalt  }
0x6d: {  	_ =	shalt  }
0x6e: {  	_ =	shalt  }
0x6f: {  	_ =	shalt  }
0x70: {  	_ =	shalt  }
0x71: {  	_ =	shalt  }
0x72: {  	_ =	shalt  }
0x73: {  	_ =	shalt  }
0x74: {  	_ =	shalt  }
0x75: {  	_ =	shalt  }
0x76: {  	_ =	shalt  }
0x77: {  	_ =	shalt  }
0x78: {  	_ =	shalt  }
0x79: {  	_ =	shalt  }
0x7a: {  	_ =	shalt  }
0x7b: {  	_ =	shalt  }
0x7c: {  	_ =	shalt  }
0x7d: {  	_ =	shalt  }
0x7e: {  	_ =	shalt  }
0x7f: {  	_ =	shalt  }
0x80: {  	_ =	shalt  }
0x81: {  	_ =	shalt  }
0x82: {  	_ =	shalt  }
0x83: {  	_ =	shalt  }
0x84: {  	_ =	shalt  }
0x85: {  	_ =	shalt  }
0x86: {  	_ =	shalt  }
0x87: {  	_ =	shalt  }
.Lfunc_end0:
.L_simem_size_0:
called_computation.2_lowered:
.L_overlay_start_0:
0x88: {  	s2 =	sld [smem:$0x3FD9]  }
0x89: {  	s3 =	sld [smem:$0x3FFE];
	_ =	sdelay $0x1  }
0x8a: {  	s1 =	srdreg.scid  }
0x8b: {  	s0 =	sand.u32 $0x1, s1  }
0x8c: {  	s17 =	sshll.u32 s0, $0xA;
	s2 =	sadd.s32 s3, s2  }
0x8d: {  	s2 =	sadd.s32 s2, s17  }
0x8e: {  	[smem:$0x3FB3] =	sst s2  }
0x8f: {  	_ = 	snop  }
0x90: {  	s2 =	sld [smem:$0x3FC9];
	(tm) =	ssettm $0x1  }
0x91: {  	s18 =	sld [smem:$0x3FFB];
	_ =	sdelay $0x3  }
0x92: {  	_ =	strace s18  }
0x93: {  	s3 =	sld [smem:$0x3FFC];
	_ =	sdelay $0x3  }
0x94: {  	_ =	strace s3  }
0x95: {  	s3 =	sld [smem:$0x3FFD];
	_ =	sdelay $0x3  }
0x96: {  	_ =	strace s3  }
0x97: {  	_ =	strace $0x8FFFFFFF  }
0x98: {  	s19 =	sld [smem:$0x3FDB];
	_ =	sdelay $0x1  }
0x99: {  	s4 =	simm.s32 $_scs_section_size  }
0x9a: {  	s5 =	simm.s32 $_size__tile_overlayer_lowered;
	s6 =	simm.s32 $_tile_overlayer_lowered  }
0x9b: {  	s22 =	simm.s32 $0x1BFF;
	s21 =	sshll.u32 s6, $0x1;
	s3 =	sadd.s32 s4, s19  }
0x9c: {  	s7 =	simm.s32 $0x0;
	s20 =	sshll.u32 s5, $0x1;
	s5 =	sadd.s32 s21, s3  }
0x9d: {  	[timem:s7], [sflag:s22] =	dma.local [hbm:s5], s20  }
0x9e: {  	_ =	swait.ge [sflag:s22], s20  }
0x9f: {  	s4 =	ssub.s32 $0x0, s20;
	[sflag:s22] =	ssyncset.done $0x0  }
0xa0: {  	[sflag:s22] =	ssyncadd.s32 s4;
	_ =	sdelay $0x1  }
0xa1: {  	s23 =	simm.s32 $0x1B8B  }
0xa2: {  	_ =	swait.ge [sflag:s23], $0x1  }
0xa3: {  	[sflag:s23] =	ssyncset.done $0x0  }
0xa4: {  	s25 =	simm.s32 $0x1B8E;
	s24 =	sld [smem:$0x3FFE];
	[sflag:s23] =	ssyncadd.s32 $0xFFFFFFFF  }
0xa5: {  	s26 =	simm.s32 $execute0_lowered;
	[smem:$0x3FD2] =	sst s25  }
0xa6: {  	s5 =	sshll.u32 s26, $0x1;
	_ =	strace $0x80000046;
	[dreg:$0x1] =	wrdreg $0xFFFFFFFF  }
0xa7: {  	s28 =	simm.s32 $_size_execute0_lowered;
	s3 =	sadd.s32 s3, s5;
	[dreg:$0x0] =	wrdreg $0x0  }
0xa8: {  	s5 =	sshll.u32 s28, $0x1;
	[dreg:$0x2] =	wrdreg s3  }
0xa9: {  	[dreg:$0x3] =	wrdreg s5  }
0xaa: {  	[dreg:$0x4] =	wrdreg $0xC0  }
0xab: {  	_ =	task [dreg:s7], $0x5FFFF  }
0xac: {  	[dreg:$0x1] =	wrdreg $0xFFFFFFFF  }
0xad: {  	[dreg:$0x0] =	wrdreg $0x60  }
0xae: {  	[dreg:$0x2] =	wrdreg s2  }
0xaf: {  	[dreg:$0x3] =	wrdreg s24  }
0xb0: {  	[dreg:$0x4] =	wrdreg $0xA  }
0xb1: {  	_ =	task.clear_ibuf [dreg:s7], $0x5FFFF;
	_ =	strace $0x90000046  }
0xb2: {  	s29 =	simm.s32 $0xA;
	_ =	strace $0x80000048  }
0xb3: {  	_ =	swait.ge [sflag:s29], $0x1  }
0xb4: {  	[sflag:s29] =	ssyncadd.s32 $0xFFFFFFFF  }
0xb5: {  	_ =	strace $0x90000048  }
0xb6: {  	_ =	sfence  }
0xb7: {  	s30 =	sld [smem:$0x0];
	_ =	sdelay $0x2  }
0xb8: {  	s31 =	sshll.u32 s1, $0xD;
	s1 =	sshrl.u32 s1, $0x2  }
0xb9: {  	s3 =	sand.u32 $0x4000, s31;
	s1 =	sadd.s32 s1, s30  }
0xba: {  	s0 =	sor.u32 s3, s0;
	s1 =	sshll.u32 s1, $0x11  }
0xbb: {  	s0 =	sor.u32 s1, s0  }
0xbc: {  	s0 =	sadd.s32 $0x8F2B, s0  }
0xbd: {  	[sflag:s0] =	ssyncadd.remote.s32 $0x1  }
0xbe: {  	_ =	sfence.sel $0xFFFF  }
0xbf: {  	[dreg:$0x0] =	wrdreg $0xFFFFFFFF;
	(pc) =	sbr.abs _section_cstart, $3  }
0xc0: {  	[dreg:$0x1] =	wrdreg $0xFFFFFFFF  }
0xc1: {  	_ =	task.clear_ibuf [dreg:s7], $0x2FFFF;
	_ =	strace $0x9FFFFFFF  }
0xc2: {  	(tm) =	ssettm $0x7FFFFFFF  }
0xc3: {  	_ =	shalt  }
tec
execute0_lowered:
.L_overlay_start_1:
0x0: {  	(tag) =	ssettag $0x1  }
0x1: {  	s1 =	srdreg.scid;
	s2 =	rddreg [dreg:$0x0]  }
0x2: {  	s0 =	stileid.u32;
	s6 =	rddreg [dreg:$0x1];
	s1 =	sshll.u32 s1, $0x5  }
0x3: {  	s7 =	simm.s32 $0x1;
	s3 =	sshll.u32 s0, $0x6;
	s1 =	sand.u32 $0x20, s1  }
0x4: {  	s30 =	simm.s32 $0x2;
	s31 =	simm.s32 $0x3;
	s3 =	sor.u32 s3, s1  }
0x5: {  	s11 =	simm.s32 $0x0;
	s9 =	simm.s32 $0x0;
	s5 =	ssub.s32 $0x800, s3  }
0x6: {  	s4 =	sadd.s32 $0x8400, s6;
	s6 =	sadd.s32 $0x8600, s6;
	s8 =	sand.u32 $0x3E0, s5  }
0x7: {  	s1 =	rddreg [dreg:$0x2];
	_ =	strace $0x80000047;
	p0 =	sne.s32 s8, $0x0  }
0x8: {  	[sflag:s7] =	ssyncpa.u1 $0x0;
	s5 =	sshrl.u32 s5, $0xA;
	s7 =	simm.s32 @!p0 $0x0  }
0x9: {  	s10 =	smov.u32 s3;
	[sflag:s30] =	ssyncpa.u1 $0x0;
	s5 =	sadd.s32 s7, s5  }
0xa: {  	[sflag:s31] =	ssyncpa.u1 $0x0;
	s8 =	simm.s32 $0x0;
	s7 =	sadd.s32 $0x1, s5  }
.LBB2_1:
0xb: {  	p0 =	sge.u32 s9, s5  }
0xc: {  	s31 =	sadd.s32 $0xFFFFFFFF, s9;
	s12 =	sxor.u32 @!p0 $0xFFFFFFFF, s8;
	s13 =	sshrl.u32 @!p0 s10, $0x3  }
0xd: {  	s14 =	sand.u32 @!p0 $0x7, s10;
	s12 =	sand.u32 @!p0 $0x20, s12;
	s13 =	sadd.s32 @!p0 s4, s13  }
0xe: {  	[tilespmem:s12], [sflag:$0x2] =	stream.linear.gather @!p0 [hbm4b:s13+s14], $0x20, $0x38;
	[tilespmem:$0x80] =	vst v63  }
0xf: {  	p0 =	sge.u32 s31, s5  }
0x10: {  	s12 =	simm.s32 @!p0 $0x2  }
0x11: {  	_ =	swait.ge @!p0 [sflag:s12], $0x20  }
0x12: {  	[sflag:s12] =	ssyncset.done @!p0 $0x0  }
0x13: {  	[sflag:s12] =	ssyncadd.s32 @!p0 $0xFFFFFFE0;
	s12 =	sand.u32 @!p0 $0x20, s8  }
0x14: {  	(ifvalue) =	ssetifvalue @!p0 $0x7FFFFFFF;
	v0 =	vld.msk @!p0 [tilespmem:s12+$0x0 ss:$0x1], $0xffff;
	_ =	sdelay $0x4  }
0x15: {  	vm0 =	vgt.s32 @!p0 v0, $0x0  }
0x16: {  	v0 =	vnsel @!p0 vm0, $0x0, v0  }
0x17: {  	v0 =	vmin.u32 @!p0 v0, $0x7FF;
	_ =	sdelay $0x2  }
0x18: {  	s14 =	simm.s32 @!p0 $0x0  }
0x19: {  	s13 =	sor.u32 @!p0 $0x40, s12;
	(ifvalue) =	ssetifvalue @!p0 $0x7FFFFFFF;
	s15 =	sor.u32 @!p0 $0x10, s12;
	vm0 =	vmmov @!p0 $0xffff  }
0x1a: {  	[tilespmem:s13], [sflag:$0x1] =	stream.indirect_vreg.gather @!p0 [hbm4b:s2+s14], $0x1, v0, vm0, $0x4038;
	[tilespmem:$0x80] =	vst v63  }
0x1b: {  	v0 =	vld.msk @!p0 [tilespmem:s15+$0x0 ss:$0x1], $0xffff;
	_ =	sdelay $0x4  }
0x1c: {  	vm1 =	vgt.s32 @!p0 v0, $0x0  }
0x1d: {  	v0 =	vnsel @!p0 vm1, $0x0, v0  }
0x1e: {  	v0 =	vmin.u32 @!p0 v0, $0x7FF;
	_ =	sdelay $0x3  }
0x1f: {  	s12 =	sor.u32 @!p0 $0x50, s12;
	(ifvalue) =	ssetifvalue @!p0 $0x7FFFFFFF  }
0x20: {  	[tilespmem:s12], [sflag:$0x1] =	stream.indirect_vreg.gather @!p0 [hbm4b:s2+s14], $0x1, v0, vm0, $0x4038;
	[tilespmem:$0x80] =	vst v63  }
0x21: {  	s12 =	simm.s32 @!p0 $0x1  }
0x22: {  	_ =	swait.ge @!p0 [sflag:s12], $0x20  }
0x23: {  	s14 =	sshrl.u32 @!p0 s11, $0x3;
	[sflag:s12] =	ssyncset.done @!p0 $0x0  }
0x24: {  	s11 =	sand.u32 @!p0 $0x7, s11;
	[sflag:s12] =	ssyncadd.s32 @!p0 $0xFFFFFFE0;
	s12 =	sadd.s32 @!p0 s6, s14  }
0x25: {  	[hbm4b:s12+s11] =	stream.linear.scatter @!p0 [tilespmem:s13], [sflag:$0x3], $0x20, $0x38;
	[tilespmem:$0x80] =	vst v63  }
0x26: {  	s13 =	sadd.s32 $0x400, s10  }
0x27: {  	p1 =	sgt.s32 s13, $0x7FF  }
0x28: {  	s13 =	smov.u32 @p1 s3;
	p1 =	sne.s32 s9, s7  }
.Ltmp0:
0x29: {  	p0 =	slt.u32 s9, $0x2;
	(pc) =	sbr.rel @p1 .LBB2_1-.Ltmp0, $4  }
0x2a: {  	s12 =	simm.s32 @!p0 $0x3  }
0x2b: {  	_ =	swait.ge @!p0 [sflag:s12], $0x20  }
0x2c: {  	s8 =	sadd.s32 $0x20, s8;
	s11 =	smov.u32 s10;
	[sflag:s12] =	ssyncset.done @!p0 $0x0  }
0x2d: {  	s9 =	sadd.s32 $0x1, s9;
	s10 =	smov.u32 s13;
	[sflag:s12] =	ssyncadd.s32 @!p0 $0xFFFFFFE0  }
0x2e: {  	_ =	sfence.sel $0x180000  }
0x2f: {  	s2 =	simm.s32 $0x2;
	[bflag:$0x0] =	sbarrier.arrive $0xFFFF  }
0x30: {  	s30 =	simm.s32 $0x3;
	[sflag:s2] =	ssyncpa.u1 $0x1  }
0x31: {  	s31 =	simm.s32 $0x1;
	[sflag:s30] =	ssyncpa.u1 $0x1  }
0x32: {  	[sflag:s31] =	ssyncpa.u1 $0x1  }
0x33: {  	p0 =	sne.s32 s0, $0x0;
	_ =	strace $0x90000047  }
0x34: {  	s0 =	sadd.s32 @!p0 $0x100000, s1;
	[bflag:$0x2] =	sbarrier.arrive $0xFFFF  }
0x35: {  	[sflag:s0] =	ssyncadd.tile.s32 @!p0 $0x1;
	_ =	shalt  }
.Lfunc_end2:
_tile_overlayer_lowered:
.L_overlay_start_2:
0x36: {  	(tag) =	ssettag $0x2  }
0x37: {  	s0 =	rddreg [dreg:$0x0];
	s2 =	stileid.u32  }
0x38: {  	s1 =	rddreg [dreg:$0x1];
	p0 =	sne.s32 s2, $0x0  }
0x39: {  	s3 =	rddreg [dreg:$0x2];
	[bflag:$0x3] =	sbarrier.arrive $0xFFFF;
	s2 =	simm.s32 @!p0 $0x1C01  }
0x3a: {  	[timem:s3], [sflag:s2] =	dma.local @!p0 [hbm:s0], s1  }
0x3b: {  	s0 =	simm.s32 @!p0 $0x1  }
0x3c: {  	_ =	swait.ge @!p0 [sflag:s0], s1  }
0x3d: {  	s1 =	ssub.s32 @!p0 $0x0, s1;
	[sflag:s0] =	ssyncset.done @!p0 $0x0  }
0x3e: {  	[sflag:s0] =	ssyncadd.s32 @!p0 s1  }
0x3f: {  	[bflag:$0x3] =	sbarrier.arrive $0xFFFF  }
0x40: {  	_ =	shalt  }

// kernel: gather_offload_async_start
scs
__scs_entry_jumppad:
0x0: {  	(pc) =	sbr.rel $0x88, $3  }
0x1: {  	(tag) =	ssettag $0x0;
	lr =	simm.s32 $0x1  }
0x2: {  	[smem:$0x3F8C] =	sst lr;
	_ =	strace $0xD0000000  }
0x3: {  	_ = 	snop  }
0x4: {  	_ = 	snop  }
0x5: {  	_ = 	snop  }
0x6: {  	_ = 	snop  }
0x7: {  	_ = 	snop  }
__scs_overlays_trampoline_lowered:
0x8: {  	[smem:$0x3F9B] =	sst s0  }
0x9: {  	[smem:$0x3F9C] =	sst s1  }
0xa: {  	[smem:$0x3F9D] =	sst s2  }
0xb: {  	[smem:$0x3F9E] =	sst s3  }
0xc: {  	[smem:$0x3F9F] =	sst s4  }
0xd: {  	[smem:$0x3FA0] =	sst s5  }
0xe: {  	[smem:$0x3FA1] =	sst s6  }
0xf: {  	[smem:$0x3FA2] =	sst s7  }
0x10: {  	[smem:$0x3FA3] =	sst s8  }
0x11: {  	[smem:$0x3FA4] =	sst s9;
	s0 =	simm.s32 @!p0 $0x0  }
0x12: {  	s1 =	sld [smem:$0x3F8A];
	s0 =	simm.s32 @p0 $0x1  }
0x13: {  	[smem:$0x3FA5] =	sst s0;
	s0 =	simm.s32 @!p1 $0x0  }
0x14: {  	s2 =	sld [smem:$0x3F89];
	s0 =	simm.s32 @p1 $0x1  }
0x15: {  	[smem:$0x3FA6] =	sst s0;
	s0 =	simm.s32 @!p2 $0x0  }
0x16: {  	s3 =	sld [smem:$0x3FDB];
	s0 =	simm.s32 @p2 $0x1  }
0x17: {  	s4 =	simm.s32 $0x1BF5;
	[smem:$0x3FA8] =	sst s0  }
0x18: {  	s0 =	sld [smem:$0x3F8B];
	_ =	swait.ge [sflag:s4], $0x0  }
0x19: {  	s7 =	sld [smem:$0x3F8C]  }
0x1a: {  	s8 =	sadd.s32 $0xFFFFE003, lr  }
0x1b: {  	s9 =	sadd.s32 $0xFFFFFEF7, lr;
	s5 =	simm.s32 $0xFFFFFFFF;
	p2 =	slt.u32 s8, $0xFFFFF086  }
0x1c: {  	p1 =	slt.u32 s9, $0xF7A;
	s5 =	simm.s32 @!p2 $0x0  }
0x1d: {  	s5 =	simm.s32 @p1 $0x1;
	p0 =	seq.s32 s7, s2  }
0x1e: {  	s7 =	smul.u32 @!p0 $0xF7A, s2;
	p2 =	seq.s32 @!p0 s5, $0x0  }
0x1f: {  	s9 =	smul.u32 $0xF7A, s1;
	s8 =	simm.s32 @!p0 $0x1BF5;
	p2 =	por !p2, p0  }
0x20: {  	[sflag:s8] =	ssyncset.s32 @!p0 $0xFFFFF086;
	s6 =	sadd.s32 @!p0 s3, s7;
	s7 =	simm.s32 @!p0 $0x108  }
0x21: {  	s3 =	sadd.s32 s3, s9;
	s6 =	sadd.s32 @!p0 $0x88, s6;
	s7 =	simm.s32 @p2 $0x1082  }
0x22: {  	[simem:s7], [sflag:s8] =	dma.local @!p0 [hbm:s6], $0xF7A  }
0x23: {  	s9 =	sor.u32 $0xD0000000, s2;
	s6 =	simm.s32 $0x108;
	_ =	swait.ge @!p0 [sflag:s8], $0x0  }
0x24: {  	s3 =	sadd.s32 $0x88, s3;
	s6 =	simm.s32 @!p1 $0x1082;
	[sflag:s4] =	ssyncset.s32 $0xFFFFF086  }
0x25: {  	[simem:s6], [sflag:s4] =	dma.local [hbm:s3], $0xF7A  }
0x26: {  	[smem:$0x3F8C] =	sst s1;
	(tag) =	ssettag s2;
	_ =	strace s9  }
0x27: {  	s1 =	sld [smem:$0x3F9C]  }
0x28: {  	s2 =	sld [smem:$0x3F9D]  }
0x29: {  	s4 =	sld [smem:$0x3F9F]  }
0x2a: {  	p0 =	seq.s32 s5, $0x0;
	s5 =	sld [smem:$0x3FA0]  }
0x2b: {  	s6 =	sld [smem:$0x3FA1]  }
0x2c: {  	s7 =	sld [smem:$0x3FA2]  }
0x2d: {  	s3 =	simm.s32 $0x108;
	s8 =	sld [smem:$0x3FA3]  }
0x2e: {  	s3 =	simm.s32 @!p0 $0x1082;
	s9 =	sld [smem:$0x3FA4]  }
0x2f: {  	lr =	sadd.s32 s0, s3;
	s0 =	sld [smem:$0x3F9B]  }
0x30: {  	s3 =	sld [smem:$0x3F9E]  }
0x31: {  	[smem:$0x3FA7] =	sst s10  }
0x32: {  	s10 =	sld [smem:$0x3FA5];
	_ =	sdelay $0x3  }
0x33: {  	p0 =	seq.s32 s10, $0x1;
	s10 =	sld [smem:$0x3FA7];
	_ =	sdelay $0x3  }
0x34: {  	[smem:$0x3FA7] =	sst s10  }
0x35: {  	s10 =	sld [smem:$0x3FA6];
	_ =	sdelay $0x3  }
0x36: {  	p1 =	seq.s32 s10, $0x1;
	s10 =	sld [smem:$0x3FA7];
	_ =	sdelay $0x3  }
0x37: {  	[smem:$0x3FA7] =	sst s10  }
0x38: {  	s10 =	sld [smem:$0x3FA8]  }
0x39: {  	_ = 	snop;
	(pc) =	sbr.ind lr, $3  }
0x3a: {  	_ = 	snop  }
0x3b: {  	_ = 	snop  }
0x3c: {  	p2 =	seq.s32 s10, $0x1;
	s10 =	sld [smem:$0x3FA7]  }
0x3d: {  	_ =	shalt  }
0x3e: {  	_ =	shalt  }
0x3f: {  	_ =	shalt  }
0x40: {  	_ =	shalt  }
0x41: {  	_ =	shalt  }
0x42: {  	_ =	shalt  }
0x43: {  	_ =	shalt  }
0x44: {  	_ =	shalt  }
0x45: {  	_ =	shalt  }
0x46: {  	_ =	shalt  }
0x47: {  	_ =	shalt  }
0x48: {  	_ =	shalt  }
0x49: {  	_ =	shalt  }
0x4a: {  	_ =	shalt  }
0x4b: {  	_ =	shalt  }
0x4c: {  	_ =	shalt  }
0x4d: {  	_ =	shalt  }
0x4e: {  	_ =	shalt  }
0x4f: {  	_ =	shalt  }
0x50: {  	_ =	shalt  }
0x51: {  	_ =	shalt  }
0x52: {  	_ =	shalt  }
0x53: {  	_ =	shalt  }
0x54: {  	_ =	shalt  }
0x55: {  	_ =	shalt  }
0x56: {  	_ =	shalt  }
0x57: {  	_ =	shalt  }
0x58: {  	_ =	shalt  }
0x59: {  	_ =	shalt  }
0x5a: {  	_ =	shalt  }
0x5b: {  	_ =	shalt  }
0x5c: {  	_ =	shalt  }
0x5d: {  	_ =	shalt  }
0x5e: {  	_ =	shalt  }
0x5f: {  	_ =	shalt  }
0x60: {  	_ =	shalt  }
0x61: {  	_ =	shalt  }
0x62: {  	_ =	shalt  }
0x63: {  	_ =	shalt  }
0x64: {  	_ =	shalt  }
0x65: {  	_ =	shalt  }
0x66: {  	_ =	shalt  }
0x67: {  	_ =	shalt  }
0x68: {  	_ =	shalt  }
0x69: {  	_ =	shalt  }
0x6a: {  	_ =	shalt  }
0x6b: {  	_ =	shalt  }
0x6c: {  	_ =	shalt  }
0x6d: {  	_ =	shalt  }
0x6e: {  	_ =	shalt  }
0x6f: {  	_ =	shalt  }
0x70: {  	_ =	shalt  }
0x71: {  	_ =	shalt  }
0x72: {  	_ =	shalt  }
0x73: {  	_ =	shalt  }
0x74: {  	_ =	shalt  }
0x75: {  	_ =	shalt  }
0x76: {  	_ =	shalt  }
0x77: {  	_ =	shalt  }
0x78: {  	_ =	shalt  }
0x79: {  	_ =	shalt  }
0x7a: {  	_ =	shalt  }
0x7b: {  	_ =	shalt  }
0x7c: {  	_ =	shalt  }
0x7d: {  	_ =	shalt  }
0x7e: {  	_ =	shalt  }
0x7f: {  	_ =	shalt  }
0x80: {  	_ =	shalt  }
0x81: {  	_ =	shalt  }
0x82: {  	_ =	shalt  }
0x83: {  	_ =	shalt  }
0x84: {  	_ =	shalt  }
0x85: {  	_ =	shalt  }
0x86: {  	_ =	shalt  }
0x87: {  	_ =	shalt  }
.Lfunc_end0:
.L_simem_size_0:
called_computation.1_lowered:
.L_overlay_start_0:
0x88: {  	s2 =	sld [smem:$0x3FD9]  }
0x89: {  	s3 =	sld [smem:$0x3FFE];
	_ =	sdelay $0x1  }
0x8a: {  	s1 =	srdreg.scid  }
0x8b: {  	s0 =	sand.u32 $0x1, s1  }
0x8c: {  	s17 =	sshll.u32 s0, $0xA;
	s2 =	sadd.s32 s3, s2  }
0x8d: {  	s2 =	sadd.s32 s2, s17  }
0x8e: {  	[smem:$0x3FB3] =	sst s2  }
0x8f: {  	_ = 	snop  }
0x90: {  	(tm) =	ssettm $0x1  }
0x91: {  	s18 =	sld [smem:$0x3FFB];
	_ =	sdelay $0x3  }
0x92: {  	_ =	strace s18  }
0x93: {  	s2 =	sld [smem:$0x3FFC];
	_ =	sdelay $0x3  }
0x94: {  	_ =	strace s2  }
0x95: {  	s2 =	sld [smem:$0x3FFD];
	_ =	sdelay $0x3  }
0x96: {  	_ =	strace s2  }
0x97: {  	_ =	strace $0x8FFFFFFF  }
0x98: {  	s19 =	sld [smem:$0x3FDB];
	_ =	sdelay $0x1  }
0x99: {  	s20 =	simm.s32 $_scs_section_size  }
0x9a: {  	s4 =	simm.s32 $_size__tile_overlayer_lowered;
	s5 =	simm.s32 $_tile_overlayer_lowered  }
0x9b: {  	s6 =	simm.s32 $0x1BFF;
	s21 =	sshll.u32 s5, $0x1;
	s3 =	sadd.s32 s20, s19  }
0x9c: {  	s22 =	simm.s32 $0x0;
	s4 =	sshll.u32 s4, $0x1;
	s5 =	sadd.s32 s21, s3  }
0x9d: {  	[timem:s22], [sflag:s6] =	dma.local [hbm:s5], s4  }
0x9e: {  	_ =	swait.ge [sflag:s6], s4  }
0x9f: {  	s4 =	ssub.s32 $0x0, s4;
	[sflag:s6] =	ssyncset.done $0x0  }
0xa0: {  	[sflag:s6] =	ssyncadd.s32 s4;
	_ =	sdelay $0x1  }
0xa1: {  	s23 =	simm.s32 $0x1B8B  }
0xa2: {  	_ =	swait.ge [sflag:s23], $0x1  }
0xa3: {  	[sflag:s23] =	ssyncset.done $0x0  }
0xa4: {  	[sflag:s23] =	ssyncadd.s32 $0xFFFFFFFF  }
0xa5: {  	s4 =	sld [smem:$0x0]  }
0xa6: {  	s5 =	sand.u32 $0xFFFFFFFE, s1  }
0xa7: {  	p0 =	sne.s32 s1, s5  }
0xa8: {  	s5 =	sshll.u32 @p0 s5, $0xE  }
0xa9: {  	s5 =	sadd.s32 @p0 $0x11B8D, s5;
	s6 =	sshll.u32 @p0 s4, $0x11  }
0xaa: {  	s5 =	sor.u32 @p0 s6, s5  }
0xab: {  	[sflag:s5] =	ssyncadd.remote.s32 @p0 $0x1;
	_ =	sdelay $0x1  }
0xac: {  	s5 =	simm.s32 @p0 $0x1B8D  }
0xad: {  	_ =	swait.eq @p0 [sflag:s5], $0x1  }
0xae: {  	[sflag:s5] =	ssyncadd.s32 @p0 $0xFFFFFFFF  }
0xaf: {  	s6 =	sshll.u32 @!p0 s1, $0xE  }
0xb0: {  	s6 =	sor.u32 @!p0 $0x4000, s6;
	s5 =	simm.s32 @!p0 $0x1B8D  }
0xb1: {  	s4 =	sshll.u32 @!p0 s4, $0x11;
	s6 =	sadd.s32 @!p0 $0x11B8D, s6;
	_ =	swait.eq @!p0 [sflag:s5], $0x1  }
0xb2: {  	s4 =	sor.u32 @!p0 s4, s6;
	[sflag:s5] =	ssyncadd.s32 @!p0 $0xFFFFFFFF  }
0xb3: {  	s25 =	simm.s32 $0x1B8E;
	s24 =	sld [smem:$0x3FFE];
	[sflag:s4] =	ssyncadd.remote.s32 @!p0 $0x1  }
0xb4: {  	s26 =	simm.s32 $execute0_lowered;
	[smem:$0x3FD2] =	sst s25  }
0xb5: {  	s5 =	sshll.u32 s26, $0x1;
	_ =	strace $0x80000049;
	[dreg:$0x1] =	wrdreg $0xFFFFFFFF  }
0xb6: {  	s28 =	simm.s32 $_size_execute0_lowered;
	s3 =	sadd.s32 s3, s5;
	[dreg:$0x0] =	wrdreg $0x0  }
0xb7: {  	s5 =	sshll.u32 s28, $0x1;
	[dreg:$0x2] =	wrdreg s3  }
0xb8: {  	[dreg:$0x3] =	wrdreg s5  }
0xb9: {  	[dreg:$0x4] =	wrdreg $0xC0  }
0xba: {  	_ =	task [dreg:s22], $0x5FFFF  }
0xbb: {  	[dreg:$0x1] =	wrdreg $0xFFFFFFFF  }
0xbc: {  	[dreg:$0x0] =	wrdreg $0x60  }
0xbd: {  	[dreg:$0x2] =	wrdreg s24  }
0xbe: {  	[dreg:$0x3] =	wrdreg $0x9  }
0xbf: {  	_ =	task.clear_ibuf [dreg:s22], $0x4FFFF;
	_ =	strace $0x90000049  }
0xc0: {  	s29 =	simm.s32 $0x9;
	_ =	strace $0x8000004B  }
0xc1: {  	_ =	swait.ge [sflag:s29], $0x1  }
0xc2: {  	[sflag:s29] =	ssyncadd.s32 $0xFFFFFFFF  }
0xc3: {  	_ =	strace $0x9000004B  }
0xc4: {  	_ =	sfence  }
0xc5: {  	s30 =	sld [smem:$0x0];
	_ =	sdelay $0x2  }
0xc6: {  	s31 =	sshll.u32 s1, $0xD;
	s1 =	sshrl.u32 s1, $0x2  }
0xc7: {  	s4 =	sand.u32 $0x4000, s31;
	s1 =	sadd.s32 s1, s30  }
0xc8: {  	s0 =	sor.u32 s4, s0;
	s1 =	sshll.u32 s1, $0x11  }
0xc9: {  	s0 =	sor.u32 s1, s0  }
0xca: {  	s0 =	sadd.s32 $0x8F2B, s0  }
0xcb: {  	[sflag:s0] =	ssyncadd.remote.s32 $0x1  }
0xcc: {  	_ =	sfence.sel $0xFFFF  }
0xcd: {  	[dreg:$0x0] =	wrdreg $0xFFFFFFFF;
	(pc) =	sbr.abs _section_cstart, $3  }
0xce: {  	[dreg:$0x1] =	wrdreg $0xFFFFFFFF  }
0xcf: {  	_ =	task.clear_ibuf [dreg:s22], $0x2FFFF;
	_ =	strace $0x9FFFFFFF  }
0xd0: {  	(tm) =	ssettm $0x7FFFFFFF  }
0xd1: {  	_ =	shalt  }
tec
execute0_lowered:
.L_overlay_start_1:
0x0: {  	(tag) =	ssettag $0x1  }
0x1: {  	s7 =	rddreg [dreg:$0x0]  }
0x2: {  	s0 =	rddreg [dreg:$0x1];
	_ =	strace $0x8000004A  }
0x3: {  	s1 =	srdreg.scid;
	s4 =	simm.s32 $0x1;
	s9 =	simm.s32 $0x3  }
0x4: {  	s12 =	simm.s32 $0x0;
	s10 =	simm.s32 $0x0;
	s5 =	sshll.u32 s1, $0x4  }
.Ltmp0:
0x5: {  	s1 =	stileid.u32;
	s5 =	sand.u32 $0x10, s5;
	(pc) =	sbr.rel .LBB2_1-.Ltmp0, $4  }
0x6: {  	s2 =	sadd.s32 $0x400, s7;
	s3 =	sadd.s32 $0x8400, s7;
	s6 =	sor.u32 s1, s5  }
0x7: {  	[sflag:s4] =	ssyncpa.u1 $0x0;
	s5 =	simm.s32 $0x2;
	s6 =	sshll.u32 s6, $0x6  }
0x8: {  	s7 =	sadd.s32 $0x8A00, s7;
	[sflag:s5] =	ssyncpa.u1 $0x0;
	s8 =	sadd.s32 $0x40, s6  }
0x9: {  	vm0 =	vmmov $0xff;
	vm1 =	vcmask $0x3F20;
	[sflag:s9] =	ssyncpa.u1 $0x0;
	s9 =	simm.s32 $0x40;
	s11 =	smov.u32 s6  }
.LBB2_9:
0xa: {  	p0 =	seq.s32 s10, $0x2  }
.Ltmp1:
0xb: {  	_ = 	snop;
	(pc) =	sbr.rel @p0 .LBB2_11-.Ltmp1, $1  }
0xc: {  	_ =	sdelay $0x3  }
.LBB2_10:
0xd: {  	s12 =	sadd.s32 $0x40, s11  }
0xe: {  	s13 =	smov.u32 s6;
	p0 =	slt.s32 s12, s8  }
0xf: {  	s13 =	smov.u32 @p0 s12  }
0x10: {  	s10 =	sadd.s32 $0x1, s10;
	s12 =	smov.u32 s11;
	s11 =	smov.u32 s13  }
.LBB2_1:
0x11: {  	p0 =	sne.s32 s10, $0x0  }
.Ltmp2:
0x12: {  	_ = 	snop;
	(pc) =	sbr.rel @!p0 .LBB2_2-.Ltmp2, $1  }
0x13: {  	_ =	sdelay $0x3  }
0x14: {  	s13 =	sand.u32 $0x1, s10  }
0x15: {  	p0 =	seq.s32 s13, $0x0  }
.Ltmp3:
0x16: {  	_ = 	snop;
	(pc) =	sbr.rel @p0 .LBB2_9-.Ltmp3, $1  }
0x17: {  	_ =	sdelay $0x3  }
0x18: {  	_ =	swait.ge [sflag:s5], $0x40  }
0x19: {  	[sflag:s5] =	ssyncset.done $0x0  }
0x1a: {  	s13 =	simm.s32 $0x0;
	[sflag:s5] =	ssyncadd.s32 $0xFFFFFFC0  }
0x1b: {  	v0 =	vld.msk [tilespmem:s13+$0x40 ss:$0x1], $0xffff;
	_ =	sdelay $0x4  }
0x1c: {  	vm2 =	vgt.s32 v0, $0x0  }
0x1d: {  	v0 =	vnsel vm2, $0x0, v0  }
0x1e: {  	v0 =	vmin.u32 v0, $0x7FF  }
0x1f: {  	v0 =	vshll.u32 v0, $0x4;
	_ =	sdelay $0x3  }
0x20: {  	s13 =	simm.s32 $0x2080  }
0x21: {  	[tilespmem:s13], [sflag:$0x1] =	stream.indirect_vreg.gather [hbm:s2], $0x80, v0, vm0, $0x38;
	[tilespmem:$0x4080] =	vst v63  }
0x22: {  	s14 =	simm.s32 $0x2480;
	s31 =	simm.s32 $0x10  }
0x23: {  	[tilespmem:s14], [sflag:$0x1] =	stream.indirect_vreg.gather [hbm:s2], $0x80, v0, vm1, $0x38;
	[tilespmem:$0x4080] =	vst v63  }
0x24: {  	s14 =	simm.s32 $0x80;
	v0 =	vld.msk [tilespmem:s31+$0x40 ss:$0x1], $0xffff  }
.LBB2_5:
0x25: {  	p0 =	sne.s32 s14, $0xC0;
	_ =	sdelay $0x4  }
0x26: {  	vm2 =	vgt.s32 v0, $0x0  }
0x27: {  	v0 =	vnsel vm2, $0x0, v0  }
0x28: {  	v0 =	vmin.u32 v0, $0x7FF  }
0x29: {  	v0 =	vshll.u32 v0, $0x4;
	_ =	sdelay $0x3  }
.Ltmp4:
0x2a: {  	s13 =	sadd.s32 $0x800, s13;
	(pc) =	sbr.rel @p0 .LBB2_5-.Ltmp4, $4  }
0x2b: {  	[tilespmem:s13], [sflag:$0x1] =	stream.indirect_vreg.gather [hbm:s2], $0x80, v0, vm0, $0x38;
	[tilespmem:$0x4080] =	vst v63  }
0x2c: {  	s15 =	sshra.s32 s14, $0x2;
	s16 =	sadd.s32 $0x400, s13  }
0x2d: {  	[tilespmem:s16], [sflag:$0x1] =	stream.indirect_vreg.gather [hbm:s2], $0x80, v0, vm1, $0x38;
	[tilespmem:$0x4080] =	vst v63  }
0x2e: {  	s14 =	sadd.s32 $0x40, s14;
	v0 =	vld.msk [tilespmem:s15+$0x40 ss:$0x1], $0xffff  }
0x2f: {  	_ =	sdelay $0x3  }
0x30: {  	vm2 =	vgt.s32 v0, $0x0  }
0x31: {  	v0 =	vnsel vm2, $0x0, v0  }
0x32: {  	v0 =	vmin.u32 v0, $0x7FF  }
0x33: {  	v0 =	vshll.u32 v0, $0x4;
	_ =	sdelay $0x3  }
0x34: {  	s13 =	sadd.s32 $0x800, s13  }
0x35: {  	[tilespmem:s13], [sflag:$0x1] =	stream.indirect_vreg.gather [hbm:s2], $0x80, v0, vm0, $0x38;
	[tilespmem:$0x4080] =	vst v63  }
0x36: {  	s13 =	sadd.s32 $0x400, s13  }
0x37: {  	[tilespmem:s13], [sflag:$0x1] =	stream.indirect_vreg.gather [hbm:s2], $0x80, v0, vm1, $0x38;
	[tilespmem:$0x4080] =	vst v63  }
0x38: {  	s12 =	sshll.u32 s12, $0x4;
	s14 =	simm.s32 $0x80;
	_ =	swait.ge [sflag:s4], $0x2000  }
0x39: {  	s15 =	simm.s32 $0x2480;
	s12 =	sadd.s32 s12, s7;
	[sflag:s4] =	ssyncset.done $0x0  }
0x3a: {  	s16 =	sadd.s32 $0x0, s12;
	s13 =	simm.s32 $0x2080;
	[sflag:s4] =	ssyncadd.s32 $0xFFFFE000  }
.LBB2_7:
0x3b: {  	[hbm:s16] =	stream.linear.scatter [tilespmem:s13], [sflag:$0x3], $0x400, $0x38;
	[tilespmem:$0x4080] =	vst v63  }
0x3c: {  	s16 =	smov.u32 s14;
	s13 =	smov.u32 s15;
	p0 =	sne.s32 s14, $0x380  }
.Ltmp5:
0x3d: {  	s14 =	sadd.s32 $0x80, s14;
	(pc) =	sbr.rel @p0 .LBB2_7-.Ltmp5, $2  }
0x3e: {  	_ =	sdelay $0x2  }
0x3f: {  	s15 =	sadd.s32 $0x400, s15;
	s16 =	sadd.s32 s16, s12  }
.Ltmp6:
0x40: {  	(pc) =	sbr.rel .LBB2_9-.Ltmp6, $2  }
0x41: {  	_ =	sdelay $0x2  }
0x42: {  	[hbm:s16] =	stream.linear.scatter [tilespmem:s13], [sflag:$0x3], $0x400, $0x38;
	[tilespmem:$0x4080] =	vst v63  }
.LBB2_2:
.Ltmp7:
0x43: {  	(pc) =	sbr.rel .LBB2_10-.Ltmp7, $4  }
0x44: {  	_ = 	snop  }
0x45: {  	s12 =	sshrl.u32 s11, $0x3  }
0x46: {  	s13 =	sand.u32 $0x7, s11;
	s12 =	sadd.s32 s3, s12  }
0x47: {  	[tilespmem:s9], [sflag:$0x2] =	stream.linear.gather [hbm4b:s12+s13], $0x40, $0x38;
	[tilespmem:$0x4080] =	vst v63  }
.LBB2_11:
0x48: {  	s2 =	simm.s32 $0x3  }
0x49: {  	_ =	swait.ge [sflag:s2], $0x2000  }
0x4a: {  	[sflag:s2] =	ssyncset.done $0x0  }
0x4b: {  	[sflag:s2] =	ssyncadd.s32 $0xFFFFE000  }
0x4c: {  	_ =	sfence.sel $0x180000  }
0x4d: {  	s3 =	simm.s32 $0x2;
	[bflag:$0x0] =	sbarrier.arrive $0xFFFF  }
0x4e: {  	[sflag:s3] =	ssyncpa.u1 $0x1  }
0x4f: {  	s31 =	simm.s32 $0x1;
	[sflag:s2] =	ssyncpa.u1 $0x1  }
0x50: {  	[sflag:s31] =	ssyncpa.u1 $0x1  }
0x51: {  	p0 =	sne.s32 s1, $0x0;
	_ =	strace $0x9000004A  }
0x52: {  	s0 =	sadd.s32 @!p0 $0x100000, s0;
	[bflag:$0x2] =	sbarrier.arrive $0xFFFF  }
0x53: {  	[sflag:s0] =	ssyncadd.tile.s32 @!p0 $0x1;
	_ =	shalt  }
.Lfunc_end2:
_tile_overlayer_lowered:
.L_overlay_start_2:
0x54: {  	(tag) =	ssettag $0x2  }
0x55: {  	s0 =	rddreg [dreg:$0x0];
	s2 =	stileid.u32  }
0x56: {  	s1 =	rddreg [dreg:$0x1];
	p0 =	sne.s32 s2, $0x0  }
0x57: {  	s3 =	rddreg [dreg:$0x2];
	[bflag:$0x3] =	sbarrier.arrive $0xFFFF;
	s2 =	simm.s32 @!p0 $0x1C01  }
0x58: {  	[timem:s3], [sflag:s2] =	dma.local @!p0 [hbm:s0], s1  }
0x59: {  	s0 =	simm.s32 @!p0 $0x1  }
0x5a: {  	_ =	swait.ge @!p0 [sflag:s0], s1  }
0x5b: {  	s1 =	ssub.s32 @!p0 $0x0, s1;
	[sflag:s0] =	ssyncset.done @!p0 $0x0  }
0x5c: {  	[sflag:s0] =	ssyncadd.s32 @!p0 s1  }
0x5d: {  	[bflag:$0x3] =	sbarrier.arrive $0xFFFF  }
0x5e: {  	_ =	shalt  }

// kernel: kernel.14.cloned.1.call-start
scs
__scs_entry_jumppad:
0x0: {  	(pc) =	sbr.rel $0x88, $3  }
0x1: {  	(tag) =	ssettag $0x0;
	lr =	simm.s32 $0x1  }
0x2: {  	[smem:$0x3F8C] =	sst lr;
	_ =	strace $0xD0000000  }
0x3: {  	_ = 	snop  }
0x4: {  	_ = 	snop  }
0x5: {  	_ = 	snop  }
0x6: {  	_ = 	snop  }
0x7: {  	_ = 	snop  }
__scs_overlays_trampoline_lowered:
0x8: {  	[smem:$0x3F9B] =	sst s0  }
0x9: {  	[smem:$0x3F9C] =	sst s1  }
0xa: {  	[smem:$0x3F9D] =	sst s2  }
0xb: {  	[smem:$0x3F9E] =	sst s3  }
0xc: {  	[smem:$0x3F9F] =	sst s4  }
0xd: {  	[smem:$0x3FA0] =	sst s5  }
0xe: {  	[smem:$0x3FA1] =	sst s6  }
0xf: {  	[smem:$0x3FA2] =	sst s7  }
0x10: {  	[smem:$0x3FA3] =	sst s8  }
0x11: {  	[smem:$0x3FA4] =	sst s9;
	s0 =	simm.s32 @!p0 $0x0  }
0x12: {  	s1 =	sld [smem:$0x3F8A];
	s0 =	simm.s32 @p0 $0x1  }
0x13: {  	[smem:$0x3FA5] =	sst s0;
	s0 =	simm.s32 @!p1 $0x0  }
0x14: {  	s2 =	sld [smem:$0x3F89];
	s0 =	simm.s32 @p1 $0x1  }
0x15: {  	[smem:$0x3FA6] =	sst s0;
	s0 =	simm.s32 @!p2 $0x0  }
0x16: {  	s3 =	sld [smem:$0x3FDB];
	s0 =	simm.s32 @p2 $0x1  }
0x17: {  	s4 =	simm.s32 $0x1BF5;
	[smem:$0x3FA8] =	sst s0  }
0x18: {  	s0 =	sld [smem:$0x3F8B];
	_ =	swait.ge [sflag:s4], $0x0  }
0x19: {  	s7 =	sld [smem:$0x3F8C]  }
0x1a: {  	s8 =	sadd.s32 $0xFFFFE003, lr  }
0x1b: {  	s9 =	sadd.s32 $0xFFFFFEF7, lr;
	s5 =	simm.s32 $0xFFFFFFFF;
	p2 =	slt.u32 s8, $0xFFFFF086  }
0x1c: {  	p1 =	slt.u32 s9, $0xF7A;
	s5 =	simm.s32 @!p2 $0x0  }
0x1d: {  	s5 =	simm.s32 @p1 $0x1;
	p0 =	seq.s32 s7, s2  }
0x1e: {  	s7 =	smul.u32 @!p0 $0xF7A, s2;
	p2 =	seq.s32 @!p0 s5, $0x0  }
0x1f: {  	s9 =	smul.u32 $0xF7A, s1;
	s8 =	simm.s32 @!p0 $0x1BF5;
	p2 =	por !p2, p0  }
0x20: {  	[sflag:s8] =	ssyncset.s32 @!p0 $0xFFFFF086;
	s6 =	sadd.s32 @!p0 s3, s7;
	s7 =	simm.s32 @!p0 $0x108  }
0x21: {  	s3 =	sadd.s32 s3, s9;
	s6 =	sadd.s32 @!p0 $0x88, s6;
	s7 =	simm.s32 @p2 $0x1082  }
0x22: {  	[simem:s7], [sflag:s8] =	dma.local @!p0 [hbm:s6], $0xF7A  }
0x23: {  	s9 =	sor.u32 $0xD0000000, s2;
	s6 =	simm.s32 $0x108;
	_ =	swait.ge @!p0 [sflag:s8], $0x0  }
0x24: {  	s3 =	sadd.s32 $0x88, s3;
	s6 =	simm.s32 @!p1 $0x1082;
	[sflag:s4] =	ssyncset.s32 $0xFFFFF086  }
0x25: {  	[simem:s6], [sflag:s4] =	dma.local [hbm:s3], $0xF7A  }
0x26: {  	[smem:$0x3F8C] =	sst s1;
	(tag) =	ssettag s2;
	_ =	strace s9  }
0x27: {  	s1 =	sld [smem:$0x3F9C]  }
0x28: {  	s2 =	sld [smem:$0x3F9D]  }
0x29: {  	s4 =	sld [smem:$0x3F9F]  }
0x2a: {  	p0 =	seq.s32 s5, $0x0;
	s5 =	sld [smem:$0x3FA0]  }
0x2b: {  	s6 =	sld [smem:$0x3FA1]  }
0x2c: {  	s7 =	sld [smem:$0x3FA2]  }
0x2d: {  	s3 =	simm.s32 $0x108;
	s8 =	sld [smem:$0x3FA3]  }
0x2e: {  	s3 =	simm.s32 @!p0 $0x1082;
	s9 =	sld [smem:$0x3FA4]  }
0x2f: {  	lr =	sadd.s32 s0, s3;
	s0 =	sld [smem:$0x3F9B]  }
0x30: {  	s3 =	sld [smem:$0x3F9E]  }
0x31: {  	[smem:$0x3FA7] =	sst s10  }
0x32: {  	s10 =	sld [smem:$0x3FA5];
	_ =	sdelay $0x3  }
0x33: {  	p0 =	seq.s32 s10, $0x1;
	s10 =	sld [smem:$0x3FA7];
	_ =	sdelay $0x3  }
0x34: {  	[smem:$0x3FA7] =	sst s10  }
0x35: {  	s10 =	sld [smem:$0x3FA6];
	_ =	sdelay $0x3  }
0x36: {  	p1 =	seq.s32 s10, $0x1;
	s10 =	sld [smem:$0x3FA7];
	_ =	sdelay $0x3  }
0x37: {  	[smem:$0x3FA7] =	sst s10  }
0x38: {  	s10 =	sld [smem:$0x3FA8]  }
0x39: {  	_ = 	snop;
	(pc) =	sbr.ind lr, $3  }
0x3a: {  	_ = 	snop  }
0x3b: {  	_ = 	snop  }
0x3c: {  	p2 =	seq.s32 s10, $0x1;
	s10 =	sld [smem:$0x3FA7]  }
0x3d: {  	_ =	shalt  }
0x3e: {  	_ =	shalt  }
0x3f: {  	_ =	shalt  }
0x40: {  	_ =	shalt  }
0x41: {  	_ =	shalt  }
0x42: {  	_ =	shalt  }
0x43: {  	_ =	shalt  }
0x44: {  	_ =	shalt  }
0x45: {  	_ =	shalt  }
0x46: {  	_ =	shalt  }
0x47: {  	_ =	shalt  }
0x48: {  	_ =	shalt  }
0x49: {  	_ =	shalt  }
0x4a: {  	_ =	shalt  }
0x4b: {  	_ =	shalt  }
0x4c: {  	_ =	shalt  }
0x4d: {  	_ =	shalt  }
0x4e: {  	_ =	shalt  }
0x4f: {  	_ =	shalt  }
0x50: {  	_ =	shalt  }
0x51: {  	_ =	shalt  }
0x52: {  	_ =	shalt  }
0x53: {  	_ =	shalt  }
0x54: {  	_ =	shalt  }
0x55: {  	_ =	shalt  }
0x56: {  	_ =	shalt  }
0x57: {  	_ =	shalt  }
0x58: {  	_ =	shalt  }
0x59: {  	_ =	shalt  }
0x5a: {  	_ =	shalt  }
0x5b: {  	_ =	shalt  }
0x5c: {  	_ =	shalt  }
0x5d: {  	_ =	shalt  }
0x5e: {  	_ =	shalt  }
0x5f: {  	_ =	shalt  }
0x60: {  	_ =	shalt  }
0x61: {  	_ =	shalt  }
0x62: {  	_ =	shalt  }
0x63: {  	_ =	shalt  }
0x64: {  	_ =	shalt  }
0x65: {  	_ =	shalt  }
0x66: {  	_ =	shalt  }
0x67: {  	_ =	shalt  }
0x68: {  	_ =	shalt  }
0x69: {  	_ =	shalt  }
0x6a: {  	_ =	shalt  }
0x6b: {  	_ =	shalt  }
0x6c: {  	_ =	shalt  }
0x6d: {  	_ =	shalt  }
0x6e: {  	_ =	shalt  }
0x6f: {  	_ =	shalt  }
0x70: {  	_ =	shalt  }
0x71: {  	_ =	shalt  }
0x72: {  	_ =	shalt  }
0x73: {  	_ =	shalt  }
0x74: {  	_ =	shalt  }
0x75: {  	_ =	shalt  }
0x76: {  	_ =	shalt  }
0x77: {  	_ =	shalt  }
0x78: {  	_ =	shalt  }
0x79: {  	_ =	shalt  }
0x7a: {  	_ =	shalt  }
0x7b: {  	_ =	shalt  }
0x7c: {  	_ =	shalt  }
0x7d: {  	_ =	shalt  }
0x7e: {  	_ =	shalt  }
0x7f: {  	_ =	shalt  }
0x80: {  	_ =	shalt  }
0x81: {  	_ =	shalt  }
0x82: {  	_ =	shalt  }
0x83: {  	_ =	shalt  }
0x84: {  	_ =	shalt  }
0x85: {  	_ =	shalt  }
0x86: {  	_ =	shalt  }
0x87: {  	_ =	shalt  }
.Lfunc_end0:
.L_simem_size_0:
called_computation.3_lowered:
.L_overlay_start_0:
0x88: {  	s2 =	sld [smem:$0x3FD9]  }
0x89: {  	s3 =	sld [smem:$0x3FFE];
	_ =	sdelay $0x1  }
0x8a: {  	s1 =	srdreg.scid  }
0x8b: {  	s0 =	sand.u32 $0x1, s1  }
0x8c: {  	s16 =	sshll.u32 s0, $0xA;
	s2 =	sadd.s32 s3, s2  }
0x8d: {  	s2 =	sadd.s32 s2, s16  }
0x8e: {  	[smem:$0x3FB3] =	sst s2  }
0x8f: {  	_ = 	snop  }
0x90: {  	(tm) =	ssettm $0x1  }
0x91: {  	s17 =	sld [smem:$0x3FFB];
	_ =	sdelay $0x3  }
0x92: {  	_ =	strace s17  }
0x93: {  	s2 =	sld [smem:$0x3FFC];
	_ =	sdelay $0x3  }
0x94: {  	_ =	strace s2  }
0x95: {  	s2 =	sld [smem:$0x3FFD];
	_ =	sdelay $0x3  }
0x96: {  	_ =	strace s2  }
0x97: {  	_ =	strace $0x8FFFFFFF  }
0x98: {  	s18 =	sld [smem:$0x3FDB];
	_ =	sdelay $0x1  }
0x99: {  	s19 =	simm.s32 $_scs_section_size  }
0x9a: {  	s4 =	simm.s32 $_size__tile_overlayer_lowered;
	s5 =	simm.s32 $_tile_overlayer_lowered  }
0x9b: {  	s22 =	simm.s32 $0x1BFF;
	s21 =	sshll.u32 s5, $0x1;
	s2 =	sadd.s32 s19, s18  }
0x9c: {  	s6 =	simm.s32 $0x0;
	s20 =	sshll.u32 s4, $0x1;
	s4 =	sadd.s32 s21, s2  }
0x9d: {  	[timem:s6], [sflag:s22] =	dma.local [hbm:s4], s20  }
0x9e: {  	_ =	swait.ge [sflag:s22], s20  }
0x9f: {  	s3 =	ssub.s32 $0x0, s20;
	[sflag:s22] =	ssyncset.done $0x0  }
0xa0: {  	[sflag:s22] =	ssyncadd.s32 s3;
	_ =	sdelay $0x1  }
0xa1: {  	s23 =	simm.s32 $0x1B8B  }
0xa2: {  	_ =	swait.ge [sflag:s23], $0x1  }
0xa3: {  	[sflag:s23] =	ssyncset.done $0x0  }
0xa4: {  	s25 =	simm.s32 $0x1B8E;
	s24 =	sld [smem:$0x3FFE];
	[sflag:s23] =	ssyncadd.s32 $0xFFFFFFFF  }
0xa5: {  	s26 =	simm.s32 $execute0_lowered;
	[smem:$0x3FD2] =	sst s25  }
0xa6: {  	s4 =	sshll.u32 s26, $0x1;
	_ =	strace $0x8000004F;
	[dreg:$0x1] =	wrdreg $0xFFFFFFFF  }
0xa7: {  	s28 =	simm.s32 $_size_execute0_lowered;
	s2 =	sadd.s32 s2, s4;
	[dreg:$0x0] =	wrdreg $0x0  }
0xa8: {  	s4 =	sshll.u32 s28, $0x1;
	[dreg:$0x2] =	wrdreg s2  }
0xa9: {  	[dreg:$0x3] =	wrdreg s4  }
0xaa: {  	[dreg:$0x4] =	wrdreg $0xC0  }
0xab: {  	_ =	task [dreg:s6], $0x5FFFF  }
0xac: {  	[dreg:$0x1] =	wrdreg $0xFFFFFFFF  }
0xad: {  	[dreg:$0x0] =	wrdreg $0x60  }
0xae: {  	[dreg:$0x2] =	wrdreg s24  }
0xaf: {  	[dreg:$0x3] =	wrdreg $0x9  }
0xb0: {  	_ =	task.clear_ibuf [dreg:s6], $0x4FFFF;
	_ =	strace $0x9000004F  }
0xb1: {  	s29 =	simm.s32 $0x9;
	_ =	strace $0x80000051  }
0xb2: {  	_ =	swait.ge [sflag:s29], $0x1  }
0xb3: {  	[sflag:s29] =	ssyncadd.s32 $0xFFFFFFFF  }
0xb4: {  	_ =	strace $0x90000051  }
0xb5: {  	_ =	sfence  }
0xb6: {  	s30 =	sld [smem:$0x0];
	_ =	sdelay $0x2  }
0xb7: {  	s31 =	sshll.u32 s1, $0xD;
	s1 =	sshrl.u32 s1, $0x2  }
0xb8: {  	s3 =	sand.u32 $0x4000, s31;
	s1 =	sadd.s32 s1, s30  }
0xb9: {  	s0 =	sor.u32 s3, s0;
	s1 =	sshll.u32 s1, $0x11  }
0xba: {  	s0 =	sor.u32 s1, s0  }
0xbb: {  	s0 =	sadd.s32 $0x8F2B, s0  }
0xbc: {  	[sflag:s0] =	ssyncadd.remote.s32 $0x1  }
0xbd: {  	_ =	sfence.sel $0xFFFF  }
0xbe: {  	[dreg:$0x0] =	wrdreg $0xFFFFFFFF;
	(pc) =	sbr.abs _section_cstart, $3  }
0xbf: {  	[dreg:$0x1] =	wrdreg $0xFFFFFFFF  }
0xc0: {  	_ =	task.clear_ibuf [dreg:s6], $0x2FFFF;
	_ =	strace $0x9FFFFFFF  }
0xc1: {  	(tm) =	ssettm $0x7FFFFFFF  }
tec
execute0_lowered:
.L_overlay_start_1:
0x0: {  	(tag) =	ssettag $0x1  }
0x1: {  	s1 =	srdreg.scid  }
0x2: {  	s0 =	stileid.u32;
	s5 =	rddreg [dreg:$0x0]  }
0x3: {  	s2 =	simm.s32 $0x0;
	s14 =	simm.s32 $0x2F00;
	s15 =	simm.s32 $0x3700  }
0x4: {  	s16 =	simm.s32 $0x3F00;
	s17 =	simm.s32 $0x4700;
	s18 =	simm.s32 $0x4F00  }
0x5: {  	s19 =	simm.s32 $0x5700;
	s20 =	simm.s32 $0x5F00;
	s21 =	simm.s32 $0x6700  }
0x6: {  	s22 =	simm.s32 $0x6F00;
	s23 =	simm.s32 $0x7700;
	s24 =	simm.s32 $0x7F00  }
0x7: {  	s25 =	simm.s32 $0x1;
	s28 =	simm.s32 $0x0;
	s7 =	smul.u32 $0x1C000, s0  }
0x8: {  	s4 =	sand.u32 $0x1, s1;
	s26 =	sshll.u32 s0, $0x1;
	s10 =	smul.u32 $0xE0000, s0  }
0x9: {  	[smem:$0x7FF] =	sst s2;
	s11 =	sadd.s32 $0x138C00, s5;
	s8 =	smul.u32 $0xE000, s4  }
0xa: {  	s3 =	sor.u32 s4, s26;
	_ =	strace $0x80000050;
	s13 =	smul.u32 $0x70000, s4  }
0xb: {  	s9 =	ssub.s32 $0x2, s4;
	s26 =	simm.s32 $0x2;
	s6 =	smul.u32 $0x700, s3  }
0xc: {  	s3 =	sadd.s32 $0x48A00, s5;
	s12 =	sshrl.u32 s9, $0x1;
	s30 =	sadd.s32 s7, s11  }
0xd: {  	s9 =	ssub.s32 s9, s12;
	s31 =	sadd.s32 s13, s10;
	s10 =	simm.s32 $0xF00  }
0xe: {  	s12 =	simm.s32 $0x1F00;
	s13 =	simm.s32 $0x2700;
	s29 =	sshrl.u32 s6, $0x3  }
0xf: {  	v2 =	vlaneseq.u32;
	s6 =	sadd.s32 s8, s30;
	s7 =	sshrl.u32 s31, $0x3;
	s8 =	simm.s32 $0x3  }
0x10: {  	vm0 =	vmmov $0xffff;
	v1 =	vshrl.u32 v2, $0x3;
	s4 =	sadd.s32 s5, s29;
	s5 =	smax.u32 s9, $0x1;
	s6 =	sadd.s32 $0x800, s6  }
0x11: {  	v0 =	vand.u32 $0x7, v2;
	v2 =	vor.u32 $0x8, v2;
	v1 =	vmul.u32 $0x8, v1;
	s7 =	sadd.s32 s7, s11;
	s9 =	simm.s32 $0x700;
	s11 =	simm.s32 $0x1700  }
.LBB2_1:
0x12: {  	[tilespmem:s2], [sflag:$0x3] =	stream.linear.gather [hbm4b:s4+s2], $0x700, $0x38;
	[tilespmem:$0x8700] =	vst v63  }
0x13: {  	_ =	swait.ge [sflag:s8], $0x700  }
0x14: {  	[sflag:s8] =	ssyncset.done $0x0  }
0x15: {  	[sflag:s8] =	ssyncadd.s32 $0xFFFFF900  }
0x16: {  	v3 =	vld [tilespmem:$0x0];
	_ =	sdelay $0x4  }
0x17: {  	v4 =	vshll.u32 v3, $0x1  }
0x18: {  	v3 =	vand.u32 $0x7, v3;
	v4 =	vand.u32 $0xFFFFFFF0, v4  }
0x19: {  	v3 =	vor.u32 v3, v4  }
0x1a: {  	v4 =	vperm.xlane v3, v0;
	_ =	sdelay $0x1  }
0x1b: {  	v3 =	vperm.xlane v3, v2;
	v4 =	vadd.s32 v1, v4;
	_ =	sdelay $0x1  }
0x1c: {  	v3 =	vadd.s32 v1, v3;
	_ =	sdelay $0x2  }
0x1d: {  	[tilespmem:s9], [sflag:$0x1] =	stream.indirect_vreg.gather [hbm4b:s3+s2], $0x80, v4, vm0, $0xb8;
	[tilespmem:$0x8700] =	vst v63  }
0x1e: {  	_ = 	snop  }
0x1f: {  	[tilespmem:s10], [sflag:$0x1] =	stream.indirect_vreg.gather [hbm4b:s3+s2], $0x80, v3, vm0, $0xb8;
	[tilespmem:$0x8700] =	vst v63  }
0x20: {  	v3 =	vld [tilespmem:$0x10];
	_ =	sdelay $0x4  }
0x21: {  	v61 =	vshll.u32 v3, $0x1  }
0x22: {  	v3 =	vand.u32 $0x7, v3;
	v4 =	vand.u32 $0xFFFFFFF0, v61  }
0x23: {  	v3 =	vor.u32 v3, v4  }
0x24: {  	v4 =	vperm.xlane v3, v0;
	_ =	sdelay $0x1  }
0x25: {  	v3 =	vperm.xlane v3, v2;
	v4 =	vadd.s32 v1, v4;
	_ =	sdelay $0x1  }
0x26: {  	v3 =	vadd.s32 v1, v3;
	_ =	sdelay $0x2  }
0x27: {  	[tilespmem:s11], [sflag:$0x1] =	stream.indirect_vreg.gather [hbm4b:s3+s2], $0x80, v4, vm0, $0xb8;
	[tilespmem:$0x8700] =	vst v63  }
0x28: {  	_ = 	snop  }
0x29: {  	[tilespmem:s12], [sflag:$0x1] =	stream.indirect_vreg.gather [hbm4b:s3+s2], $0x80, v3, vm0, $0xb8;
	[tilespmem:$0x8700] =	vst v63  }
0x2a: {  	v3 =	vld [tilespmem:$0x20];
	_ =	sdelay $0x4  }
0x2b: {  	v62 =	vshll.u32 v3, $0x1  }
0x2c: {  	v3 =	vand.u32 $0x7, v3;
	v4 =	vand.u32 $0xFFFFFFF0, v62  }
0x2d: {  	v3 =	vor.u32 v3, v4  }
0x2e: {  	v4 =	vperm.xlane v3, v0;
	_ =	sdelay $0x1  }
0x2f: {  	v3 =	vperm.xlane v3, v2;
	v4 =	vadd.s32 v1, v4;
	_ =	sdelay $0x1  }
0x30: {  	v3 =	vadd.s32 v1, v3;
	_ =	sdelay $0x2  }
0x31: {  	[tilespmem:s13], [sflag:$0x1] =	stream.indirect_vreg.gather [hbm4b:s3+s2], $0x80, v4, vm0, $0xb8;
	[tilespmem:$0x8700] =	vst v63  }
0x32: {  	_ = 	snop  }
0x33: {  	[tilespmem:s14], [sflag:$0x1] =	stream.indirect_vreg.gather [hbm4b:s3+s2], $0x80, v3, vm0, $0xb8;
	[tilespmem:$0x8700] =	vst v63  }
0x34: {  	v3 =	vld [tilespmem:$0x30];
	_ =	sdelay $0x4  }
0x35: {  	v63 =	vshll.u32 v3, $0x1  }
0x36: {  	v3 =	vand.u32 $0x7, v3;
	v4 =	vand.u32 $0xFFFFFFF0, v63  }
0x37: {  	v3 =	vor.u32 v3, v4  }
0x38: {  	v4 =	vperm.xlane v3, v0;
	_ =	sdelay $0x1  }
0x39: {  	v3 =	vperm.xlane v3, v2;
	v4 =	vadd.s32 v1, v4;
	_ =	sdelay $0x1  }
0x3a: {  	v3 =	vadd.s32 v1, v3;
	_ =	sdelay $0x2  }
0x3b: {  	[tilespmem:s15], [sflag:$0x1] =	stream.indirect_vreg.gather [hbm4b:s3+s2], $0x80, v4, vm0, $0xb8;
	[tilespmem:$0x8700] =	vst v63  }
0x3c: {  	s29 =	simm.s32 $0x60;
	s30 =	simm.s32 $0x0  }
0x3d: {  	[tilespmem:s16], [sflag:$0x1] =	stream.indirect_vreg.gather [hbm4b:s3+s2], $0x80, v3, vm0, $0xb8;
	[tilespmem:$0x8700] =	vst v63  }
.LBB2_2:
0x3e: {  	v3 =	vld [tilespmem:s29+$0xFFFFFFE0];
	_ =	sdelay $0x4  }
0x3f: {  	v4 =	vshll.u32 v3, $0x1  }
0x40: {  	v3 =	vand.u32 $0x7, v3;
	v4 =	vand.u32 $0xFFFFFFF0, v4  }
0x41: {  	v3 =	vor.u32 v3, v4  }
0x42: {  	v4 =	vperm.xlane v3, v0;
	_ =	sdelay $0x1  }
0x43: {  	v3 =	vperm.xlane v3, v2;
	v4 =	vadd.s32 v1, v4;
	_ =	sdelay $0x1  }
0x44: {  	v3 =	vadd.s32 v1, v3;
	_ =	sdelay $0x2  }
0x45: {  	[tilespmem:s17], [sflag:$0x2] =	stream.indirect_vreg.gather [hbm4b:s3+s2], $0x80, v4, vm0, $0xb8;
	[tilespmem:$0x8700] =	vst v63  }
0x46: {  	_ = 	snop  }
0x47: {  	[tilespmem:s18], [sflag:$0x2] =	stream.indirect_vreg.gather [hbm4b:s3+s2], $0x80, v3, vm0, $0xb8;
	[tilespmem:$0x8700] =	vst v63  }
0x48: {  	v3 =	vld [tilespmem:s29+$0xFFFFFFF0];
	_ =	sdelay $0x4  }
0x49: {  	v61 =	vshll.u32 v3, $0x1  }
0x4a: {  	v3 =	vand.u32 $0x7, v3;
	v4 =	vand.u32 $0xFFFFFFF0, v61  }
0x4b: {  	v3 =	vor.u32 v3, v4  }
0x4c: {  	v4 =	vperm.xlane v3, v0;
	_ =	sdelay $0x1  }
0x4d: {  	v3 =	vperm.xlane v3, v2;
	v4 =	vadd.s32 v1, v4;
	_ =	sdelay $0x1  }
0x4e: {  	v3 =	vadd.s32 v1, v3;
	_ =	sdelay $0x2  }
0x4f: {  	[tilespmem:s19], [sflag:$0x2] =	stream.indirect_vreg.gather [hbm4b:s3+s2], $0x80, v4, vm0, $0xb8;
	[tilespmem:$0x8700] =	vst v63  }
0x50: {  	_ = 	snop  }
0x51: {  	[tilespmem:s20], [sflag:$0x2] =	stream.indirect_vreg.gather [hbm4b:s3+s2], $0x80, v3, vm0, $0xb8;
	[tilespmem:$0x8700] =	vst v63  }
0x52: {  	v3 =	vld [tilespmem:s29+$0x0];
	_ =	sdelay $0x4  }
0x53: {  	v62 =	vshll.u32 v3, $0x1  }
0x54: {  	v3 =	vand.u32 $0x7, v3;
	v4 =	vand.u32 $0xFFFFFFF0, v62  }
0x55: {  	v3 =	vor.u32 v3, v4  }
0x56: {  	v4 =	vperm.xlane v3, v0;
	_ =	sdelay $0x1  }
0x57: {  	v3 =	vperm.xlane v3, v2;
	v4 =	vadd.s32 v1, v4;
	_ =	sdelay $0x1  }
0x58: {  	v3 =	vadd.s32 v1, v3;
	_ =	sdelay $0x2  }
0x59: {  	[tilespmem:s21], [sflag:$0x2] =	stream.indirect_vreg.gather [hbm4b:s3+s2], $0x80, v4, vm0, $0xb8;
	[tilespmem:$0x8700] =	vst v63  }
0x5a: {  	_ = 	snop  }
0x5b: {  	[tilespmem:s22], [sflag:$0x2] =	stream.indirect_vreg.gather [hbm4b:s3+s2], $0x80, v3, vm0, $0xb8;
	[tilespmem:$0x8700] =	vst v63  }
0x5c: {  	v3 =	vld [tilespmem:s29+$0x10];
	_ =	sdelay $0x4  }
0x5d: {  	v63 =	vshll.u32 v3, $0x1  }
0x5e: {  	v3 =	vand.u32 $0x7, v3;
	v4 =	vand.u32 $0xFFFFFFF0, v63  }
0x5f: {  	v3 =	vor.u32 v3, v4  }
0x60: {  	v4 =	vperm.xlane v3, v0;
	_ =	sdelay $0x1  }
0x61: {  	v3 =	vperm.xlane v3, v2;
	v4 =	vadd.s32 v1, v4;
	_ =	sdelay $0x1  }
0x62: {  	v3 =	vadd.s32 v1, v3;
	_ =	sdelay $0x2  }
0x63: {  	[tilespmem:s23], [sflag:$0x2] =	stream.indirect_vreg.gather [hbm4b:s3+s2], $0x80, v4, vm0, $0xb8;
	[tilespmem:$0x8700] =	vst v63  }
0x64: {  	_ = 	snop  }
0x65: {  	[tilespmem:s24], [sflag:$0x2] =	stream.indirect_vreg.gather [hbm4b:s3+s2], $0x80, v3, vm0, $0xb8;
	[tilespmem:$0x8700] =	vst v63  }
0x66: {  	_ =	swait.ge [sflag:s25], $0x4000  }
0x67: {  	[sflag:s25] =	ssyncset.done $0x0  }
0x68: {  	s31 =	sadd.s32 s30, s7;
	[sflag:s25] =	ssyncadd.s32 $0xFFFFC000  }
0x69: {  	[hbm4b:s31+s2] =	stream.linear.scatter [tilespmem:s9], [sflag:$0x3], $0x4000, $0x38;
	[tilespmem:$0x8700] =	vst v63  }
0x6a: {  	_ =	swait.ge [sflag:s8], $0x4000  }
0x6b: {  	[sflag:s8] =	ssyncset.done $0x0  }
0x6c: {  	p0 =	seq.s32 s30, $0xD000;
	[sflag:s8] =	ssyncadd.s32 $0xFFFFC000  }
0x6d: {  	v3 =	vld @!p0 [tilespmem:s29+$0x20];
	_ =	sdelay $0x4  }
0x6e: {  	v4 =	vshll.u32 @!p0 v3, $0x1  }
0x6f: {  	v5 =	vlaneseq.u32 @!p0;
	v3 =	vand.u32 @!p0 $0x7, v3;
	v4 =	vand.u32 @!p0 $0xFFFFFFF0, v4  }
0x70: {  	v6 =	vshrl.u32 @!p0 v5, $0x3;
	v3 =	vor.u32 @!p0 v3, v4;
	v4 =	vand.u32 @!p0 $0x7, v5  }
0x71: {  	v6 =	vmul.u32 @!p0 $0x8, v6;
	v7 =	vperm.xlane @!p0 v3, v4  }
0x72: {  	v5 =	vor.u32 @!p0 $0x8, v5  }
0x73: {  	v3 =	vperm.xlane @!p0 v3, v5;
	v7 =	vadd.s32 @!p0 v6, v7;
	_ =	sdelay $0x1  }
0x74: {  	v3 =	vadd.s32 @!p0 v6, v3;
	_ =	sdelay $0x1  }
0x75: {  	vm1 =	vmmov @!p0 $0xffff;
	s1 =	simm.s32 @!p0 $0x700;
	s31 =	simm.s32 @!p0 $0x0  }
0x76: {  	[tilespmem:s1], [sflag:$0x1] =	stream.indirect_vreg.gather @!p0 [hbm4b:s3+s31], $0x80, v7, vm1, $0xb8;
	[tilespmem:$0x8700] =	vst v63  }
0x77: {  	s1 =	simm.s32 @!p0 $0xF00  }
0x78: {  	[tilespmem:s1], [sflag:$0x1] =	stream.indirect_vreg.gather @!p0 [hbm4b:s3+s31], $0x80, v3, vm1, $0xb8;
	[tilespmem:$0x8700] =	vst v63  }
0x79: {  	v3 =	vld @!p0 [tilespmem:s29+$0x30];
	_ =	sdelay $0x4  }
0x7a: {  	v7 =	vshll.u32 @!p0 v3, $0x1  }
0x7b: {  	v3 =	vand.u32 @!p0 $0x7, v3;
	v7 =	vand.u32 @!p0 $0xFFFFFFF0, v7  }
0x7c: {  	v3 =	vor.u32 @!p0 v3, v7  }
0x7d: {  	v7 =	vperm.xlane @!p0 v3, v4;
	_ =	sdelay $0x1  }
0x7e: {  	v3 =	vperm.xlane @!p0 v3, v5;
	v7 =	vadd.s32 @!p0 v6, v7;
	_ =	sdelay $0x1  }
0x7f: {  	v3 =	vadd.s32 @!p0 v6, v3;
	_ =	sdelay $0x1  }
0x80: {  	s1 =	simm.s32 @!p0 $0x1700  }
0x81: {  	[tilespmem:s1], [sflag:$0x1] =	stream.indirect_vreg.gather @!p0 [hbm4b:s3+s31], $0x80, v7, vm1, $0xb8;
	[tilespmem:$0x8700] =	vst v63  }
0x82: {  	s1 =	simm.s32 @!p0 $0x1F00  }
0x83: {  	[tilespmem:s1], [sflag:$0x1] =	stream.indirect_vreg.gather @!p0 [hbm4b:s3+s31], $0x80, v3, vm1, $0xb8;
	[tilespmem:$0x8700] =	vst v63  }
0x84: {  	v3 =	vld @!p0 [tilespmem:s29+$0x40];
	_ =	sdelay $0x4  }
0x85: {  	v7 =	vshll.u32 @!p0 v3, $0x1  }
0x86: {  	v3 =	vand.u32 @!p0 $0x7, v3;
	v7 =	vand.u32 @!p0 $0xFFFFFFF0, v7  }
0x87: {  	v3 =	vor.u32 @!p0 v3, v7  }
0x88: {  	v7 =	vperm.xlane @!p0 v3, v4;
	_ =	sdelay $0x1  }
0x89: {  	v3 =	vperm.xlane @!p0 v3, v5;
	v7 =	vadd.s32 @!p0 v6, v7;
	_ =	sdelay $0x1  }
0x8a: {  	v3 =	vadd.s32 @!p0 v6, v3;
	_ =	sdelay $0x1  }
0x8b: {  	s1 =	simm.s32 @!p0 $0x2700  }
0x8c: {  	[tilespmem:s1], [sflag:$0x1] =	stream.indirect_vreg.gather @!p0 [hbm4b:s3+s31], $0x80, v7, vm1, $0xb8;
	[tilespmem:$0x8700] =	vst v63  }
0x8d: {  	s1 =	simm.s32 @!p0 $0x2F00  }
0x8e: {  	[tilespmem:s1], [sflag:$0x1] =	stream.indirect_vreg.gather @!p0 [hbm4b:s3+s31], $0x80, v3, vm1, $0xb8;
	[tilespmem:$0x8700] =	vst v63  }
0x8f: {  	v3 =	vld @!p0 [tilespmem:s29+$0x50];
	_ =	sdelay $0x4  }
0x90: {  	v7 =	vshll.u32 @!p0 v3, $0x1  }
0x91: {  	v3 =	vand.u32 @!p0 $0x7, v3;
	v7 =	vand.u32 @!p0 $0xFFFFFFF0, v7  }
0x92: {  	v3 =	vor.u32 @!p0 v3, v7  }
0x93: {  	v4 =	vperm.xlane @!p0 v3, v4;
	_ =	sdelay $0x1  }
0x94: {  	v3 =	vperm.xlane @!p0 v3, v5;
	v4 =	vadd.s32 @!p0 v6, v4;
	_ =	sdelay $0x1  }
0x95: {  	v3 =	vadd.s32 @!p0 v6, v3;
	_ =	sdelay $0x1  }
0x96: {  	s1 =	simm.s32 @!p0 $0x3700  }
0x97: {  	[tilespmem:s1], [sflag:$0x1] =	stream.indirect_vreg.gather @!p0 [hbm4b:s3+s31], $0x80, v4, vm1, $0xb8;
	[tilespmem:$0x8700] =	vst v63  }
0x98: {  	s1 =	simm.s32 @!p0 $0x3F00  }
0x99: {  	[tilespmem:s1], [sflag:$0x1] =	stream.indirect_vreg.gather @!p0 [hbm4b:s3+s31], $0x80, v3, vm1, $0xb8;
	[tilespmem:$0x8700] =	vst v63  }
0x9a: {  	s31 =	sadd.s32 s30, s6;
	s30 =	sadd.s32 $0x1000, s30;
	_ =	swait.ge [sflag:s26], $0x4000  }
0x9b: {  	p0 =	sne.s32 s30, $0xE000;
	[sflag:s26] =	ssyncset.done $0x0  }
.Ltmp0:
0x9c: {  	[sflag:s26] =	ssyncadd.s32 $0xFFFFC000;
	(pc) =	sbr.rel @p0 .LBB2_2-.Ltmp0, $4  }
0x9d: {  	[hbm4b:s31+s2] =	stream.linear.scatter [tilespmem:s17], [sflag:$0x3], $0x4000, $0x38;
	[tilespmem:$0x8700] =	vst v63  }
0x9e: {  	_ =	swait.ge [sflag:s8], $0x4000  }
0x9f: {  	[sflag:s8] =	ssyncset.done $0x0  }
0xa0: {  	s29 =	sadd.s32 $0x80, s29;
	[sflag:s8] =	ssyncadd.s32 $0xFFFFC000  }
0xa1: {  	s28 =	sadd.s32 $0x1, s28  }
0xa2: {  	p0 =	sne.s32 s28, s5  }
.Ltmp1:
0xa3: {  	_ = 	snop;
	(pc) =	sbr.rel @p0 .LBB2_1-.Ltmp1, $1  }
0xa4: {  	_ =	sdelay $0x3  }
0xa5: {  	_ =	sfence.sel $0x180000  }
0xa6: {  	[bflag:$0x0] =	sbarrier.arrive $0xFFFF  }
0xa7: {  	_ =	strace $0x90000050  }
0xa8: {  	[bflag:$0x2] =	sbarrier.arrive $0xFFFF  }
0xa9: {  	p0 =	sne.s32 s0, $0x0;
	s0 =	rddreg [dreg:$0x1]  }
0xaa: {  	s0 =	sadd.s32 @!p0 $0x100000, s0  }
0xab: {  	[sflag:s0] =	ssyncadd.tile.s32 @!p0 $0x1;
	_ =	shalt  }
.Lfunc_end2:
_tile_overlayer_lowered:
.L_overlay_start_2:
0xac: {  	(tag) =	ssettag $0x2  }
0xad: {  	s0 =	rddreg [dreg:$0x0];
	s2 =	stileid.u32  }
0xae: {  	s1 =	rddreg [dreg:$0x1];
	p0 =	sne.s32 s2, $0x0  }
0xaf: {  	s3 =	rddreg [dreg:$0x2];
	[bflag:$0x3] =	sbarrier.arrive $0xFFFF;
	s2 =	simm.s32 @!p0 $0x1C03  }
0xb0: {  	[timem:s3], [sflag:s2] =	dma.local @!p0 [hbm:s0], s1  }
0xb1: {  	s0 =	simm.s32 @!p0 $0x3  }
0xb2: {  	_ =	swait.ge @!p0 [sflag:s0], s1  }
0xb3: {  	s1 =	ssub.s32 @!p0 $0x0, s1;
	[sflag:s0] =	ssyncset.done @!p0 $0x0  }
0xb4: {  	[sflag:s0] =	ssyncadd.s32 @!p0 s1  }
0xb5: {  	[bflag:$0x3] =	sbarrier.arrive $0xFFFF  }
0xb6: {  	_ =	shalt  }

// kernel: kernel.17.cloned.1.call-start
scs
__scs_entry_jumppad:
0x0: {  	(pc) =	sbr.rel $0x88, $3  }
0x1: {  	(tag) =	ssettag $0x0;
	lr =	simm.s32 $0x1  }
0x2: {  	[smem:$0x3F8C] =	sst lr;
	_ =	strace $0xD0000000  }
0x3: {  	_ = 	snop  }
0x4: {  	_ = 	snop  }
0x5: {  	_ = 	snop  }
0x6: {  	_ = 	snop  }
0x7: {  	_ = 	snop  }
__scs_overlays_trampoline_lowered:
0x8: {  	[smem:$0x3F9B] =	sst s0  }
0x9: {  	[smem:$0x3F9C] =	sst s1  }
0xa: {  	[smem:$0x3F9D] =	sst s2  }
0xb: {  	[smem:$0x3F9E] =	sst s3  }
0xc: {  	[smem:$0x3F9F] =	sst s4  }
0xd: {  	[smem:$0x3FA0] =	sst s5  }
0xe: {  	[smem:$0x3FA1] =	sst s6  }
0xf: {  	[smem:$0x3FA2] =	sst s7  }
0x10: {  	[smem:$0x3FA3] =	sst s8  }
0x11: {  	[smem:$0x3FA4] =	sst s9;
	s0 =	simm.s32 @!p0 $0x0  }
0x12: {  	s1 =	sld [smem:$0x3F8A];
	s0 =	simm.s32 @p0 $0x1  }
0x13: {  	[smem:$0x3FA5] =	sst s0;
	s0 =	simm.s32 @!p1 $0x0  }
0x14: {  	s2 =	sld [smem:$0x3F89];
	s0 =	simm.s32 @p1 $0x1  }
0x15: {  	[smem:$0x3FA6] =	sst s0;
	s0 =	simm.s32 @!p2 $0x0  }
0x16: {  	s3 =	sld [smem:$0x3FDB];
	s0 =	simm.s32 @p2 $0x1  }
0x17: {  	s4 =	simm.s32 $0x1BF5;
	[smem:$0x3FA8] =	sst s0  }
0x18: {  	s0 =	sld [smem:$0x3F8B];
	_ =	swait.ge [sflag:s4], $0x0  }
0x19: {  	s7 =	sld [smem:$0x3F8C]  }
0x1a: {  	s8 =	sadd.s32 $0xFFFFE003, lr  }
0x1b: {  	s9 =	sadd.s32 $0xFFFFFEF7, lr;
	s5 =	simm.s32 $0xFFFFFFFF;
	p2 =	slt.u32 s8, $0xFFFFF086  }
0x1c: {  	p1 =	slt.u32 s9, $0xF7A;
	s5 =	simm.s32 @!p2 $0x0  }
0x1d: {  	s5 =	simm.s32 @p1 $0x1;
	p0 =	seq.s32 s7, s2  }
0x1e: {  	s7 =	smul.u32 @!p0 $0xF7A, s2;
	p2 =	seq.s32 @!p0 s5, $0x0  }
0x1f: {  	s9 =	smul.u32 $0xF7A, s1;
	s8 =	simm.s32 @!p0 $0x1BF5;
	p2 =	por !p2, p0  }
0x20: {  	[sflag:s8] =	ssyncset.s32 @!p0 $0xFFFFF086;
	s6 =	sadd.s32 @!p0 s3, s7;
	s7 =	simm.s32 @!p0 $0x108  }
0x21: {  	s3 =	sadd.s32 s3, s9;
	s6 =	sadd.s32 @!p0 $0x88, s6;
	s7 =	simm.s32 @p2 $0x1082  }
0x22: {  	[simem:s7], [sflag:s8] =	dma.local @!p0 [hbm:s6], $0xF7A  }
0x23: {  	s9 =	sor.u32 $0xD0000000, s2;
	s6 =	simm.s32 $0x108;
	_ =	swait.ge @!p0 [sflag:s8], $0x0  }
0x24: {  	s3 =	sadd.s32 $0x88, s3;
	s6 =	simm.s32 @!p1 $0x1082;
	[sflag:s4] =	ssyncset.s32 $0xFFFFF086  }
0x25: {  	[simem:s6], [sflag:s4] =	dma.local [hbm:s3], $0xF7A  }
0x26: {  	[smem:$0x3F8C] =	sst s1;
	(tag) =	ssettag s2;
	_ =	strace s9  }
0x27: {  	s1 =	sld [smem:$0x3F9C]  }
0x28: {  	s2 =	sld [smem:$0x3F9D]  }
0x29: {  	s4 =	sld [smem:$0x3F9F]  }
0x2a: {  	p0 =	seq.s32 s5, $0x0;
	s5 =	sld [smem:$0x3FA0]  }
0x2b: {  	s6 =	sld [smem:$0x3FA1]  }
0x2c: {  	s7 =	sld [smem:$0x3FA2]  }
0x2d: {  	s3 =	simm.s32 $0x108;
	s8 =	sld [smem:$0x3FA3]  }
0x2e: {  	s3 =	simm.s32 @!p0 $0x1082;
	s9 =	sld [smem:$0x3FA4]  }
0x2f: {  	lr =	sadd.s32 s0, s3;
	s0 =	sld [smem:$0x3F9B]  }
0x30: {  	s3 =	sld [smem:$0x3F9E]  }
0x31: {  	[smem:$0x3FA7] =	sst s10  }
0x32: {  	s10 =	sld [smem:$0x3FA5];
	_ =	sdelay $0x3  }
0x33: {  	p0 =	seq.s32 s10, $0x1;
	s10 =	sld [smem:$0x3FA7];
	_ =	sdelay $0x3  }
0x34: {  	[smem:$0x3FA7] =	sst s10  }
0x35: {  	s10 =	sld [smem:$0x3FA6];
	_ =	sdelay $0x3  }
0x36: {  	p1 =	seq.s32 s10, $0x1;
	s10 =	sld [smem:$0x3FA7];
	_ =	sdelay $0x3  }
0x37: {  	[smem:$0x3FA7] =	sst s10  }
0x38: {  	s10 =	sld [smem:$0x3FA8]  }
0x39: {  	_ = 	snop;
	(pc) =	sbr.ind lr, $3  }
0x3a: {  	_ = 	snop  }
0x3b: {  	_ = 	snop  }
0x3c: {  	p2 =	seq.s32 s10, $0x1;
	s10 =	sld [smem:$0x3FA7]  }
0x3d: {  	_ =	shalt  }
0x3e: {  	_ =	shalt  }
0x3f: {  	_ =	shalt  }
0x40: {  	_ =	shalt  }
0x41: {  	_ =	shalt  }
0x42: {  	_ =	shalt  }
0x43: {  	_ =	shalt  }
0x44: {  	_ =	shalt  }
0x45: {  	_ =	shalt  }
0x46: {  	_ =	shalt  }
0x47: {  	_ =	shalt  }
0x48: {  	_ =	shalt  }
0x49: {  	_ =	shalt  }
0x4a: {  	_ =	shalt  }
0x4b: {  	_ =	shalt  }
0x4c: {  	_ =	shalt  }
0x4d: {  	_ =	shalt  }
0x4e: {  	_ =	shalt  }
0x4f: {  	_ =	shalt  }
0x50: {  	_ =	shalt  }
0x51: {  	_ =	shalt  }
0x52: {  	_ =	shalt  }
0x53: {  	_ =	shalt  }
0x54: {  	_ =	shalt  }
0x55: {  	_ =	shalt  }
0x56: {  	_ =	shalt  }
0x57: {  	_ =	shalt  }
0x58: {  	_ =	shalt  }
0x59: {  	_ =	shalt  }
0x5a: {  	_ =	shalt  }
0x5b: {  	_ =	shalt  }
0x5c: {  	_ =	shalt  }
0x5d: {  	_ =	shalt  }
0x5e: {  	_ =	shalt  }
0x5f: {  	_ =	shalt  }
0x60: {  	_ =	shalt  }
0x61: {  	_ =	shalt  }
0x62: {  	_ =	shalt  }
0x63: {  	_ =	shalt  }
0x64: {  	_ =	shalt  }
0x65: {  	_ =	shalt  }
0x66: {  	_ =	shalt  }
0x67: {  	_ =	shalt  }
0x68: {  	_ =	shalt  }
0x69: {  	_ =	shalt  }
0x6a: {  	_ =	shalt  }
0x6b: {  	_ =	shalt  }
0x6c: {  	_ =	shalt  }
0x6d: {  	_ =	shalt  }
0x6e: {  	_ =	shalt  }
0x6f: {  	_ =	shalt  }
0x70: {  	_ =	shalt  }
0x71: {  	_ =	shalt  }
0x72: {  	_ =	shalt  }
0x73: {  	_ =	shalt  }
0x74: {  	_ =	shalt  }
0x75: {  	_ =	shalt  }
0x76: {  	_ =	shalt  }
0x77: {  	_ =	shalt  }
0x78: {  	_ =	shalt  }
0x79: {  	_ =	shalt  }
0x7a: {  	_ =	shalt  }
0x7b: {  	_ =	shalt  }
0x7c: {  	_ =	shalt  }
0x7d: {  	_ =	shalt  }
0x7e: {  	_ =	shalt  }
0x7f: {  	_ =	shalt  }
0x80: {  	_ =	shalt  }
0x81: {  	_ =	shalt  }
0x82: {  	_ =	shalt  }
0x83: {  	_ =	shalt  }
0x84: {  	_ =	shalt  }
0x85: {  	_ =	shalt  }
0x86: {  	_ =	shalt  }
0x87: {  	_ =	shalt  }
.Lfunc_end0:
.L_simem_size_0:
called_computation.4_lowered:
.L_overlay_start_0:
0x88: {  	s2 =	sld [smem:$0x3FD9]  }
0x89: {  	s3 =	sld [smem:$0x3FFE];
	_ =	sdelay $0x1  }
0x8a: {  	s1 =	srdreg.scid  }
0x8b: {  	s0 =	sand.u32 $0x1, s1  }
0x8c: {  	s16 =	sshll.u32 s0, $0xA;
	s2 =	sadd.s32 s3, s2  }
0x8d: {  	s2 =	sadd.s32 s2, s16  }
0x8e: {  	[smem:$0x3FB3] =	sst s2  }
0x8f: {  	_ = 	snop  }
0x90: {  	(tm) =	ssettm $0x1  }
0x91: {  	s17 =	sld [smem:$0x3FFB];
	_ =	sdelay $0x3  }
0x92: {  	_ =	strace s17  }
0x93: {  	s2 =	sld [smem:$0x3FFC];
	_ =	sdelay $0x3  }
0x94: {  	_ =	strace s2  }
0x95: {  	s2 =	sld [smem:$0x3FFD];
	_ =	sdelay $0x3  }
0x96: {  	_ =	strace s2  }
0x97: {  	_ =	strace $0x8FFFFFFF  }
0x98: {  	s18 =	sld [smem:$0x3FDB];
	_ =	sdelay $0x1  }
0x99: {  	s19 =	simm.s32 $_scs_section_size  }
0x9a: {  	s4 =	simm.s32 $_size__tile_overlayer_lowered;
	s5 =	simm.s32 $_tile_overlayer_lowered  }
0x9b: {  	s22 =	simm.s32 $0x1BFF;
	s21 =	sshll.u32 s5, $0x1;
	s2 =	sadd.s32 s19, s18  }
0x9c: {  	s6 =	simm.s32 $0x0;
	s20 =	sshll.u32 s4, $0x1;
	s4 =	sadd.s32 s21, s2  }
0x9d: {  	[timem:s6], [sflag:s22] =	dma.local [hbm:s4], s20  }
0x9e: {  	_ =	swait.ge [sflag:s22], s20  }
0x9f: {  	s3 =	ssub.s32 $0x0, s20;
	[sflag:s22] =	ssyncset.done $0x0  }
0xa0: {  	[sflag:s22] =	ssyncadd.s32 s3;
	_ =	sdelay $0x1  }
0xa1: {  	s23 =	simm.s32 $0x1B8B  }
0xa2: {  	_ =	swait.ge [sflag:s23], $0x1  }
0xa3: {  	[sflag:s23] =	ssyncset.done $0x0  }
0xa4: {  	s25 =	simm.s32 $0x1B8E;
	s24 =	sld [smem:$0x3FFE];
	[sflag:s23] =	ssyncadd.s32 $0xFFFFFFFF  }
0xa5: {  	s26 =	simm.s32 $execute0_lowered;
	[smem:$0x3FD2] =	sst s25  }
0xa6: {  	s4 =	sshll.u32 s26, $0x1;
	_ =	strace $0x80000052;
	[dreg:$0x1] =	wrdreg $0xFFFFFFFF  }
0xa7: {  	s28 =	simm.s32 $_size_execute0_lowered;
	s2 =	sadd.s32 s2, s4;
	[dreg:$0x0] =	wrdreg $0x0  }
0xa8: {  	s4 =	sshll.u32 s28, $0x1;
	[dreg:$0x2] =	wrdreg s2  }
0xa9: {  	[dreg:$0x3] =	wrdreg s4  }
0xaa: {  	[dreg:$0x4] =	wrdreg $0xC0  }
0xab: {  	_ =	task [dreg:s6], $0x5FFFF  }
0xac: {  	[dreg:$0x1] =	wrdreg $0xFFFFFFFF  }
0xad: {  	[dreg:$0x0] =	wrdreg $0x60  }
0xae: {  	[dreg:$0x2] =	wrdreg s24  }
0xaf: {  	[dreg:$0x3] =	wrdreg $0x9  }
0xb0: {  	_ =	task.clear_ibuf [dreg:s6], $0x4FFFF;
	_ =	strace $0x90000052  }
0xb1: {  	s29 =	simm.s32 $0x9;
	_ =	strace $0x80000054  }
0xb2: {  	_ =	swait.ge [sflag:s29], $0x1  }
0xb3: {  	[sflag:s29] =	ssyncadd.s32 $0xFFFFFFFF  }
0xb4: {  	_ =	strace $0x90000054  }
0xb5: {  	_ =	sfence  }
0xb6: {  	s30 =	sld [smem:$0x0];
	_ =	sdelay $0x2  }
0xb7: {  	s31 =	sshll.u32 s1, $0xD;
	s1 =	sshrl.u32 s1, $0x2  }
0xb8: {  	s3 =	sand.u32 $0x4000, s31;
	s1 =	sadd.s32 s1, s30  }
0xb9: {  	s0 =	sor.u32 s3, s0;
	s1 =	sshll.u32 s1, $0x11  }
0xba: {  	s0 =	sor.u32 s1, s0  }
0xbb: {  	s0 =	sadd.s32 $0x8F2B, s0  }
0xbc: {  	[sflag:s0] =	ssyncadd.remote.s32 $0x1  }
0xbd: {  	_ =	sfence.sel $0xFFFF  }
0xbe: {  	[dreg:$0x0] =	wrdreg $0xFFFFFFFF;
	(pc) =	sbr.abs _section_cstart, $3  }
0xbf: {  	[dreg:$0x1] =	wrdreg $0xFFFFFFFF  }
0xc0: {  	_ =	task.clear_ibuf [dreg:s6], $0x2FFFF;
	_ =	strace $0x9FFFFFFF  }
0xc1: {  	(tm) =	ssettm $0x7FFFFFFF  }
tec
execute0_lowered:
.L_overlay_start_1:
0x0: {  	(tag) =	ssettag $0x1  }
0x1: {  	s0 =	rddreg [dreg:$0x0];
	s1 =	srdreg.scid  }
0x2: {  	s3 =	stileid.u32;
	s2 =	simm.s32 $0x0;
	s10 =	simm.s32 $0x3  }
0x3: {  	s11 =	simm.s32 $0x700;
	s12 =	simm.s32 $0xC700;
	s19 =	simm.s32 $0xFF00  }
0x4: {  	s20 =	simm.s32 $0x10700;
	s21 =	simm.s32 $0x10F00;
	s22 =	simm.s32 $0x11700  }
0x5: {  	s23 =	simm.s32 $0x11F00;
	s28 =	simm.s32 $0x13F00;
	s29 =	simm.s32 $0x14700  }
0x6: {  	s30 =	simm.s32 $0x14F00;
	s31 =	simm.s32 $0x15700;
	s13 =	simm.s32 $0x17F00  }
0x7: {  	s14 =	simm.s32 $0x1;
	s15 =	simm.s32 $0x2;
	s17 =	simm.s32 $0x0  }
0x8: {  	s1 =	sand.u32 $0x1, s1;
	s4 =	smul.u32 $0xE00, s3;
	[smem:$0x7FF] =	sst s2  }
0x9: {  	s6 =	sshll.u32 s3, $0x1;
	s3 =	sadd.s32 $0x8A00, s0;
	s5 =	smul.u32 $0x700, s1  }
0xa: {  	s7 =	sadd.s32 $0x758C00, s0;
	s6 =	sor.u32 s1, s6;
	s1 =	ssub.s32 $0x2, s1  }
0xb: {  	s24 =	smul.u32 $0x700, s6;
	s8 =	sshrl.u32 s1, $0x1;
	s4 =	sadd.s32 s5, s4  }
0xc: {  	_ =	strace $0x80000053;
	s1 =	ssub.s32 s1, s8;
	s25 =	sor.u32 $0x40, s4  }
0xd: {  	s5 =	sshrl.u32 s24, $0x3;
	s4 =	sshrl.u32 s4, $0x3;
	s26 =	smax.u32 s1, $0x1  }
0xe: {  	s24 =	simm.s32 $0x12700;
	s1 =	simm.s32 $0x16700;
	s4 =	smul.u32 $0x300, s4  }
.Ltmp0:
0xf: {  	s6 =	sshrl.u32 s25, $0x3;
	s5 =	sadd.s32 s0, s5;
	(pc) =	sbr.rel .LBB2_1-.Ltmp0, $4  }
0x10: {  	[dreg:$0x3] =	wrdreg s26;
	s25 =	simm.s32 $0x12F00;
	s9 =	smul.u32 $0x300, s6  }
0x11: {  	v2 =	vlaneseq.u32;
	s26 =	simm.s32 $0x13700;
	[dreg:$0x2] =	wrdreg s5;
	s5 =	sadd.s32 $0x8B00, s0  }
0x12: {  	vm0 =	vmmov $0xffff;
	v1 =	vshrl.u32 v2, $0x3;
	s6 =	sadd.s32 $0x8C00, s0;
	s0 =	simm.s32 $0x15F00;
	s8 =	sadd.s32 s9, s7  }
0x13: {  	v0 =	vand.u32 $0x7, v2;
	v2 =	vor.u32 $0x8, v2;
	v1 =	vmul.u32 $0x8, v1;
	s9 =	sadd.s32 s4, s7;
	s4 =	simm.s32 $0x16F00;
	s7 =	simm.s32 $0x17700  }
.LBB2_5:
0x14: {  	s17 =	rddreg [dreg:$0x4]  }
0x15: {  	s16 =	rddreg [dreg:$0x3];
	s17 =	sadd.s32 $0x1, s17  }
0x16: {  	p0 =	sne.s32 s17, s16  }
.Ltmp1:
0x17: {  	_ = 	snop;
	(pc) =	sbr.rel @!p0 .LBB2_6-.Ltmp1, $1  }
0x18: {  	_ =	sdelay $0x3  }
.LBB2_1:
0x19: {  	[dreg:$0x4] =	wrdreg s17  }
0x1a: {  	s16 =	rddreg [dreg:$0x2]  }
0x1b: {  	[tilespmem:s2], [sflag:$0x3] =	stream.linear.gather [hbm4b:s16+s2], $0x700, $0x38;
	[tilespmem:$0x18700] =	vst v63  }
0x1c: {  	_ =	swait.ge [sflag:s10], $0x700  }
0x1d: {  	[sflag:s10] =	ssyncset.done $0x0  }
0x1e: {  	[sflag:s10] =	ssyncadd.s32 $0xFFFFF900  }
0x1f: {  	v3 =	vld [tilespmem:$0x0];
	_ =	sdelay $0x4  }
0x20: {  	v4 =	vshrl.u32 v3, $0x3  }
0x21: {  	v4 =	vmul.u32 $0x30, v4  }
0x22: {  	v3 =	vand.u32 $0x7, v3  }
0x23: {  	v3 =	vor.u32 v3, v4  }
0x24: {  	v4 =	vperm.xlane v3, v0;
	_ =	sdelay $0x1  }
0x25: {  	v4 =	vadd.s32 v1, v4;
	_ =	sdelay $0x3  }
0x26: {  	v3 =	vperm.xlane v3, v2  }
0x27: {  	[tilespmem:s11], [sflag:$0x1] =	stream.indirect_vreg.gather [hbm4b:s3+s2], $0x80, v4, vm0, $0xb8;
	[tilespmem:$0x18700] =	vst v63  }
0x28: {  	s18 =	simm.s32 $0xF00;
	v3 =	vadd.s32 v1, v3  }
0x29: {  	[tilespmem:s18], [sflag:$0x1] =	stream.indirect_vreg.gather [hbm4b:s5+s2], $0x80, v4, vm0, $0xb8;
	[tilespmem:$0x18700] =	vst v63  }
0x2a: {  	s17 =	simm.s32 $0x1700  }
0x2b: {  	[tilespmem:s17], [sflag:$0x1] =	stream.indirect_vreg.gather [hbm4b:s6+s2], $0x80, v4, vm0, $0xb8;
	[tilespmem:$0x18700] =	vst v63  }
0x2c: {  	s18 =	simm.s32 $0x1F00  }
0x2d: {  	[tilespmem:s18], [sflag:$0x1] =	stream.indirect_vreg.gather [hbm4b:s3+s2], $0x80, v3, vm0, $0xb8;
	[tilespmem:$0x18700] =	vst v63  }
0x2e: {  	s17 =	simm.s32 $0x2700  }
0x2f: {  	[tilespmem:s17], [sflag:$0x1] =	stream.indirect_vreg.gather [hbm4b:s5+s2], $0x80, v3, vm0, $0xb8;
	[tilespmem:$0x18700] =	vst v63  }
0x30: {  	s18 =	simm.s32 $0x2F00  }
0x31: {  	[tilespmem:s18], [sflag:$0x1] =	stream.indirect_vreg.gather [hbm4b:s6+s2], $0x80, v3, vm0, $0xb8;
	[tilespmem:$0x18700] =	vst v63  }
0x32: {  	v3 =	vld [tilespmem:$0x10];
	_ =	sdelay $0x4  }
0x33: {  	v61 =	vshrl.u32 v3, $0x3  }
0x34: {  	v4 =	vmul.u32 $0x30, v61  }
0x35: {  	v3 =	vand.u32 $0x7, v3  }
0x36: {  	v3 =	vor.u32 v3, v4  }
0x37: {  	v4 =	vperm.xlane v3, v0;
	_ =	sdelay $0x1  }
0x38: {  	v4 =	vadd.s32 v1, v4;
	_ =	sdelay $0x3  }
0x39: {  	s17 =	simm.s32 $0x3700;
	v3 =	vperm.xlane v3, v2  }
0x3a: {  	[tilespmem:s17], [sflag:$0x1] =	stream.indirect_vreg.gather [hbm4b:s3+s2], $0x80, v4, vm0, $0xb8;
	[tilespmem:$0x18700] =	vst v63  }
0x3b: {  	s18 =	simm.s32 $0x3F00;
	v3 =	vadd.s32 v1, v3  }
0x3c: {  	[tilespmem:s18], [sflag:$0x1] =	stream.indirect_vreg.gather [hbm4b:s5+s2], $0x80, v4, vm0, $0xb8;
	[tilespmem:$0x18700] =	vst v63  }
0x3d: {  	s17 =	simm.s32 $0x4700  }
0x3e: {  	[tilespmem:s17], [sflag:$0x1] =	stream.indirect_vreg.gather [hbm4b:s6+s2], $0x80, v4, vm0, $0xb8;
	[tilespmem:$0x18700] =	vst v63  }
0x3f: {  	s18 =	simm.s32 $0x4F00  }
0x40: {  	[tilespmem:s18], [sflag:$0x1] =	stream.indirect_vreg.gather [hbm4b:s3+s2], $0x80, v3, vm0, $0xb8;
	[tilespmem:$0x18700] =	vst v63  }
0x41: {  	s17 =	simm.s32 $0x5700  }
0x42: {  	[tilespmem:s17], [sflag:$0x1] =	stream.indirect_vreg.gather [hbm4b:s5+s2], $0x80, v3, vm0, $0xb8;
	[tilespmem:$0x18700] =	vst v63  }
0x43: {  	s18 =	simm.s32 $0x5F00  }
0x44: {  	[tilespmem:s18], [sflag:$0x1] =	stream.indirect_vreg.gather [hbm4b:s6+s2], $0x80, v3, vm0, $0xb8;
	[tilespmem:$0x18700] =	vst v63  }
0x45: {  	v3 =	vld [tilespmem:$0x20];
	_ =	sdelay $0x4  }
0x46: {  	v62 =	vshrl.u32 v3, $0x3  }
0x47: {  	v4 =	vmul.u32 $0x30, v62  }
0x48: {  	v3 =	vand.u32 $0x7, v3  }
0x49: {  	v3 =	vor.u32 v3, v4  }
0x4a: {  	v4 =	vperm.xlane v3, v0;
	_ =	sdelay $0x1  }
0x4b: {  	v4 =	vadd.s32 v1, v4;
	_ =	sdelay $0x3  }
0x4c: {  	s17 =	simm.s32 $0x6700;
	v3 =	vperm.xlane v3, v2  }
0x4d: {  	[tilespmem:s17], [sflag:$0x1] =	stream.indirect_vreg.gather [hbm4b:s3+s2], $0x80, v4, vm0, $0xb8;
	[tilespmem:$0x18700] =	vst v63  }
0x4e: {  	s18 =	simm.s32 $0x6F00;
	v3 =	vadd.s32 v1, v3  }
0x4f: {  	[tilespmem:s18], [sflag:$0x1] =	stream.indirect_vreg.gather [hbm4b:s5+s2], $0x80, v4, vm0, $0xb8;
	[tilespmem:$0x18700] =	vst v63  }
0x50: {  	s17 =	simm.s32 $0x7700  }
0x51: {  	[tilespmem:s17], [sflag:$0x1] =	stream.indirect_vreg.gather [hbm4b:s6+s2], $0x80, v4, vm0, $0xb8;
	[tilespmem:$0x18700] =	vst v63  }
0x52: {  	s18 =	simm.s32 $0x7F00  }
0x53: {  	[tilespmem:s18], [sflag:$0x1] =	stream.indirect_vreg.gather [hbm4b:s3+s2], $0x80, v3, vm0, $0xb8;
	[tilespmem:$0x18700] =	vst v63  }
0x54: {  	s17 =	simm.s32 $0x8700  }
0x55: {  	[tilespmem:s17], [sflag:$0x1] =	stream.indirect_vreg.gather [hbm4b:s5+s2], $0x80, v3, vm0, $0xb8;
	[tilespmem:$0x18700] =	vst v63  }
0x56: {  	s18 =	simm.s32 $0x8F00  }
0x57: {  	[tilespmem:s18], [sflag:$0x1] =	stream.indirect_vreg.gather [hbm4b:s6+s2], $0x80, v3, vm0, $0xb8;
	[tilespmem:$0x18700] =	vst v63  }
0x58: {  	v3 =	vld [tilespmem:$0x30];
	_ =	sdelay $0x4  }
0x59: {  	v63 =	vshrl.u32 v3, $0x3  }
0x5a: {  	v4 =	vmul.u32 $0x30, v63  }
0x5b: {  	v3 =	vand.u32 $0x7, v3  }
0x5c: {  	v3 =	vor.u32 v3, v4  }
0x5d: {  	v4 =	vperm.xlane v3, v0;
	_ =	sdelay $0x1  }
0x5e: {  	v4 =	vadd.s32 v1, v4;
	_ =	sdelay $0x3  }
0x5f: {  	s17 =	simm.s32 $0x9700;
	v3 =	vperm.xlane v3, v2  }
0x60: {  	[tilespmem:s17], [sflag:$0x1] =	stream.indirect_vreg.gather [hbm4b:s3+s2], $0x80, v4, vm0, $0xb8;
	[tilespmem:$0x18700] =	vst v63  }
0x61: {  	s18 =	simm.s32 $0x9F00;
	v3 =	vadd.s32 v1, v3  }
0x62: {  	[tilespmem:s18], [sflag:$0x1] =	stream.indirect_vreg.gather [hbm4b:s5+s2], $0x80, v4, vm0, $0xb8;
	[tilespmem:$0x18700] =	vst v63  }
0x63: {  	s17 =	simm.s32 $0xA700  }
0x64: {  	[tilespmem:s17], [sflag:$0x1] =	stream.indirect_vreg.gather [hbm4b:s6+s2], $0x80, v4, vm0, $0xb8;
	[tilespmem:$0x18700] =	vst v63  }
0x65: {  	s18 =	simm.s32 $0xAF00  }
0x66: {  	[tilespmem:s18], [sflag:$0x1] =	stream.indirect_vreg.gather [hbm4b:s3+s2], $0x80, v3, vm0, $0xb8;
	[tilespmem:$0x18700] =	vst v63  }
.Ltmp2:
0x67: {  	_ = 	snop;
	(pc) =	sbr.rel .LBB2_2-.Ltmp2, $4  }
0x68: {  	s17 =	simm.s32 $0xB700  }
0x69: {  	[tilespmem:s17], [sflag:$0x1] =	stream.indirect_vreg.gather [hbm4b:s5+s2], $0x80, v3, vm0, $0xb8;
	[tilespmem:$0x18700] =	vst v63  }
0x6a: {  	s16 =	simm.s32 $0x60;
	s18 =	simm.s32 $0xBF00;
	s17 =	simm.s32 $0x0  }
0x6b: {  	[tilespmem:s18], [sflag:$0x1] =	stream.indirect_vreg.gather [hbm4b:s6+s2], $0x80, v3, vm0, $0xb8;
	[tilespmem:$0x18700] =	vst v63  }
.LBB2_4:
0x6c: {  	_ =	swait.ge [sflag:s15], $0xC000;
	s18 =	sadd.s32 s17, s8;
	s17 =	sadd.s32 $0x3000, s17  }
0x6d: {  	[sflag:s15] =	ssyncset.done $0x0;
	p0 =	sne.s32 s17, $0x2A000  }
.Ltmp3:
0x6e: {  	[sflag:s15] =	ssyncadd.s32 $0xFFFF4000;
	(pc) =	sbr.rel @!p0 .LBB2_5-.Ltmp3, $4  }
0x6f: {  	[hbm4b:s18+s2] =	stream.linear.scatter [tilespmem:s12], [sflag:$0x3], $0xC000, $0x38;
	[tilespmem:$0x18700] =	vst v63  }
0x70: {  	_ =	swait.ge [sflag:s10], $0xC000  }
0x71: {  	[sflag:s10] =	ssyncset.done $0x0  }
0x72: {  	s16 =	sadd.s32 $0x80, s16;
	[sflag:s10] =	ssyncadd.s32 $0xFFFF4000  }
.LBB2_2:
0x73: {  	v3 =	vld [tilespmem:s16+$0xFFFFFFE0];
	_ =	sdelay $0x4  }
0x74: {  	v4 =	vshrl.u32 v3, $0x3  }
0x75: {  	v4 =	vmul.u32 $0x30, v4  }
0x76: {  	v3 =	vand.u32 $0x7, v3  }
0x77: {  	v3 =	vor.u32 v3, v4  }
0x78: {  	v4 =	vperm.xlane v3, v0;
	_ =	sdelay $0x1  }
0x79: {  	v4 =	vadd.s32 v1, v4;
	_ =	sdelay $0x3  }
0x7a: {  	v3 =	vperm.xlane v3, v2  }
0x7b: {  	[tilespmem:s12], [sflag:$0x2] =	stream.indirect_vreg.gather [hbm4b:s3+s2], $0x80, v4, vm0, $0xb8;
	[tilespmem:$0x18700] =	vst v63  }
0x7c: {  	s18 =	simm.s32 $0xCF00;
	v3 =	vadd.s32 v1, v3  }
0x7d: {  	[tilespmem:s18], [sflag:$0x2] =	stream.indirect_vreg.gather [hbm4b:s5+s2], $0x80, v4, vm0, $0xb8;
	[tilespmem:$0x18700] =	vst v63  }
0x7e: {  	s18 =	simm.s32 $0xD700  }
0x7f: {  	[tilespmem:s18], [sflag:$0x2] =	stream.indirect_vreg.gather [hbm4b:s6+s2], $0x80, v4, vm0, $0xb8;
	[tilespmem:$0x18700] =	vst v63  }
0x80: {  	s18 =	simm.s32 $0xDF00  }
0x81: {  	[tilespmem:s18], [sflag:$0x2] =	stream.indirect_vreg.gather [hbm4b:s3+s2], $0x80, v3, vm0, $0xb8;
	[tilespmem:$0x18700] =	vst v63  }
0x82: {  	s18 =	simm.s32 $0xE700  }
0x83: {  	[tilespmem:s18], [sflag:$0x2] =	stream.indirect_vreg.gather [hbm4b:s5+s2], $0x80, v3, vm0, $0xb8;
	[tilespmem:$0x18700] =	vst v63  }
0x84: {  	s18 =	simm.s32 $0xEF00  }
0x85: {  	[tilespmem:s18], [sflag:$0x2] =	stream.indirect_vreg.gather [hbm4b:s6+s2], $0x80, v3, vm0, $0xb8;
	[tilespmem:$0x18700] =	vst v63  }
0x86: {  	v3 =	vld [tilespmem:s16+$0xFFFFFFF0];
	_ =	sdelay $0x4  }
0x87: {  	v61 =	vshrl.u32 v3, $0x3  }
0x88: {  	v4 =	vmul.u32 $0x30, v61  }
0x89: {  	v3 =	vand.u32 $0x7, v3  }
0x8a: {  	v3 =	vor.u32 v3, v4  }
0x8b: {  	v4 =	vperm.xlane v3, v0;
	_ =	sdelay $0x1  }
0x8c: {  	v4 =	vadd.s32 v1, v4;
	_ =	sdelay $0x3  }
0x8d: {  	s18 =	simm.s32 $0xF700;
	v3 =	vperm.xlane v3, v2  }
0x8e: {  	[tilespmem:s18], [sflag:$0x2] =	stream.indirect_vreg.gather [hbm4b:s3+s2], $0x80, v4, vm0, $0xb8;
	[tilespmem:$0x18700] =	vst v63  }
0x8f: {  	v3 =	vadd.s32 v1, v3  }
0x90: {  	[tilespmem:s19], [sflag:$0x2] =	stream.indirect_vreg.gather [hbm4b:s5+s2], $0x80, v4, vm0, $0xb8;
	[tilespmem:$0x18700] =	vst v63  }
0x91: {  	_ = 	snop  }
0x92: {  	[tilespmem:s20], [sflag:$0x2] =	stream.indirect_vreg.gather [hbm4b:s6+s2], $0x80, v4, vm0, $0xb8;
	[tilespmem:$0x18700] =	vst v63  }
0x93: {  	_ = 	snop  }
0x94: {  	[tilespmem:s21], [sflag:$0x2] =	stream.indirect_vreg.gather [hbm4b:s3+s2], $0x80, v3, vm0, $0xb8;
	[tilespmem:$0x18700] =	vst v63  }
0x95: {  	_ = 	snop  }
0x96: {  	[tilespmem:s22], [sflag:$0x2] =	stream.indirect_vreg.gather [hbm4b:s5+s2], $0x80, v3, vm0, $0xb8;
	[tilespmem:$0x18700] =	vst v63  }
0x97: {  	_ = 	snop  }
0x98: {  	[tilespmem:s23], [sflag:$0x2] =	stream.indirect_vreg.gather [hbm4b:s6+s2], $0x80, v3, vm0, $0xb8;
	[tilespmem:$0x18700] =	vst v63  }
0x99: {  	v3 =	vld [tilespmem:s16+$0x0];
	_ =	sdelay $0x4  }
0x9a: {  	v62 =	vshrl.u32 v3, $0x3  }
0x9b: {  	v4 =	vmul.u32 $0x30, v62  }
0x9c: {  	v3 =	vand.u32 $0x7, v3  }
0x9d: {  	v3 =	vor.u32 v3, v4  }
0x9e: {  	v4 =	vperm.xlane v3, v0;
	_ =	sdelay $0x1  }
0x9f: {  	v4 =	vadd.s32 v1, v4;
	_ =	sdelay $0x3  }
0xa0: {  	v3 =	vperm.xlane v3, v2  }
0xa1: {  	[tilespmem:s24], [sflag:$0x2] =	stream.indirect_vreg.gather [hbm4b:s3+s2], $0x80, v4, vm0, $0xb8;
	[tilespmem:$0x18700] =	vst v63  }
0xa2: {  	v3 =	vadd.s32 v1, v3  }
0xa3: {  	[tilespmem:s25], [sflag:$0x2] =	stream.indirect_vreg.gather [hbm4b:s5+s2], $0x80, v4, vm0, $0xb8;
	[tilespmem:$0x18700] =	vst v63  }
0xa4: {  	_ = 	snop  }
0xa5: {  	[tilespmem:s26], [sflag:$0x2] =	stream.indirect_vreg.gather [hbm4b:s6+s2], $0x80, v4, vm0, $0xb8;
	[tilespmem:$0x18700] =	vst v63  }
0xa6: {  	_ = 	snop  }
0xa7: {  	[tilespmem:s28], [sflag:$0x2] =	stream.indirect_vreg.gather [hbm4b:s3+s2], $0x80, v3, vm0, $0xb8;
	[tilespmem:$0x18700] =	vst v63  }
0xa8: {  	_ = 	snop  }
0xa9: {  	[tilespmem:s29], [sflag:$0x2] =	stream.indirect_vreg.gather [hbm4b:s5+s2], $0x80, v3, vm0, $0xb8;
	[tilespmem:$0x18700] =	vst v63  }
0xaa: {  	_ = 	snop  }
0xab: {  	[tilespmem:s30], [sflag:$0x2] =	stream.indirect_vreg.gather [hbm4b:s6+s2], $0x80, v3, vm0, $0xb8;
	[tilespmem:$0x18700] =	vst v63  }
0xac: {  	v3 =	vld [tilespmem:s16+$0x10];
	_ =	sdelay $0x4  }
0xad: {  	v63 =	vshrl.u32 v3, $0x3  }
0xae: {  	v4 =	vmul.u32 $0x30, v63  }
0xaf: {  	v3 =	vand.u32 $0x7, v3  }
0xb0: {  	v3 =	vor.u32 v3, v4  }
0xb1: {  	v4 =	vperm.xlane v3, v0;
	_ =	sdelay $0x1  }
0xb2: {  	v4 =	vadd.s32 v1, v4;
	_ =	sdelay $0x3  }
0xb3: {  	v3 =	vperm.xlane v3, v2  }
0xb4: {  	[tilespmem:s31], [sflag:$0x2] =	stream.indirect_vreg.gather [hbm4b:s3+s2], $0x80, v4, vm0, $0xb8;
	[tilespmem:$0x18700] =	vst v63  }
0xb5: {  	v3 =	vadd.s32 v1, v3  }
0xb6: {  	[tilespmem:s0], [sflag:$0x2] =	stream.indirect_vreg.gather [hbm4b:s5+s2], $0x80, v4, vm0, $0xb8;
	[tilespmem:$0x18700] =	vst v63  }
0xb7: {  	_ = 	snop  }
0xb8: {  	[tilespmem:s1], [sflag:$0x2] =	stream.indirect_vreg.gather [hbm4b:s6+s2], $0x80, v4, vm0, $0xb8;
	[tilespmem:$0x18700] =	vst v63  }
0xb9: {  	_ = 	snop  }
0xba: {  	[tilespmem:s4], [sflag:$0x2] =	stream.indirect_vreg.gather [hbm4b:s3+s2], $0x80, v3, vm0, $0xb8;
	[tilespmem:$0x18700] =	vst v63  }
0xbb: {  	_ = 	snop  }
0xbc: {  	[tilespmem:s7], [sflag:$0x2] =	stream.indirect_vreg.gather [hbm4b:s5+s2], $0x80, v3, vm0, $0xb8;
	[tilespmem:$0x18700] =	vst v63  }
0xbd: {  	_ = 	snop  }
0xbe: {  	[tilespmem:s13], [sflag:$0x2] =	stream.indirect_vreg.gather [hbm4b:s6+s2], $0x80, v3, vm0, $0xb8;
	[tilespmem:$0x18700] =	vst v63  }
0xbf: {  	_ =	swait.ge [sflag:s14], $0xC000  }
0xc0: {  	p0 =	seq.s32 s17, $0x27000;
	[sflag:s14] =	ssyncset.done $0x0  }
.Ltmp4:
0xc1: {  	s18 =	sadd.s32 s17, s9;
	[sflag:s14] =	ssyncadd.s32 $0xFFFF4000;
	(pc) =	sbr.rel @p0 .LBB2_4-.Ltmp4, $4  }
0xc2: {  	[hbm4b:s18+s2] =	stream.linear.scatter [tilespmem:s11], [sflag:$0x3], $0xC000, $0x38;
	[tilespmem:$0x18700] =	vst v63  }
0xc3: {  	_ =	swait.ge [sflag:s10], $0xC000  }
0xc4: {  	[sflag:s10] =	ssyncset.done $0x0  }
0xc5: {  	[sflag:s10] =	ssyncadd.s32 $0xFFFF4000  }
0xc6: {  	v3 =	vld [tilespmem:s16+$0x20];
	_ =	sdelay $0x4  }
0xc7: {  	v4 =	vshrl.u32 v3, $0x3  }
0xc8: {  	v4 =	vmul.u32 $0x30, v4  }
0xc9: {  	v3 =	vand.u32 $0x7, v3  }
0xca: {  	v3 =	vor.u32 v3, v4  }
0xcb: {  	v4 =	vperm.xlane v3, v0;
	_ =	sdelay $0x1  }
0xcc: {  	v4 =	vadd.s32 v1, v4;
	_ =	sdelay $0x3  }
0xcd: {  	v3 =	vperm.xlane v3, v2  }
0xce: {  	[tilespmem:s11], [sflag:$0x1] =	stream.indirect_vreg.gather [hbm4b:s3+s2], $0x80, v4, vm0, $0xb8;
	[tilespmem:$0x18700] =	vst v63  }
0xcf: {  	s18 =	simm.s32 $0xF00;
	v3 =	vadd.s32 v1, v3  }
0xd0: {  	[tilespmem:s18], [sflag:$0x1] =	stream.indirect_vreg.gather [hbm4b:s5+s2], $0x80, v4, vm0, $0xb8;
	[tilespmem:$0x18700] =	vst v63  }
0xd1: {  	s18 =	simm.s32 $0x1700  }
0xd2: {  	[tilespmem:s18], [sflag:$0x1] =	stream.indirect_vreg.gather [hbm4b:s6+s2], $0x80, v4, vm0, $0xb8;
	[tilespmem:$0x18700] =	vst v63  }
0xd3: {  	s18 =	simm.s32 $0x1F00  }
0xd4: {  	[tilespmem:s18], [sflag:$0x1] =	stream.indirect_vreg.gather [hbm4b:s3+s2], $0x80, v3, vm0, $0xb8;
	[tilespmem:$0x18700] =	vst v63  }
0xd5: {  	s18 =	simm.s32 $0x2700  }
0xd6: {  	[tilespmem:s18], [sflag:$0x1] =	stream.indirect_vreg.gather [hbm4b:s5+s2], $0x80, v3, vm0, $0xb8;
	[tilespmem:$0x18700] =	vst v63  }
0xd7: {  	s18 =	simm.s32 $0x2F00  }
0xd8: {  	[tilespmem:s18], [sflag:$0x1] =	stream.indirect_vreg.gather [hbm4b:s6+s2], $0x80, v3, vm0, $0xb8;
	[tilespmem:$0x18700] =	vst v63  }
0xd9: {  	v3 =	vld [tilespmem:s16+$0x30];
	_ =	sdelay $0x4  }
0xda: {  	v61 =	vshrl.u32 v3, $0x3  }
0xdb: {  	v4 =	vmul.u32 $0x30, v61  }
0xdc: {  	v3 =	vand.u32 $0x7, v3  }
0xdd: {  	v3 =	vor.u32 v3, v4  }
0xde: {  	v4 =	vperm.xlane v3, v0;
	_ =	sdelay $0x1  }
0xdf: {  	v4 =	vadd.s32 v1, v4;
	_ =	sdelay $0x3  }
0xe0: {  	s18 =	simm.s32 $0x3700;
	v3 =	vperm.xlane v3, v2  }
0xe1: {  	[tilespmem:s18], [sflag:$0x1] =	stream.indirect_vreg.gather [hbm4b:s3+s2], $0x80, v4, vm0, $0xb8;
	[tilespmem:$0x18700] =	vst v63  }
0xe2: {  	v3 =	vadd.s32 v1, v3;
	s18 =	simm.s32 $0x3F00  }
0xe3: {  	[tilespmem:s18], [sflag:$0x1] =	stream.indirect_vreg.gather [hbm4b:s5+s2], $0x80, v4, vm0, $0xb8;
	[tilespmem:$0x18700] =	vst v63  }
0xe4: {  	s18 =	simm.s32 $0x4700  }
0xe5: {  	[tilespmem:s18], [sflag:$0x1] =	stream.indirect_vreg.gather [hbm4b:s6+s2], $0x80, v4, vm0, $0xb8;
	[tilespmem:$0x18700] =	vst v63  }
0xe6: {  	s18 =	simm.s32 $0x4F00  }
0xe7: {  	[tilespmem:s18], [sflag:$0x1] =	stream.indirect_vreg.gather [hbm4b:s3+s2], $0x80, v3, vm0, $0xb8;
	[tilespmem:$0x18700] =	vst v63  }
0xe8: {  	s18 =	simm.s32 $0x5700  }
0xe9: {  	[tilespmem:s18], [sflag:$0x1] =	stream.indirect_vreg.gather [hbm4b:s5+s2], $0x80, v3, vm0, $0xb8;
	[tilespmem:$0x18700] =	vst v63  }
0xea: {  	s18 =	simm.s32 $0x5F00  }
0xeb: {  	[tilespmem:s18], [sflag:$0x1] =	stream.indirect_vreg.gather [hbm4b:s6+s2], $0x80, v3, vm0, $0xb8;
	[tilespmem:$0x18700] =	vst v63  }
0xec: {  	v3 =	vld [tilespmem:s16+$0x40];
	_ =	sdelay $0x4  }
0xed: {  	v62 =	vshrl.u32 v3, $0x3  }
0xee: {  	v4 =	vmul.u32 $0x30, v62  }
0xef: {  	v3 =	vand.u32 $0x7, v3  }
0xf0: {  	v3 =	vor.u32 v3, v4  }
0xf1: {  	v4 =	vperm.xlane v3, v0;
	_ =	sdelay $0x1  }
0xf2: {  	v4 =	vadd.s32 v1, v4;
	_ =	sdelay $0x3  }
0xf3: {  	s18 =	simm.s32 $0x6700;
	v3 =	vperm.xlane v3, v2  }
0xf4: {  	[tilespmem:s18], [sflag:$0x1] =	stream.indirect_vreg.gather [hbm4b:s3+s2], $0x80, v4, vm0, $0xb8;
	[tilespmem:$0x18700] =	vst v63  }
0xf5: {  	v3 =	vadd.s32 v1, v3;
	s18 =	simm.s32 $0x6F00  }
0xf6: {  	[tilespmem:s18], [sflag:$0x1] =	stream.indirect_vreg.gather [hbm4b:s5+s2], $0x80, v4, vm0, $0xb8;
	[tilespmem:$0x18700] =	vst v63  }
0xf7: {  	s18 =	simm.s32 $0x7700  }
0xf8: {  	[tilespmem:s18], [sflag:$0x1] =	stream.indirect_vreg.gather [hbm4b:s6+s2], $0x80, v4, vm0, $0xb8;
	[tilespmem:$0x18700] =	vst v63  }
0xf9: {  	s18 =	simm.s32 $0x7F00  }
0xfa: {  	[tilespmem:s18], [sflag:$0x1] =	stream.indirect_vreg.gather [hbm4b:s3+s2], $0x80, v3, vm0, $0xb8;
	[tilespmem:$0x18700] =	vst v63  }
0xfb: {  	s18 =	simm.s32 $0x8700  }
0xfc: {  	[tilespmem:s18], [sflag:$0x1] =	stream.indirect_vreg.gather [hbm4b:s5+s2], $0x80, v3, vm0, $0xb8;
	[tilespmem:$0x18700] =	vst v63  }
0xfd: {  	s18 =	simm.s32 $0x8F00  }
0xfe: {  	[tilespmem:s18], [sflag:$0x1] =	stream.indirect_vreg.gather [hbm4b:s6+s2], $0x80, v3, vm0, $0xb8;
	[tilespmem:$0x18700] =	vst v63  }
0xff: {  	v3 =	vld [tilespmem:s16+$0x50];
	_ =	sdelay $0x4  }
0x100: {  	v63 =	vshrl.u32 v3, $0x3  }
0x101: {  	v4 =	vmul.u32 $0x30, v63  }
0x102: {  	v3 =	vand.u32 $0x7, v3  }
0x103: {  	v3 =	vor.u32 v3, v4  }
0x104: {  	v4 =	vperm.xlane v3, v0;
	_ =	sdelay $0x1  }
0x105: {  	v4 =	vadd.s32 v1, v4;
	_ =	sdelay $0x3  }
0x106: {  	s18 =	simm.s32 $0x9700;
	v3 =	vperm.xlane v3, v2  }
0x107: {  	[tilespmem:s18], [sflag:$0x1] =	stream.indirect_vreg.gather [hbm4b:s3+s2], $0x80, v4, vm0, $0xb8;
	[tilespmem:$0x18700] =	vst v63  }
0x108: {  	v3 =	vadd.s32 v1, v3;
	s18 =	simm.s32 $0x9F00  }
0x109: {  	[tilespmem:s18], [sflag:$0x1] =	stream.indirect_vreg.gather [hbm4b:s5+s2], $0x80, v4, vm0, $0xb8;
	[tilespmem:$0x18700] =	vst v63  }
0x10a: {  	s18 =	simm.s32 $0xA700  }
0x10b: {  	[tilespmem:s18], [sflag:$0x1] =	stream.indirect_vreg.gather [hbm4b:s6+s2], $0x80, v4, vm0, $0xb8;
	[tilespmem:$0x18700] =	vst v63  }
0x10c: {  	s18 =	simm.s32 $0xAF00  }
0x10d: {  	[tilespmem:s18], [sflag:$0x1] =	stream.indirect_vreg.gather [hbm4b:s3+s2], $0x80, v3, vm0, $0xb8;
	[tilespmem:$0x18700] =	vst v63  }
.Ltmp5:
0x10e: {  	_ = 	snop;
	(pc) =	sbr.rel .LBB2_4-.Ltmp5, $4  }
0x10f: {  	s18 =	simm.s32 $0xB700  }
0x110: {  	[tilespmem:s18], [sflag:$0x1] =	stream.indirect_vreg.gather [hbm4b:s5+s2], $0x80, v3, vm0, $0xb8;
	[tilespmem:$0x18700] =	vst v63  }
0x111: {  	s18 =	simm.s32 $0xBF00  }
0x112: {  	[tilespmem:s18], [sflag:$0x1] =	stream.indirect_vreg.gather [hbm4b:s6+s2], $0x80, v3, vm0, $0xb8;
	[tilespmem:$0x18700] =	vst v63  }
.LBB2_6:
0x113: {  	_ =	sfence.sel $0x180000  }
0x114: {  	[bflag:$0x0] =	sbarrier.arrive $0xFFFF  }
0x115: {  	_ =	strace $0x90000053  }
0x116: {  	s0 =	stileid.u32;
	[bflag:$0x2] =	sbarrier.arrive $0xFFFF  }
0x117: {  	p0 =	sne.s32 s0, $0x0;
	s0 =	rddreg [dreg:$0x1]  }
0x118: {  	s0 =	sadd.s32 @!p0 $0x100000, s0  }
0x119: {  	[sflag:s0] =	ssyncadd.tile.s32 @!p0 $0x1;
	_ =	shalt  }
.Lfunc_end2:
_tile_overlayer_lowered:
.L_overlay_start_2:
0x11a: {  	(tag) =	ssettag $0x2  }
0x11b: {  	s0 =	rddreg [dreg:$0x0];
	s2 =	stileid.u32  }
0x11c: {  	s1 =	rddreg [dreg:$0x1];
	p0 =	sne.s32 s2, $0x0  }
0x11d: {  	s3 =	rddreg [dreg:$0x2];
	[bflag:$0x3] =	sbarrier.arrive $0xFFFF;
	s2 =	simm.s32 @!p0 $0x1C03  }
0x11e: {  	[timem:s3], [sflag:s2] =	dma.local @!p0 [hbm:s0], s1  }
0x11f: {  	s0 =	simm.s32 @!p0 $0x3  }
0x120: {  	_ =	swait.ge @!p0 [sflag:s0], s1  }
0x121: {  	s1 =	ssub.s32 @!p0 $0x0, s1;
	[sflag:s0] =	ssyncset.done @!p0 $0x0  }
0x122: {  	[sflag:s0] =	ssyncadd.s32 @!p0 s1  }
0x123: {  	[bflag:$0x3] =	sbarrier.arrive $0xFFFF  }
0x124: {  	_ =	shalt  }

// kernel: kernel.20.cloned.1.call-start
scs
__scs_entry_jumppad:
0x0: {  	(pc) =	sbr.rel $0x88, $3  }
0x1: {  	(tag) =	ssettag $0x0;
	lr =	simm.s32 $0x1  }
0x2: {  	[smem:$0x3F8C] =	sst lr;
	_ =	strace $0xD0000000  }
0x3: {  	_ = 	snop  }
0x4: {  	_ = 	snop  }
0x5: {  	_ = 	snop  }
0x6: {  	_ = 	snop  }
0x7: {  	_ = 	snop  }
__scs_overlays_trampoline_lowered:
0x8: {  	[smem:$0x3F9B] =	sst s0  }
0x9: {  	[smem:$0x3F9C] =	sst s1  }
0xa: {  	[smem:$0x3F9D] =	sst s2  }
0xb: {  	[smem:$0x3F9E] =	sst s3  }
0xc: {  	[smem:$0x3F9F] =	sst s4  }
0xd: {  	[smem:$0x3FA0] =	sst s5  }
0xe: {  	[smem:$0x3FA1] =	sst s6  }
0xf: {  	[smem:$0x3FA2] =	sst s7  }
0x10: {  	[smem:$0x3FA3] =	sst s8  }
0x11: {  	[smem:$0x3FA4] =	sst s9;
	s0 =	simm.s32 @!p0 $0x0  }
0x12: {  	s1 =	sld [smem:$0x3F8A];
	s0 =	simm.s32 @p0 $0x1  }
0x13: {  	[smem:$0x3FA5] =	sst s0;
	s0 =	simm.s32 @!p1 $0x0  }
0x14: {  	s2 =	sld [smem:$0x3F89];
	s0 =	simm.s32 @p1 $0x1  }
0x15: {  	[smem:$0x3FA6] =	sst s0;
	s0 =	simm.s32 @!p2 $0x0  }
0x16: {  	s3 =	sld [smem:$0x3FDB];
	s0 =	simm.s32 @p2 $0x1  }
0x17: {  	s4 =	simm.s32 $0x1BF5;
	[smem:$0x3FA8] =	sst s0  }
0x18: {  	s0 =	sld [smem:$0x3F8B];
	_ =	swait.ge [sflag:s4], $0x0  }
0x19: {  	s7 =	sld [smem:$0x3F8C]  }
0x1a: {  	s8 =	sadd.s32 $0xFFFFE003, lr  }
0x1b: {  	s9 =	sadd.s32 $0xFFFFFEF7, lr;
	s5 =	simm.s32 $0xFFFFFFFF;
	p2 =	slt.u32 s8, $0xFFFFF086  }
0x1c: {  	p1 =	slt.u32 s9, $0xF7A;
	s5 =	simm.s32 @!p2 $0x0  }
0x1d: {  	s5 =	simm.s32 @p1 $0x1;
	p0 =	seq.s32 s7, s2  }
0x1e: {  	s7 =	smul.u32 @!p0 $0xF7A, s2;
	p2 =	seq.s32 @!p0 s5, $0x0  }
0x1f: {  	s9 =	smul.u32 $0xF7A, s1;
	s8 =	simm.s32 @!p0 $0x1BF5;
	p2 =	por !p2, p0  }
0x20: {  	[sflag:s8] =	ssyncset.s32 @!p0 $0xFFFFF086;
	s6 =	sadd.s32 @!p0 s3, s7;
	s7 =	simm.s32 @!p0 $0x108  }
0x21: {  	s3 =	sadd.s32 s3, s9;
	s6 =	sadd.s32 @!p0 $0x88, s6;
	s7 =	simm.s32 @p2 $0x1082  }
0x22: {  	[simem:s7], [sflag:s8] =	dma.local @!p0 [hbm:s6], $0xF7A  }
0x23: {  	s9 =	sor.u32 $0xD0000000, s2;
	s6 =	simm.s32 $0x108;
	_ =	swait.ge @!p0 [sflag:s8], $0x0  }
0x24: {  	s3 =	sadd.s32 $0x88, s3;
	s6 =	simm.s32 @!p1 $0x1082;
	[sflag:s4] =	ssyncset.s32 $0xFFFFF086  }
0x25: {  	[simem:s6], [sflag:s4] =	dma.local [hbm:s3], $0xF7A  }
0x26: {  	[smem:$0x3F8C] =	sst s1;
	(tag) =	ssettag s2;
	_ =	strace s9  }
0x27: {  	s1 =	sld [smem:$0x3F9C]  }
0x28: {  	s2 =	sld [smem:$0x3F9D]  }
0x29: {  	s4 =	sld [smem:$0x3F9F]  }
0x2a: {  	p0 =	seq.s32 s5, $0x0;
	s5 =	sld [smem:$0x3FA0]  }
0x2b: {  	s6 =	sld [smem:$0x3FA1]  }
0x2c: {  	s7 =	sld [smem:$0x3FA2]  }
0x2d: {  	s3 =	simm.s32 $0x108;
	s8 =	sld [smem:$0x3FA3]  }
0x2e: {  	s3 =	simm.s32 @!p0 $0x1082;
	s9 =	sld [smem:$0x3FA4]  }
0x2f: {  	lr =	sadd.s32 s0, s3;
	s0 =	sld [smem:$0x3F9B]  }
0x30: {  	s3 =	sld [smem:$0x3F9E]  }
0x31: {  	[smem:$0x3FA7] =	sst s10  }
0x32: {  	s10 =	sld [smem:$0x3FA5];
	_ =	sdelay $0x3  }
0x33: {  	p0 =	seq.s32 s10, $0x1;
	s10 =	sld [smem:$0x3FA7];
	_ =	sdelay $0x3  }
0x34: {  	[smem:$0x3FA7] =	sst s10  }
0x35: {  	s10 =	sld [smem:$0x3FA6];
	_ =	sdelay $0x3  }
0x36: {  	p1 =	seq.s32 s10, $0x1;
	s10 =	sld [smem:$0x3FA7];
	_ =	sdelay $0x3  }
0x37: {  	[smem:$0x3FA7] =	sst s10  }
0x38: {  	s10 =	sld [smem:$0x3FA8]  }
0x39: {  	_ = 	snop;
	(pc) =	sbr.ind lr, $3  }
0x3a: {  	_ = 	snop  }
0x3b: {  	_ = 	snop  }
0x3c: {  	p2 =	seq.s32 s10, $0x1;
	s10 =	sld [smem:$0x3FA7]  }
0x3d: {  	_ =	shalt  }
0x3e: {  	_ =	shalt  }
0x3f: {  	_ =	shalt  }
0x40: {  	_ =	shalt  }
0x41: {  	_ =	shalt  }
0x42: {  	_ =	shalt  }
0x43: {  	_ =	shalt  }
0x44: {  	_ =	shalt  }
0x45: {  	_ =	shalt  }
0x46: {  	_ =	shalt  }
0x47: {  	_ =	shalt  }
0x48: {  	_ =	shalt  }
0x49: {  	_ =	shalt  }
0x4a: {  	_ =	shalt  }
0x4b: {  	_ =	shalt  }
0x4c: {  	_ =	shalt  }
0x4d: {  	_ =	shalt  }
0x4e: {  	_ =	shalt  }
0x4f: {  	_ =	shalt  }
0x50: {  	_ =	shalt  }
0x51: {  	_ =	shalt  }
0x52: {  	_ =	shalt  }
0x53: {  	_ =	shalt  }
0x54: {  	_ =	shalt  }
0x55: {  	_ =	shalt  }
0x56: {  	_ =	shalt  }
0x57: {  	_ =	shalt  }
0x58: {  	_ =	shalt  }
0x59: {  	_ =	shalt  }
0x5a: {  	_ =	shalt  }
0x5b: {  	_ =	shalt  }
0x5c: {  	_ =	shalt  }
0x5d: {  	_ =	shalt  }
0x5e: {  	_ =	shalt  }
0x5f: {  	_ =	shalt  }
0x60: {  	_ =	shalt  }
0x61: {  	_ =	shalt  }
0x62: {  	_ =	shalt  }
0x63: {  	_ =	shalt  }
0x64: {  	_ =	shalt  }
0x65: {  	_ =	shalt  }
0x66: {  	_ =	shalt  }
0x67: {  	_ =	shalt  }
0x68: {  	_ =	shalt  }
0x69: {  	_ =	shalt  }
0x6a: {  	_ =	shalt  }
0x6b: {  	_ =	shalt  }
0x6c: {  	_ =	shalt  }
0x6d: {  	_ =	shalt  }
0x6e: {  	_ =	shalt  }
0x6f: {  	_ =	shalt  }
0x70: {  	_ =	shalt  }
0x71: {  	_ =	shalt  }
0x72: {  	_ =	shalt  }
0x73: {  	_ =	shalt  }
0x74: {  	_ =	shalt  }
0x75: {  	_ =	shalt  }
0x76: {  	_ =	shalt  }
0x77: {  	_ =	shalt  }
0x78: {  	_ =	shalt  }
0x79: {  	_ =	shalt  }
0x7a: {  	_ =	shalt  }
0x7b: {  	_ =	shalt  }
0x7c: {  	_ =	shalt  }
0x7d: {  	_ =	shalt  }
0x7e: {  	_ =	shalt  }
0x7f: {  	_ =	shalt  }
0x80: {  	_ =	shalt  }
0x81: {  	_ =	shalt  }
0x82: {  	_ =	shalt  }
0x83: {  	_ =	shalt  }
0x84: {  	_ =	shalt  }
0x85: {  	_ =	shalt  }
0x86: {  	_ =	shalt  }
0x87: {  	_ =	shalt  }
.Lfunc_end0:
.L_simem_size_0:
called_computation.5_lowered:
.L_overlay_start_0:
0x88: {  	s2 =	sld [smem:$0x3FD9]  }
0x89: {  	s3 =	sld [smem:$0x3FFE];
	_ =	sdelay $0x1  }
0x8a: {  	s1 =	srdreg.scid  }
0x8b: {  	s0 =	sand.u32 $0x1, s1  }
0x8c: {  	s16 =	sshll.u32 s0, $0xA;
	s2 =	sadd.s32 s3, s2  }
0x8d: {  	s2 =	sadd.s32 s2, s16  }
0x8e: {  	[smem:$0x3FB3] =	sst s2  }
0x8f: {  	_ = 	snop  }
0x90: {  	(tm) =	ssettm $0x1  }
0x91: {  	s17 =	sld [smem:$0x3FFB];
	_ =	sdelay $0x3  }
0x92: {  	_ =	strace s17  }
0x93: {  	s2 =	sld [smem:$0x3FFC];
	_ =	sdelay $0x3  }
0x94: {  	_ =	strace s2  }
0x95: {  	s2 =	sld [smem:$0x3FFD];
	_ =	sdelay $0x3  }
0x96: {  	_ =	strace s2  }
0x97: {  	_ =	strace $0x8FFFFFFF  }
0x98: {  	s18 =	sld [smem:$0x3FDB];
	_ =	sdelay $0x1  }
0x99: {  	s19 =	simm.s32 $_scs_section_size  }
0x9a: {  	s4 =	simm.s32 $_size__tile_overlayer_lowered;
	s5 =	simm.s32 $_tile_overlayer_lowered  }
0x9b: {  	s22 =	simm.s32 $0x1BFF;
	s21 =	sshll.u32 s5, $0x1;
	s2 =	sadd.s32 s19, s18  }
0x9c: {  	s6 =	simm.s32 $0x0;
	s20 =	sshll.u32 s4, $0x1;
	s4 =	sadd.s32 s21, s2  }
0x9d: {  	[timem:s6], [sflag:s22] =	dma.local [hbm:s4], s20  }
0x9e: {  	_ =	swait.ge [sflag:s22], s20  }
0x9f: {  	s3 =	ssub.s32 $0x0, s20;
	[sflag:s22] =	ssyncset.done $0x0  }
0xa0: {  	[sflag:s22] =	ssyncadd.s32 s3;
	_ =	sdelay $0x1  }
0xa1: {  	s23 =	simm.s32 $0x1B8B  }
0xa2: {  	_ =	swait.ge [sflag:s23], $0x1  }
0xa3: {  	[sflag:s23] =	ssyncset.done $0x0  }
0xa4: {  	s25 =	simm.s32 $0x1B8E;
	s24 =	sld [smem:$0x3FFE];
	[sflag:s23] =	ssyncadd.s32 $0xFFFFFFFF  }
0xa5: {  	s26 =	simm.s32 $execute0_lowered;
	[smem:$0x3FD2] =	sst s25  }
0xa6: {  	s4 =	sshll.u32 s26, $0x1;
	_ =	strace $0x80000055;
	[dreg:$0x1] =	wrdreg $0xFFFFFFFF  }
0xa7: {  	s28 =	simm.s32 $_size_execute0_lowered;
	s2 =	sadd.s32 s2, s4;
	[dreg:$0x0] =	wrdreg $0x0  }
0xa8: {  	s4 =	sshll.u32 s28, $0x1;
	[dreg:$0x2] =	wrdreg s2  }
0xa9: {  	[dreg:$0x3] =	wrdreg s4  }
0xaa: {  	[dreg:$0x4] =	wrdreg $0xC0  }
0xab: {  	_ =	task [dreg:s6], $0x5FFFF  }
0xac: {  	[dreg:$0x1] =	wrdreg $0xFFFFFFFF  }
0xad: {  	[dreg:$0x0] =	wrdreg $0x60  }
0xae: {  	[dreg:$0x2] =	wrdreg s24  }
0xaf: {  	[dreg:$0x3] =	wrdreg $0x9  }
0xb0: {  	_ =	task.clear_ibuf [dreg:s6], $0x4FFFF;
	_ =	strace $0x90000055  }
0xb1: {  	s29 =	simm.s32 $0x9;
	_ =	strace $0x80000057  }
0xb2: {  	_ =	swait.ge [sflag:s29], $0x1  }
0xb3: {  	[sflag:s29] =	ssyncadd.s32 $0xFFFFFFFF  }
0xb4: {  	_ =	strace $0x90000057  }
0xb5: {  	_ =	sfence  }
0xb6: {  	s30 =	sld [smem:$0x0];
	_ =	sdelay $0x2  }
0xb7: {  	s31 =	sshll.u32 s1, $0xD;
	s1 =	sshrl.u32 s1, $0x2  }
0xb8: {  	s3 =	sand.u32 $0x4000, s31;
	s1 =	sadd.s32 s1, s30  }
0xb9: {  	s0 =	sor.u32 s3, s0;
	s1 =	sshll.u32 s1, $0x11  }
0xba: {  	s0 =	sor.u32 s1, s0  }
0xbb: {  	s0 =	sadd.s32 $0x8F2B, s0  }
0xbc: {  	[sflag:s0] =	ssyncadd.remote.s32 $0x1  }
0xbd: {  	_ =	sfence.sel $0xFFFF  }
0xbe: {  	[dreg:$0x0] =	wrdreg $0xFFFFFFFF;
	(pc) =	sbr.abs _section_cstart, $3  }
0xbf: {  	[dreg:$0x1] =	wrdreg $0xFFFFFFFF  }
0xc0: {  	_ =	task.clear_ibuf [dreg:s6], $0x2FFFF;
	_ =	strace $0x9FFFFFFF  }
0xc1: {  	(tm) =	ssettm $0x7FFFFFFF  }
tec
execute0_lowered:
.L_overlay_start_1:
0x0: {  	(tag) =	ssettag $0x1  }
0x1: {  	s0 =	rddreg [dreg:$0x0];
	s1 =	srdreg.scid  }
0x2: {  	s3 =	stileid.u32;
	s2 =	simm.s32 $0x0;
	s10 =	simm.s32 $0x3  }
0x3: {  	s11 =	simm.s32 $0x700;
	s12 =	simm.s32 $0xC700;
	s19 =	simm.s32 $0xFF00  }
0x4: {  	s20 =	simm.s32 $0x10700;
	s21 =	simm.s32 $0x10F00;
	s22 =	simm.s32 $0x11700  }
0x5: {  	s23 =	simm.s32 $0x11F00;
	s28 =	simm.s32 $0x13F00;
	s29 =	simm.s32 $0x14700  }
0x6: {  	s30 =	simm.s32 $0x14F00;
	s31 =	simm.s32 $0x15700;
	s13 =	simm.s32 $0x17F00  }
0x7: {  	s14 =	simm.s32 $0x1;
	s15 =	simm.s32 $0x2;
	s17 =	simm.s32 $0x0  }
0x8: {  	s1 =	sand.u32 $0x1, s1;
	s4 =	smul.u32 $0xE00, s3;
	[smem:$0x7FF] =	sst s2  }
0x9: {  	s6 =	sshll.u32 s3, $0x1;
	s3 =	sadd.s32 $0x8A00, s0;
	s5 =	smul.u32 $0x700, s1  }
0xa: {  	s7 =	sadd.s32 $0x758C00, s0;
	s6 =	sor.u32 s1, s6;
	s1 =	ssub.s32 $0x2, s1  }
0xb: {  	s24 =	smul.u32 $0x700, s6;
	s8 =	sshrl.u32 s1, $0x1;
	s4 =	sadd.s32 s5, s4  }
0xc: {  	_ =	strace $0x80000056;
	s1 =	ssub.s32 s1, s8;
	s25 =	sor.u32 $0x40, s4  }
0xd: {  	s5 =	sshrl.u32 s24, $0x3;
	s4 =	sshrl.u32 s4, $0x3;
	s26 =	smax.u32 s1, $0x1  }
0xe: {  	s24 =	simm.s32 $0x12700;
	s1 =	simm.s32 $0x16700;
	s4 =	smul.u32 $0x300, s4  }
.Ltmp0:
0xf: {  	s6 =	sshrl.u32 s25, $0x3;
	s5 =	sadd.s32 s0, s5;
	(pc) =	sbr.rel .LBB2_1-.Ltmp0, $4  }
0x10: {  	[dreg:$0x3] =	wrdreg s26;
	s25 =	simm.s32 $0x12F00;
	s9 =	smul.u32 $0x300, s6  }
0x11: {  	v2 =	vlaneseq.u32;
	s26 =	simm.s32 $0x13700;
	[dreg:$0x2] =	wrdreg s5;
	s5 =	sadd.s32 $0x8B00, s0  }
0x12: {  	vm0 =	vmmov $0xffff;
	v1 =	vshrl.u32 v2, $0x3;
	s6 =	sadd.s32 $0x8C00, s0;
	s0 =	simm.s32 $0x15F00;
	s8 =	sadd.s32 s9, s7  }
0x13: {  	v0 =	vand.u32 $0x7, v2;
	v2 =	vor.u32 $0x8, v2;
	v1 =	vmul.u32 $0x8, v1;
	s9 =	sadd.s32 s4, s7;
	s4 =	simm.s32 $0x16F00;
	s7 =	simm.s32 $0x17700  }
.LBB2_5:
0x14: {  	s17 =	rddreg [dreg:$0x4]  }
0x15: {  	s16 =	rddreg [dreg:$0x3];
	s17 =	sadd.s32 $0x1, s17  }
0x16: {  	p0 =	sne.s32 s17, s16  }
.Ltmp1:
0x17: {  	_ = 	snop;
	(pc) =	sbr.rel @!p0 .LBB2_6-.Ltmp1, $1  }
0x18: {  	_ =	sdelay $0x3  }
.LBB2_1:
0x19: {  	[dreg:$0x4] =	wrdreg s17  }
0x1a: {  	s16 =	rddreg [dreg:$0x2]  }
0x1b: {  	[tilespmem:s2], [sflag:$0x3] =	stream.linear.gather [hbm4b:s16+s2], $0x700, $0x38;
	[tilespmem:$0x18700] =	vst v63  }
0x1c: {  	_ =	swait.ge [sflag:s10], $0x700  }
0x1d: {  	[sflag:s10] =	ssyncset.done $0x0  }
0x1e: {  	[sflag:s10] =	ssyncadd.s32 $0xFFFFF900  }
0x1f: {  	v3 =	vld [tilespmem:$0x0];
	_ =	sdelay $0x4  }
0x20: {  	v4 =	vshrl.u32 v3, $0x3  }
0x21: {  	v4 =	vmul.u32 $0x30, v4  }
0x22: {  	v3 =	vand.u32 $0x7, v3  }
0x23: {  	v3 =	vor.u32 v3, v4  }
0x24: {  	v4 =	vperm.xlane v3, v0;
	_ =	sdelay $0x1  }
0x25: {  	v4 =	vadd.s32 v1, v4;
	_ =	sdelay $0x3  }
0x26: {  	v3 =	vperm.xlane v3, v2  }
0x27: {  	[tilespmem:s11], [sflag:$0x1] =	stream.indirect_vreg.gather [hbm4b:s3+s2], $0x80, v4, vm0, $0xb8;
	[tilespmem:$0x18700] =	vst v63  }
0x28: {  	s18 =	simm.s32 $0xF00;
	v3 =	vadd.s32 v1, v3  }
0x29: {  	[tilespmem:s18], [sflag:$0x1] =	stream.indirect_vreg.gather [hbm4b:s5+s2], $0x80, v4, vm0, $0xb8;
	[tilespmem:$0x18700] =	vst v63  }
0x2a: {  	s17 =	simm.s32 $0x1700  }
0x2b: {  	[tilespmem:s17], [sflag:$0x1] =	stream.indirect_vreg.gather [hbm4b:s6+s2], $0x80, v4, vm0, $0xb8;
	[tilespmem:$0x18700] =	vst v63  }
0x2c: {  	s18 =	simm.s32 $0x1F00  }
0x2d: {  	[tilespmem:s18], [sflag:$0x1] =	stream.indirect_vreg.gather [hbm4b:s3+s2], $0x80, v3, vm0, $0xb8;
	[tilespmem:$0x18700] =	vst v63  }
0x2e: {  	s17 =	simm.s32 $0x2700  }
0x2f: {  	[tilespmem:s17], [sflag:$0x1] =	stream.indirect_vreg.gather [hbm4b:s5+s2], $0x80, v3, vm0, $0xb8;
	[tilespmem:$0x18700] =	vst v63  }
0x30: {  	s18 =	simm.s32 $0x2F00  }
0x31: {  	[tilespmem:s18], [sflag:$0x1] =	stream.indirect_vreg.gather [hbm4b:s6+s2], $0x80, v3, vm0, $0xb8;
	[tilespmem:$0x18700] =	vst v63  }
0x32: {  	v3 =	vld [tilespmem:$0x10];
	_ =	sdelay $0x4  }
0x33: {  	v61 =	vshrl.u32 v3, $0x3  }
0x34: {  	v4 =	vmul.u32 $0x30, v61  }
0x35: {  	v3 =	vand.u32 $0x7, v3  }
0x36: {  	v3 =	vor.u32 v3, v4  }
0x37: {  	v4 =	vperm.xlane v3, v0;
	_ =	sdelay $0x1  }
0x38: {  	v4 =	vadd.s32 v1, v4;
	_ =	sdelay $0x3  }
0x39: {  	s17 =	simm.s32 $0x3700;
	v3 =	vperm.xlane v3, v2  }
0x3a: {  	[tilespmem:s17], [sflag:$0x1] =	stream.indirect_vreg.gather [hbm4b:s3+s2], $0x80, v4, vm0, $0xb8;
	[tilespmem:$0x18700] =	vst v63  }
0x3b: {  	s18 =	simm.s32 $0x3F00;
	v3 =	vadd.s32 v1, v3  }
0x3c: {  	[tilespmem:s18], [sflag:$0x1] =	stream.indirect_vreg.gather [hbm4b:s5+s2], $0x80, v4, vm0, $0xb8;
	[tilespmem:$0x18700] =	vst v63  }
0x3d: {  	s17 =	simm.s32 $0x4700  }
0x3e: {  	[tilespmem:s17], [sflag:$0x1] =	stream.indirect_vreg.gather [hbm4b:s6+s2], $0x80, v4, vm0, $0xb8;
	[tilespmem:$0x18700] =	vst v63  }
0x3f: {  	s18 =	simm.s32 $0x4F00  }
0x40: {  	[tilespmem:s18], [sflag:$0x1] =	stream.indirect_vreg.gather [hbm4b:s3+s2], $0x80, v3, vm0, $0xb8;
	[tilespmem:$0x18700] =	vst v63  }
0x41: {  	s17 =	simm.s32 $0x5700  }
0x42: {  	[tilespmem:s17], [sflag:$0x1] =	stream.indirect_vreg.gather [hbm4b:s5+s2], $0x80, v3, vm0, $0xb8;
	[tilespmem:$0x18700] =	vst v63  }
0x43: {  	s18 =	simm.s32 $0x5F00  }
0x44: {  	[tilespmem:s18], [sflag:$0x1] =	stream.indirect_vreg.gather [hbm4b:s6+s2], $0x80, v3, vm0, $0xb8;
	[tilespmem:$0x18700] =	vst v63  }
0x45: {  	v3 =	vld [tilespmem:$0x20];
	_ =	sdelay $0x4  }
0x46: {  	v62 =	vshrl.u32 v3, $0x3  }
0x47: {  	v4 =	vmul.u32 $0x30, v62  }
0x48: {  	v3 =	vand.u32 $0x7, v3  }
0x49: {  	v3 =	vor.u32 v3, v4  }
0x4a: {  	v4 =	vperm.xlane v3, v0;
	_ =	sdelay $0x1  }
0x4b: {  	v4 =	vadd.s32 v1, v4;
	_ =	sdelay $0x3  }
0x4c: {  	s17 =	simm.s32 $0x6700;
	v3 =	vperm.xlane v3, v2  }
0x4d: {  	[tilespmem:s17], [sflag:$0x1] =	stream.indirect_vreg.gather [hbm4b:s3+s2], $0x80, v4, vm0, $0xb8;
	[tilespmem:$0x18700] =	vst v63  }
0x4e: {  	s18 =	simm.s32 $0x6F00;
	v3 =	vadd.s32 v1, v3  }
0x4f: {  	[tilespmem:s18], [sflag:$0x1] =	stream.indirect_vreg.gather [hbm4b:s5+s2], $0x80, v4, vm0, $0xb8;
	[tilespmem:$0x18700] =	vst v63  }
0x50: {  	s17 =	simm.s32 $0x7700  }
0x51: {  	[tilespmem:s17], [sflag:$0x1] =	stream.indirect_vreg.gather [hbm4b:s6+s2], $0x80, v4, vm0, $0xb8;
	[tilespmem:$0x18700] =	vst v63  }
0x52: {  	s18 =	simm.s32 $0x7F00  }
0x53: {  	[tilespmem:s18], [sflag:$0x1] =	stream.indirect_vreg.gather [hbm4b:s3+s2], $0x80, v3, vm0, $0xb8;
	[tilespmem:$0x18700] =	vst v63  }
0x54: {  	s17 =	simm.s32 $0x8700  }
0x55: {  	[tilespmem:s17], [sflag:$0x1] =	stream.indirect_vreg.gather [hbm4b:s5+s2], $0x80, v3, vm0, $0xb8;
	[tilespmem:$0x18700] =	vst v63  }
0x56: {  	s18 =	simm.s32 $0x8F00  }
0x57: {  	[tilespmem:s18], [sflag:$0x1] =	stream.indirect_vreg.gather [hbm4b:s6+s2], $0x80, v3, vm0, $0xb8;
	[tilespmem:$0x18700] =	vst v63  }
0x58: {  	v3 =	vld [tilespmem:$0x30];
	_ =	sdelay $0x4  }
0x59: {  	v63 =	vshrl.u32 v3, $0x3  }
0x5a: {  	v4 =	vmul.u32 $0x30, v63  }
0x5b: {  	v3 =	vand.u32 $0x7, v3  }
0x5c: {  	v3 =	vor.u32 v3, v4  }
0x5d: {  	v4 =	vperm.xlane v3, v0;
	_ =	sdelay $0x1  }
0x5e: {  	v4 =	vadd.s32 v1, v4;
	_ =	sdelay $0x3  }
0x5f: {  	s17 =	simm.s32 $0x9700;
	v3 =	vperm.xlane v3, v2  }
0x60: {  	[tilespmem:s17], [sflag:$0x1] =	stream.indirect_vreg.gather [hbm4b:s3+s2], $0x80, v4, vm0, $0xb8;
	[tilespmem:$0x18700] =	vst v63  }
0x61: {  	s18 =	simm.s32 $0x9F00;
	v3 =	vadd.s32 v1, v3  }
0x62: {  	[tilespmem:s18], [sflag:$0x1] =	stream.indirect_vreg.gather [hbm4b:s5+s2], $0x80, v4, vm0, $0xb8;
	[tilespmem:$0x18700] =	vst v63  }
0x63: {  	s17 =	simm.s32 $0xA700  }
0x64: {  	[tilespmem:s17], [sflag:$0x1] =	stream.indirect_vreg.gather [hbm4b:s6+s2], $0x80, v4, vm0, $0xb8;
	[tilespmem:$0x18700] =	vst v63  }
0x65: {  	s18 =	simm.s32 $0xAF00  }
0x66: {  	[tilespmem:s18], [sflag:$0x1] =	stream.indirect_vreg.gather [hbm4b:s3+s2], $0x80, v3, vm0, $0xb8;
	[tilespmem:$0x18700] =	vst v63  }
.Ltmp2:
0x67: {  	_ = 	snop;
	(pc) =	sbr.rel .LBB2_2-.Ltmp2, $4  }
0x68: {  	s17 =	simm.s32 $0xB700  }
0x69: {  	[tilespmem:s17], [sflag:$0x1] =	stream.indirect_vreg.gather [hbm4b:s5+s2], $0x80, v3, vm0, $0xb8;
	[tilespmem:$0x18700] =	vst v63  }
0x6a: {  	s16 =	simm.s32 $0x60;
	s18 =	simm.s32 $0xBF00;
	s17 =	simm.s32 $0x0  }
0x6b: {  	[tilespmem:s18], [sflag:$0x1] =	stream.indirect_vreg.gather [hbm4b:s6+s2], $0x80, v3, vm0, $0xb8;
	[tilespmem:$0x18700] =	vst v63  }
.LBB2_4:
0x6c: {  	_ =	swait.ge [sflag:s15], $0xC000;
	s18 =	sadd.s32 s17, s8;
	s17 =	sadd.s32 $0x3000, s17  }
0x6d: {  	[sflag:s15] =	ssyncset.done $0x0;
	p0 =	sne.s32 s17, $0x2A000  }
.Ltmp3:
0x6e: {  	[sflag:s15] =	ssyncadd.s32 $0xFFFF4000;
	(pc) =	sbr.rel @!p0 .LBB2_5-.Ltmp3, $4  }
0x6f: {  	[hbm4b:s18+s2] =	stream.linear.scatter [tilespmem:s12], [sflag:$0x3], $0xC000, $0x38;
	[tilespmem:$0x18700] =	vst v63  }
0x70: {  	_ =	swait.ge [sflag:s10], $0xC000  }
0x71: {  	[sflag:s10] =	ssyncset.done $0x0  }
0x72: {  	s16 =	sadd.s32 $0x80, s16;
	[sflag:s10] =	ssyncadd.s32 $0xFFFF4000  }
.LBB2_2:
0x73: {  	v3 =	vld [tilespmem:s16+$0xFFFFFFE0];
	_ =	sdelay $0x4  }
0x74: {  	v4 =	vshrl.u32 v3, $0x3  }
0x75: {  	v4 =	vmul.u32 $0x30, v4  }
0x76: {  	v3 =	vand.u32 $0x7, v3  }
0x77: {  	v3 =	vor.u32 v3, v4  }
0x78: {  	v4 =	vperm.xlane v3, v0;
	_ =	sdelay $0x1  }
0x79: {  	v4 =	vadd.s32 v1, v4;
	_ =	sdelay $0x3  }
0x7a: {  	v3 =	vperm.xlane v3, v2  }
0x7b: {  	[tilespmem:s12], [sflag:$0x2] =	stream.indirect_vreg.gather [hbm4b:s3+s2], $0x80, v4, vm0, $0xb8;
	[tilespmem:$0x18700] =	vst v63  }
0x7c: {  	s18 =	simm.s32 $0xCF00;
	v3 =	vadd.s32 v1, v3  }
0x7d: {  	[tilespmem:s18], [sflag:$0x2] =	stream.indirect_vreg.gather [hbm4b:s5+s2], $0x80, v4, vm0, $0xb8;
	[tilespmem:$0x18700] =	vst v63  }
0x7e: {  	s18 =	simm.s32 $0xD700  }
0x7f: {  	[tilespmem:s18], [sflag:$0x2] =	stream.indirect_vreg.gather [hbm4b:s6+s2], $0x80, v4, vm0, $0xb8;
	[tilespmem:$0x18700] =	vst v63  }
0x80: {  	s18 =	simm.s32 $0xDF00  }
0x81: {  	[tilespmem:s18], [sflag:$0x2] =	stream.indirect_vreg.gather [hbm4b:s3+s2], $0x80, v3, vm0, $0xb8;
	[tilespmem:$0x18700] =	vst v63  }
0x82: {  	s18 =	simm.s32 $0xE700  }
0x83: {  	[tilespmem:s18], [sflag:$0x2] =	stream.indirect_vreg.gather [hbm4b:s5+s2], $0x80, v3, vm0, $0xb8;
	[tilespmem:$0x18700] =	vst v63  }
0x84: {  	s18 =	simm.s32 $0xEF00  }
0x85: {  	[tilespmem:s18], [sflag:$0x2] =	stream.indirect_vreg.gather [hbm4b:s6+s2], $0x80, v3, vm0, $0xb8;
	[tilespmem:$0x18700] =	vst v63  }
0x86: {  	v3 =	vld [tilespmem:s16+$0xFFFFFFF0];
	_ =	sdelay $0x4  }
0x87: {  	v61 =	vshrl.u32 v3, $0x3  }
0x88: {  	v4 =	vmul.u32 $0x30, v61  }
0x89: {  	v3 =	vand.u32 $0x7, v3  }
0x8a: {  	v3 =	vor.u32 v3, v4  }
0x8b: {  	v4 =	vperm.xlane v3, v0;
	_ =	sdelay $0x1  }
0x8c: {  	v4 =	vadd.s32 v1, v4;
	_ =	sdelay $0x3  }
0x8d: {  	s18 =	simm.s32 $0xF700;
	v3 =	vperm.xlane v3, v2  }
0x8e: {  	[tilespmem:s18], [sflag:$0x2] =	stream.indirect_vreg.gather [hbm4b:s3+s2], $0x80, v4, vm0, $0xb8;
	[tilespmem:$0x18700] =	vst v63  }
0x8f: {  	v3 =	vadd.s32 v1, v3  }
0x90: {  	[tilespmem:s19], [sflag:$0x2] =	stream.indirect_vreg.gather [hbm4b:s5+s2], $0x80, v4, vm0, $0xb8;
	[tilespmem:$0x18700] =	vst v63  }
0x91: {  	_ = 	snop  }
0x92: {  	[tilespmem:s20], [sflag:$0x2] =	stream.indirect_vreg.gather [hbm4b:s6+s2], $0x80, v4, vm0, $0xb8;
	[tilespmem:$0x18700] =	vst v63  }
0x93: {  	_ = 	snop  }
0x94: {  	[tilespmem:s21], [sflag:$0x2] =	stream.indirect_vreg.gather [hbm4b:s3+s2], $0x80, v3, vm0, $0xb8;
	[tilespmem:$0x18700] =	vst v63  }
0x95: {  	_ = 	snop  }
0x96: {  	[tilespmem:s22], [sflag:$0x2] =	stream.indirect_vreg.gather [hbm4b:s5+s2], $0x80, v3, vm0, $0xb8;
	[tilespmem:$0x18700] =	vst v63  }
0x97: {  	_ = 	snop  }
0x98: {  	[tilespmem:s23], [sflag:$0x2] =	stream.indirect_vreg.gather [hbm4b:s6+s2], $0x80, v3, vm0, $0xb8;
	[tilespmem:$0x18700] =	vst v63  }
0x99: {  	v3 =	vld [tilespmem:s16+$0x0];
	_ =	sdelay $0x4  }
0x9a: {  	v62 =	vshrl.u32 v3, $0x3  }
0x9b: {  	v4 =	vmul.u32 $0x30, v62  }
0x9c: {  	v3 =	vand.u32 $0x7, v3  }
0x9d: {  	v3 =	vor.u32 v3, v4  }
0x9e: {  	v4 =	vperm.xlane v3, v0;
	_ =	sdelay $0x1  }
0x9f: {  	v4 =	vadd.s32 v1, v4;
	_ =	sdelay $0x3  }
0xa0: {  	v3 =	vperm.xlane v3, v2  }
0xa1: {  	[tilespmem:s24], [sflag:$0x2] =	stream.indirect_vreg.gather [hbm4b:s3+s2], $0x80, v4, vm0, $0xb8;
	[tilespmem:$0x18700] =	vst v63  }
0xa2: {  	v3 =	vadd.s32 v1, v3  }
0xa3: {  	[tilespmem:s25], [sflag:$0x2] =	stream.indirect_vreg.gather [hbm4b:s5+s2], $0x80, v4, vm0, $0xb8;
	[tilespmem:$0x18700] =	vst v63  }
0xa4: {  	_ = 	snop  }
0xa5: {  	[tilespmem:s26], [sflag:$0x2] =	stream.indirect_vreg.gather [hbm4b:s6+s2], $0x80, v4, vm0, $0xb8;
	[tilespmem:$0x18700] =	vst v63  }
0xa6: {  	_ = 	snop  }
0xa7: {  	[tilespmem:s28], [sflag:$0x2] =	stream.indirect_vreg.gather [hbm4b:s3+s2], $0x80, v3, vm0, $0xb8;
	[tilespmem:$0x18700] =	vst v63  }
0xa8: {  	_ = 	snop  }
0xa9: {  	[tilespmem:s29], [sflag:$0x2] =	stream.indirect_vreg.gather [hbm4b:s5+s2], $0x80, v3, vm0, $0xb8;
	[tilespmem:$0x18700] =	vst v63  }
0xaa: {  	_ = 	snop  }
0xab: {  	[tilespmem:s30], [sflag:$0x2] =	stream.indirect_vreg.gather [hbm4b:s6+s2], $0x80, v3, vm0, $0xb8;
	[tilespmem:$0x18700] =	vst v63  }
0xac: {  	v3 =	vld [tilespmem:s16+$0x10];
	_ =	sdelay $0x4  }
0xad: {  	v63 =	vshrl.u32 v3, $0x3  }
0xae: {  	v4 =	vmul.u32 $0x30, v63  }
0xaf: {  	v3 =	vand.u32 $0x7, v3  }
0xb0: {  	v3 =	vor.u32 v3, v4  }
0xb1: {  	v4 =	vperm.xlane v3, v0;
	_ =	sdelay $0x1  }
0xb2: {  	v4 =	vadd.s32 v1, v4;
	_ =	sdelay $0x3  }
0xb3: {  	v3 =	vperm.xlane v3, v2  }
0xb4: {  	[tilespmem:s31], [sflag:$0x2] =	stream.indirect_vreg.gather [hbm4b:s3+s2], $0x80, v4, vm0, $0xb8;
	[tilespmem:$0x18700] =	vst v63  }
0xb5: {  	v3 =	vadd.s32 v1, v3  }
0xb6: {  	[tilespmem:s0], [sflag:$0x2] =	stream.indirect_vreg.gather [hbm4b:s5+s2], $0x80, v4, vm0, $0xb8;
	[tilespmem:$0x18700] =	vst v63  }
0xb7: {  	_ = 	snop  }
0xb8: {  	[tilespmem:s1], [sflag:$0x2] =	stream.indirect_vreg.gather [hbm4b:s6+s2], $0x80, v4, vm0, $0xb8;
	[tilespmem:$0x18700] =	vst v63  }
0xb9: {  	_ = 	snop  }
0xba: {  	[tilespmem:s4], [sflag:$0x2] =	stream.indirect_vreg.gather [hbm4b:s3+s2], $0x80, v3, vm0, $0xb8;
	[tilespmem:$0x18700] =	vst v63  }
0xbb: {  	_ = 	snop  }
0xbc: {  	[tilespmem:s7], [sflag:$0x2] =	stream.indirect_vreg.gather [hbm4b:s5+s2], $0x80, v3, vm0, $0xb8;
	[tilespmem:$0x18700] =	vst v63  }
0xbd: {  	_ = 	snop  }
0xbe: {  	[tilespmem:s13], [sflag:$0x2] =	stream.indirect_vreg.gather [hbm4b:s6+s2], $0x80, v3, vm0, $0xb8;
	[tilespmem:$0x18700] =	vst v63  }
0xbf: {  	_ =	swait.ge [sflag:s14], $0xC000  }
0xc0: {  	p0 =	seq.s32 s17, $0x27000;
	[sflag:s14] =	ssyncset.done $0x0  }
.Ltmp4:
0xc1: {  	s18 =	sadd.s32 s17, s9;
	[sflag:s14] =	ssyncadd.s32 $0xFFFF4000;
	(pc) =	sbr.rel @p0 .LBB2_4-.Ltmp4, $4  }
0xc2: {  	[hbm4b:s18+s2] =	stream.linear.scatter [tilespmem:s11], [sflag:$0x3], $0xC000, $0x38;
	[tilespmem:$0x18700] =	vst v63  }
0xc3: {  	_ =	swait.ge [sflag:s10], $0xC000  }
0xc4: {  	[sflag:s10] =	ssyncset.done $0x0  }
0xc5: {  	[sflag:s10] =	ssyncadd.s32 $0xFFFF4000  }
0xc6: {  	v3 =	vld [tilespmem:s16+$0x20];
	_ =	sdelay $0x4  }
0xc7: {  	v4 =	vshrl.u32 v3, $0x3  }
0xc8: {  	v4 =	vmul.u32 $0x30, v4  }
0xc9: {  	v3 =	vand.u32 $0x7, v3  }
0xca: {  	v3 =	vor.u32 v3, v4  }
0xcb: {  	v4 =	vperm.xlane v3, v0;
	_ =	sdelay $0x1  }
0xcc: {  	v4 =	vadd.s32 v1, v4;
	_ =	sdelay $0x3  }
0xcd: {  	v3 =	vperm.xlane v3, v2  }
0xce: {  	[tilespmem:s11], [sflag:$0x1] =	stream.indirect_vreg.gather [hbm4b:s3+s2], $0x80, v4, vm0, $0xb8;
	[tilespmem:$0x18700] =	vst v63  }
0xcf: {  	s18 =	simm.s32 $0xF00;
	v3 =	vadd.s32 v1, v3  }
0xd0: {  	[tilespmem:s18], [sflag:$0x1] =	stream.indirect_vreg.gather [hbm4b:s5+s2], $0x80, v4, vm0, $0xb8;
	[tilespmem:$0x18700] =	vst v63  }
0xd1: {  	s18 =	simm.s32 $0x1700  }
0xd2: {  	[tilespmem:s18], [sflag:$0x1] =	stream.indirect_vreg.gather [hbm4b:s6+s2], $0x80, v4, vm0, $0xb8;
	[tilespmem:$0x18700] =	vst v63  }
0xd3: {  	s18 =	simm.s32 $0x1F00  }
0xd4: {  	[tilespmem:s18], [sflag:$0x1] =	stream.indirect_vreg.gather [hbm4b:s3+s2], $0x80, v3, vm0, $0xb8;
	[tilespmem:$0x18700] =	vst v63  }
0xd5: {  	s18 =	simm.s32 $0x2700  }
0xd6: {  	[tilespmem:s18], [sflag:$0x1] =	stream.indirect_vreg.gather [hbm4b:s5+s2], $0x80, v3, vm0, $0xb8;
	[tilespmem:$0x18700] =	vst v63  }
0xd7: {  	s18 =	simm.s32 $0x2F00  }
0xd8: {  	[tilespmem:s18], [sflag:$0x1] =	stream.indirect_vreg.gather [hbm4b:s6+s2], $0x80, v3, vm0, $0xb8;
	[tilespmem:$0x18700] =	vst v63  }
0xd9: {  	v3 =	vld [tilespmem:s16+$0x30];
	_ =	sdelay $0x4  }
0xda: {  	v61 =	vshrl.u32 v3, $0x3  }
0xdb: {  	v4 =	vmul.u32 $0x30, v61  }
0xdc: {  	v3 =	vand.u32 $0x7, v3  }
0xdd: {  	v3 =	vor.u32 v3, v4  }
0xde: {  	v4 =	vperm.xlane v3, v0;
	_ =	sdelay $0x1  }
0xdf: {  	v4 =	vadd.s32 v1, v4;
	_ =	sdelay $0x3  }
0xe0: {  	s18 =	simm.s32 $0x3700;
	v3 =	vperm.xlane v3, v2  }
0xe1: {  	[tilespmem:s18], [sflag:$0x1] =	stream.indirect_vreg.gather [hbm4b:s3+s2], $0x80, v4, vm0, $0xb8;
	[tilespmem:$0x18700] =	vst v63  }
0xe2: {  	v3 =	vadd.s32 v1, v3;
	s18 =	simm.s32 $0x3F00  }
0xe3: {  	[tilespmem:s18], [sflag:$0x1] =	stream.indirect_vreg.gather [hbm4b:s5+s2], $0x80, v4, vm0, $0xb8;
	[tilespmem:$0x18700] =	vst v63  }
0xe4: {  	s18 =	simm.s32 $0x4700  }
0xe5: {  	[tilespmem:s18], [sflag:$0x1] =	stream.indirect_vreg.gather [hbm4b:s6+s2], $0x80, v4, vm0, $0xb8;
	[tilespmem:$0x18700] =	vst v63  }
0xe6: {  	s18 =	simm.s32 $0x4F00  }
0xe7: {  	[tilespmem:s18], [sflag:$0x1] =	stream.indirect_vreg.gather [hbm4b:s3+s2], $0x80, v3, vm0, $0xb8;
	[tilespmem:$0x18700] =	vst v63  }
0xe8: {  	s18 =	simm.s32 $0x5700  }
0xe9: {  	[tilespmem:s18], [sflag:$0x1] =	stream.indirect_vreg.gather [hbm4b:s5+s2], $0x80, v3, vm0, $0xb8;
	[tilespmem:$0x18700] =	vst v63  }
0xea: {  	s18 =	simm.s32 $0x5F00  }
0xeb: {  	[tilespmem:s18], [sflag:$0x1] =	stream.indirect_vreg.gather [hbm4b:s6+s2], $0x80, v3, vm0, $0xb8;
	[tilespmem:$0x18700] =	vst v63  }
0xec: {  	v3 =	vld [tilespmem:s16+$0x40];
	_ =	sdelay $0x4  }
0xed: {  	v62 =	vshrl.u32 v3, $0x3  }
0xee: {  	v4 =	vmul.u32 $0x30, v62  }
0xef: {  	v3 =	vand.u32 $0x7, v3  }
0xf0: {  	v3 =	vor.u32 v3, v4  }
0xf1: {  	v4 =	vperm.xlane v3, v0;
	_ =	sdelay $0x1  }
0xf2: {  	v4 =	vadd.s32 v1, v4;
	_ =	sdelay $0x3  }
0xf3: {  	s18 =	simm.s32 $0x6700;
	v3 =	vperm.xlane v3, v2  }
0xf4: {  	[tilespmem:s18], [sflag:$0x1] =	stream.indirect_vreg.gather [hbm4b:s3+s2], $0x80, v4, vm0, $0xb8;
	[tilespmem:$0x18700] =	vst v63  }
0xf5: {  	v3 =	vadd.s32 v1, v3;
	s18 =	simm.s32 $0x6F00  }
0xf6: {  	[tilespmem:s18], [sflag:$0x1] =	stream.indirect_vreg.gather [hbm4b:s5+s2], $0x80, v4, vm0, $0xb8;
	[tilespmem:$0x18700] =	vst v63  }
0xf7: {  	s18 =	simm.s32 $0x7700  }
0xf8: {  	[tilespmem:s18], [sflag:$0x1] =	stream.indirect_vreg.gather [hbm4b:s6+s2], $0x80, v4, vm0, $0xb8;
	[tilespmem:$0x18700] =	vst v63  }
0xf9: {  	s18 =	simm.s32 $0x7F00  }
0xfa: {  	[tilespmem:s18], [sflag:$0x1] =	stream.indirect_vreg.gather [hbm4b:s3+s2], $0x80, v3, vm0, $0xb8;
	[tilespmem:$0x18700] =	vst v63  }
0xfb: {  	s18 =	simm.s32 $0x8700  }
0xfc: {  	[tilespmem:s18], [sflag:$0x1] =	stream.indirect_vreg.gather [hbm4b:s5+s2], $0x80, v3, vm0, $0xb8;
	[tilespmem:$0x18700] =	vst v63  }
0xfd: {  	s18 =	simm.s32 $0x8F00  }
0xfe: {  	[tilespmem:s18], [sflag:$0x1] =	stream.indirect_vreg.gather [hbm4b:s6+s2], $0x80, v3, vm0, $0xb8;
	[tilespmem:$0x18700] =	vst v63  }
0xff: {  	v3 =	vld [tilespmem:s16+$0x50];
	_ =	sdelay $0x4  }
0x100: {  	v63 =	vshrl.u32 v3, $0x3  }
0x101: {  	v4 =	vmul.u32 $0x30, v63  }
0x102: {  	v3 =	vand.u32 $0x7, v3  }
0x103: {  	v3 =	vor.u32 v3, v4  }
0x104: {  	v4 =	vperm.xlane v3, v0;
	_ =	sdelay $0x1  }
0x105: {  	v4 =	vadd.s32 v1, v4;
	_ =	sdelay $0x3  }
0x106: {  	s18 =	simm.s32 $0x9700;
	v3 =	vperm.xlane v3, v2  }
0x107: {  	[tilespmem:s18], [sflag:$0x1] =	stream.indirect_vreg.gather [hbm4b:s3+s2], $0x80, v4, vm0, $0xb8;
	[tilespmem:$0x18700] =	vst v63  }
0x108: {  	v3 =	vadd.s32 v1, v3;
	s18 =	simm.s32 $0x9F00  }
0x109: {  	[tilespmem:s18], [sflag:$0x1] =	stream.indirect_vreg.gather [hbm4b:s5+s2], $0x80, v4, vm0, $0xb8;
	[tilespmem:$0x18700] =	vst v63  }
0x10a: {  	s18 =	simm.s32 $0xA700  }
0x10b: {  	[tilespmem:s18], [sflag:$0x1] =	stream.indirect_vreg.gather [hbm4b:s6+s2], $0x80, v4, vm0, $0xb8;
	[tilespmem:$0x18700] =	vst v63  }
0x10c: {  	s18 =	simm.s32 $0xAF00  }
0x10d: {  	[tilespmem:s18], [sflag:$0x1] =	stream.indirect_vreg.gather [hbm4b:s3+s2], $0x80, v3, vm0, $0xb8;
	[tilespmem:$0x18700] =	vst v63  }
.Ltmp5:
0x10e: {  	_ = 	snop;
	(pc) =	sbr.rel .LBB2_4-.Ltmp5, $4  }
0x10f: {  	s18 =	simm.s32 $0xB700  }
0x110: {  	[tilespmem:s18], [sflag:$0x1] =	stream.indirect_vreg.gather [hbm4b:s5+s2], $0x80, v3, vm0, $0xb8;
	[tilespmem:$0x18700] =	vst v63  }
0x111: {  	s18 =	simm.s32 $0xBF00  }
0x112: {  	[tilespmem:s18], [sflag:$0x1] =	stream.indirect_vreg.gather [hbm4b:s6+s2], $0x80, v3, vm0, $0xb8;
	[tilespmem:$0x18700] =	vst v63  }
.LBB2_6:
0x113: {  	_ =	sfence.sel $0x180000  }
0x114: {  	[bflag:$0x0] =	sbarrier.arrive $0xFFFF  }
0x115: {  	_ =	strace $0x90000056  }
0x116: {  	s0 =	stileid.u32;
	[bflag:$0x2] =	sbarrier.arrive $0xFFFF  }
0x117: {  	p0 =	sne.s32 s0, $0x0;
	s0 =	rddreg [dreg:$0x1]  }
0x118: {  	s0 =	sadd.s32 @!p0 $0x100000, s0  }
0x119: {  	[sflag:s0] =	ssyncadd.tile.s32 @!p0 $0x1;
	_ =	shalt  }
.Lfunc_end2:
_tile_overlayer_lowered:
.L_overlay_start_2:
0x11a: {  	(tag) =	ssettag $0x2  }
0x11b: {  	s0 =	rddreg [dreg:$0x0];
	s2 =	stileid.u32  }
0x11c: {  	s1 =	rddreg [dreg:$0x1];
	p0 =	sne.s32 s2, $0x0  }
0x11d: {  	s3 =	rddreg [dreg:$0x2];
	[bflag:$0x3] =	sbarrier.arrive $0xFFFF;
	s2 =	simm.s32 @!p0 $0x1C03  }
0x11e: {  	[timem:s3], [sflag:s2] =	dma.local @!p0 [hbm:s0], s1  }
0x11f: {  	s0 =	simm.s32 @!p0 $0x3  }
0x120: {  	_ =	swait.ge @!p0 [sflag:s0], s1  }
0x121: {  	s1 =	ssub.s32 @!p0 $0x0, s1;
	[sflag:s0] =	ssyncset.done @!p0 $0x0  }
0x122: {  	[sflag:s0] =	ssyncadd.s32 @!p0 s1  }
0x123: {  	[bflag:$0x3] =	sbarrier.arrive $0xFFFF  }
0x124: {  	_ =	shalt  }

// kernel: scatter_offload_async_start
scs
__scs_entry_jumppad:
0x0: {  	(pc) =	sbr.rel $0x88, $3  }
0x1: {  	(tag) =	ssettag $0x0;
	lr =	simm.s32 $0x1  }
0x2: {  	[smem:$0x3F8C] =	sst lr;
	_ =	strace $0xD0000000  }
0x3: {  	_ = 	snop  }
0x4: {  	_ = 	snop  }
0x5: {  	_ = 	snop  }
0x6: {  	_ = 	snop  }
0x7: {  	_ = 	snop  }
__scs_overlays_trampoline_lowered:
0x8: {  	[smem:$0x3F9B] =	sst s0  }
0x9: {  	[smem:$0x3F9C] =	sst s1  }
0xa: {  	[smem:$0x3F9D] =	sst s2  }
0xb: {  	[smem:$0x3F9E] =	sst s3  }
0xc: {  	[smem:$0x3F9F] =	sst s4  }
0xd: {  	[smem:$0x3FA0] =	sst s5  }
0xe: {  	[smem:$0x3FA1] =	sst s6  }
0xf: {  	[smem:$0x3FA2] =	sst s7  }
0x10: {  	[smem:$0x3FA3] =	sst s8  }
0x11: {  	[smem:$0x3FA4] =	sst s9;
	s0 =	simm.s32 @!p0 $0x0  }
0x12: {  	s1 =	sld [smem:$0x3F8A];
	s0 =	simm.s32 @p0 $0x1  }
0x13: {  	[smem:$0x3FA5] =	sst s0;
	s0 =	simm.s32 @!p1 $0x0  }
0x14: {  	s2 =	sld [smem:$0x3F89];
	s0 =	simm.s32 @p1 $0x1  }
0x15: {  	[smem:$0x3FA6] =	sst s0;
	s0 =	simm.s32 @!p2 $0x0  }
0x16: {  	s3 =	sld [smem:$0x3FDB];
	s0 =	simm.s32 @p2 $0x1  }
0x17: {  	s4 =	simm.s32 $0x1BF5;
	[smem:$0x3FA8] =	sst s0  }
0x18: {  	s0 =	sld [smem:$0x3F8B];
	_ =	swait.ge [sflag:s4], $0x0  }
0x19: {  	s7 =	sld [smem:$0x3F8C]  }
0x1a: {  	s8 =	sadd.s32 $0xFFFFE003, lr  }
0x1b: {  	s9 =	sadd.s32 $0xFFFFFEF7, lr;
	s5 =	simm.s32 $0xFFFFFFFF;
	p2 =	slt.u32 s8, $0xFFFFF086  }
0x1c: {  	p1 =	slt.u32 s9, $0xF7A;
	s5 =	simm.s32 @!p2 $0x0  }
0x1d: {  	s5 =	simm.s32 @p1 $0x1;
	p0 =	seq.s32 s7, s2  }
0x1e: {  	s7 =	smul.u32 @!p0 $0xF7A, s2;
	p2 =	seq.s32 @!p0 s5, $0x0  }
0x1f: {  	s9 =	smul.u32 $0xF7A, s1;
	s8 =	simm.s32 @!p0 $0x1BF5;
	p2 =	por !p2, p0  }
0x20: {  	[sflag:s8] =	ssyncset.s32 @!p0 $0xFFFFF086;
	s6 =	sadd.s32 @!p0 s3, s7;
	s7 =	simm.s32 @!p0 $0x108  }
0x21: {  	s3 =	sadd.s32 s3, s9;
	s6 =	sadd.s32 @!p0 $0x88, s6;
	s7 =	simm.s32 @p2 $0x1082  }
0x22: {  	[simem:s7], [sflag:s8] =	dma.local @!p0 [hbm:s6], $0xF7A  }
0x23: {  	s9 =	sor.u32 $0xD0000000, s2;
	s6 =	simm.s32 $0x108;
	_ =	swait.ge @!p0 [sflag:s8], $0x0  }
0x24: {  	s3 =	sadd.s32 $0x88, s3;
	s6 =	simm.s32 @!p1 $0x1082;
	[sflag:s4] =	ssyncset.s32 $0xFFFFF086  }
0x25: {  	[simem:s6], [sflag:s4] =	dma.local [hbm:s3], $0xF7A  }
0x26: {  	[smem:$0x3F8C] =	sst s1;
	(tag) =	ssettag s2;
	_ =	strace s9  }
0x27: {  	s1 =	sld [smem:$0x3F9C]  }
0x28: {  	s2 =	sld [smem:$0x3F9D]  }
0x29: {  	s4 =	sld [smem:$0x3F9F]  }
0x2a: {  	p0 =	seq.s32 s5, $0x0;
	s5 =	sld [smem:$0x3FA0]  }
0x2b: {  	s6 =	sld [smem:$0x3FA1]  }
0x2c: {  	s7 =	sld [smem:$0x3FA2]  }
0x2d: {  	s3 =	simm.s32 $0x108;
	s8 =	sld [smem:$0x3FA3]  }
0x2e: {  	s3 =	simm.s32 @!p0 $0x1082;
	s9 =	sld [smem:$0x3FA4]  }
0x2f: {  	lr =	sadd.s32 s0, s3;
	s0 =	sld [smem:$0x3F9B]  }
0x30: {  	s3 =	sld [smem:$0x3F9E]  }
0x31: {  	[smem:$0x3FA7] =	sst s10  }
0x32: {  	s10 =	sld [smem:$0x3FA5];
	_ =	sdelay $0x3  }
0x33: {  	p0 =	seq.s32 s10, $0x1;
	s10 =	sld [smem:$0x3FA7];
	_ =	sdelay $0x3  }
0x34: {  	[smem:$0x3FA7] =	sst s10  }
0x35: {  	s10 =	sld [smem:$0x3FA6];
	_ =	sdelay $0x3  }
0x36: {  	p1 =	seq.s32 s10, $0x1;
	s10 =	sld [smem:$0x3FA7];
	_ =	sdelay $0x3  }
0x37: {  	[smem:$0x3FA7] =	sst s10  }
0x38: {  	s10 =	sld [smem:$0x3FA8]  }
0x39: {  	_ = 	snop;
	(pc) =	sbr.ind lr, $3  }
0x3a: {  	_ = 	snop  }
0x3b: {  	_ = 	snop  }
0x3c: {  	p2 =	seq.s32 s10, $0x1;
	s10 =	sld [smem:$0x3FA7]  }
0x3d: {  	_ =	shalt  }
0x3e: {  	_ =	shalt  }
0x3f: {  	_ =	shalt  }
0x40: {  	_ =	shalt  }
0x41: {  	_ =	shalt  }
0x42: {  	_ =	shalt  }
0x43: {  	_ =	shalt  }
0x44: {  	_ =	shalt  }
0x45: {  	_ =	shalt  }
0x46: {  	_ =	shalt  }
0x47: {  	_ =	shalt  }
0x48: {  	_ =	shalt  }
0x49: {  	_ =	shalt  }
0x4a: {  	_ =	shalt  }
0x4b: {  	_ =	shalt  }
0x4c: {  	_ =	shalt  }
0x4d: {  	_ =	shalt  }
0x4e: {  	_ =	shalt  }
0x4f: {  	_ =	shalt  }
0x50: {  	_ =	shalt  }
0x51: {  	_ =	shalt  }
0x52: {  	_ =	shalt  }
0x53: {  	_ =	shalt  }
0x54: {  	_ =	shalt  }
0x55: {  	_ =	shalt  }
0x56: {  	_ =	shalt  }
0x57: {  	_ =	shalt  }
0x58: {  	_ =	shalt  }
0x59: {  	_ =	shalt  }
0x5a: {  	_ =	shalt  }
0x5b: {  	_ =	shalt  }
0x5c: {  	_ =	shalt  }
0x5d: {  	_ =	shalt  }
0x5e: {  	_ =	shalt  }
0x5f: {  	_ =	shalt  }
0x60: {  	_ =	shalt  }
0x61: {  	_ =	shalt  }
0x62: {  	_ =	shalt  }
0x63: {  	_ =	shalt  }
0x64: {  	_ =	shalt  }
0x65: {  	_ =	shalt  }
0x66: {  	_ =	shalt  }
0x67: {  	_ =	shalt  }
0x68: {  	_ =	shalt  }
0x69: {  	_ =	shalt  }
0x6a: {  	_ =	shalt  }
0x6b: {  	_ =	shalt  }
0x6c: {  	_ =	shalt  }
0x6d: {  	_ =	shalt  }
0x6e: {  	_ =	shalt  }
0x6f: {  	_ =	shalt  }
0x70: {  	_ =	shalt  }
0x71: {  	_ =	shalt  }
0x72: {  	_ =	shalt  }
0x73: {  	_ =	shalt  }
0x74: {  	_ =	shalt  }
0x75: {  	_ =	shalt  }
0x76: {  	_ =	shalt  }
0x77: {  	_ =	shalt  }
0x78: {  	_ =	shalt  }
0x79: {  	_ =	shalt  }
0x7a: {  	_ =	shalt  }
0x7b: {  	_ =	shalt  }
0x7c: {  	_ =	shalt  }
0x7d: {  	_ =	shalt  }
0x7e: {  	_ =	shalt  }
0x7f: {  	_ =	shalt  }
0x80: {  	_ =	shalt  }
0x81: {  	_ =	shalt  }
0x82: {  	_ =	shalt  }
0x83: {  	_ =	shalt  }
0x84: {  	_ =	shalt  }
0x85: {  	_ =	shalt  }
0x86: {  	_ =	shalt  }
0x87: {  	_ =	shalt  }
.Lfunc_end0:
.L_simem_size_0:
called_computation_lowered:
.L_overlay_start_0:
0x88: {  	s0 =	sld [smem:$0x3FD9]  }
0x89: {  	s1 =	sld [smem:$0x3FFE];
	_ =	sdelay $0x3  }
0x8a: {  	s0 =	sadd.s32 s1, s0  }
0x8b: {  	[smem:$0x3FB3] =	sst s0  }
0x8c: {  	_ = 	snop  }
0x8d: {  	(tm) =	ssettm $0x1  }
0x8e: {  	s15 =	sld [smem:$0x3FFB];
	_ =	sdelay $0x3  }
0x8f: {  	_ =	strace s15  }
0x90: {  	s0 =	sld [smem:$0x3FFC];
	_ =	sdelay $0x3  }
0x91: {  	_ =	strace s0  }
0x92: {  	s0 =	sld [smem:$0x3FFD];
	_ =	sdelay $0x3  }
0x93: {  	_ =	strace s0  }
0x94: {  	_ =	strace $0x8FFFFFFF  }
0x95: {  	s16 =	sld [smem:$0x3FDB];
	_ =	sdelay $0x1  }
0x96: {  	s17 =	simm.s32 $_scs_section_size  }
0x97: {  	s2 =	simm.s32 $_size__tile_overlayer_lowered;
	s3 =	simm.s32 $_tile_overlayer_lowered  }
0x98: {  	s20 =	simm.s32 $0x1BFF;
	s19 =	sshll.u32 s3, $0x1;
	s0 =	sadd.s32 s17, s16  }
0x99: {  	s4 =	simm.s32 $0x0;
	s18 =	sshll.u32 s2, $0x1;
	s2 =	sadd.s32 s19, s0  }
0x9a: {  	[timem:s4], [sflag:s20] =	dma.local [hbm:s2], s18  }
0x9b: {  	_ =	swait.ge [sflag:s20], s18  }
0x9c: {  	s1 =	ssub.s32 $0x0, s18;
	[sflag:s20] =	ssyncset.done $0x0  }
0x9d: {  	[sflag:s20] =	ssyncadd.s32 s1;
	_ =	sdelay $0x1  }
0x9e: {  	s21 =	simm.s32 $0x1B8B  }
0x9f: {  	_ =	swait.ge [sflag:s21], $0x1  }
0xa0: {  	[sflag:s21] =	ssyncset.done $0x0  }
0xa1: {  	s23 =	simm.s32 $0x1B8E;
	s22 =	sld [smem:$0x3FFE];
	[sflag:s21] =	ssyncadd.s32 $0xFFFFFFFF  }
0xa2: {  	s24 =	simm.s32 $execute0_lowered;
	[smem:$0x3FD2] =	sst s23  }
0xa3: {  	s2 =	sshll.u32 s24, $0x1;
	_ =	strace $0x8000004C;
	[dreg:$0x1] =	wrdreg $0xFFFFFFFF  }
0xa4: {  	s25 =	simm.s32 $_size_execute0_lowered;
	s0 =	sadd.s32 s0, s2;
	[dreg:$0x0] =	wrdreg $0x0  }
0xa5: {  	s2 =	sshll.u32 s25, $0x1;
	[dreg:$0x2] =	wrdreg s0  }
0xa6: {  	[dreg:$0x3] =	wrdreg s2  }
0xa7: {  	[dreg:$0x4] =	wrdreg $0xC0  }
0xa8: {  	_ =	task [dreg:s4], $0x5FFFF  }
0xa9: {  	[dreg:$0x1] =	wrdreg $0xFFFFFFFF  }
0xaa: {  	[dreg:$0x0] =	wrdreg $0x60  }
0xab: {  	[dreg:$0x2] =	wrdreg s22  }
0xac: {  	[dreg:$0x3] =	wrdreg $0x9  }
0xad: {  	_ =	task.clear_ibuf [dreg:s4], $0x4FFFF;
	_ =	strace $0x9000004C  }
0xae: {  	s26 =	simm.s32 $0x9;
	_ =	strace $0x8000004E  }
0xaf: {  	_ =	swait.ge [sflag:s26], $0x1  }
0xb0: {  	[sflag:s26] =	ssyncadd.s32 $0xFFFFFFFF  }
0xb1: {  	_ =	strace $0x9000004E  }
0xb2: {  	_ =	sfence  }
0xb3: {  	s28 =	sld [smem:$0x0];
	_ =	sdelay $0x1  }
0xb4: {  	s29 =	srdreg.scid  }
0xb5: {  	s30 =	sshll.u32 s29, $0xD;
	s31 =	sshrl.u32 s29, $0x2  }
0xb6: {  	s1 =	sand.u32 $0x1, s29;
	s2 =	sand.u32 $0x4000, s30;
	s0 =	sadd.s32 s31, s28  }
0xb7: {  	s1 =	sor.u32 s2, s1;
	s0 =	sshll.u32 s0, $0x11  }
0xb8: {  	s0 =	sor.u32 s0, s1  }
0xb9: {  	s0 =	sadd.s32 $0x8F2B, s0  }
0xba: {  	[sflag:s0] =	ssyncadd.remote.s32 $0x1  }
0xbb: {  	_ =	sfence.sel $0xFFFF  }
0xbc: {  	[dreg:$0x0] =	wrdreg $0xFFFFFFFF;
	(pc) =	sbr.abs _section_cstart, $3  }
0xbd: {  	[dreg:$0x1] =	wrdreg $0xFFFFFFFF  }
0xbe: {  	_ =	task.clear_ibuf [dreg:s4], $0x2FFFF;
	_ =	strace $0x9FFFFFFF  }
0xbf: {  	(tm) =	ssettm $0x7FFFFFFF  }
tec
execute0_lowered:
.L_overlay_start_1:
0x0: {  	(tag) =	ssettag $0x1  }
0x1: {  	s4 =	rddreg [dreg:$0x0]  }
0x2: {  	s0 =	rddreg [dreg:$0x1];
	_ =	strace $0x8000004D;
	s5 =	stileid.u32  }
0x3: {  	s3 =	simm.s32 $0x3E;
	s1 =	sadd.s32 $0x600, s4;
	p0 =	sne.s32 s5, $0x0  }
0x4: {  	[sflag:s3] =	ssyncpa.u1 $0x0;
	s2 =	simm.s32 @!p0 $0x1C3E;
	s6 =	simm.s32 @!p0 $0x0  }
0x5: {  	[spmem:s6], [sflag:s2] =	dma.local @!p0 [hbm:s1], $0x1C00  }
0x6: {  	s2 =	simm.s32 @!p0 $0x3E  }
0x7: {  	_ =	swait.ge @!p0 [sflag:s2], $0x1C00  }
0x8: {  	s7 =	simm.s32 $0x2;
	[sflag:s2] =	ssyncset.done @!p0 $0x0  }
.Ltmp0:
0x9: {  	s8 =	simm.s32 $0x0;
	[sflag:s2] =	ssyncadd.s32 @!p0 $0xFFFFE400;
	(pc) =	sbr.rel .LBB2_1-.Ltmp0, $4  }
0xa: {  	s9 =	simm.s32 $0x0;
	s5 =	sshll.u32 s5, $0x12;
	[bflag:$0x0] =	sbarrier.arrive $0xFFFF  }
0xb: {  	s10 =	smov.u32 s5;
	[sflag:s3] =	ssyncpa.u1 $0x1;
	s3 =	simm.s32 $0x1  }
0xc: {  	s6 =	sadd.s32 $0x40000, s5;
	s2 =	sadd.s32 $0xD8A00, s4;
	[sflag:s3] =	ssyncpa.u1 $0x0  }
0xd: {  	vm0 =	vmmov $0xffff;
	s4 =	sadd.s32 $0x58A00, s4;
	(ifvalue) =	ssetifvalue $0xE000;
	[sflag:s7] =	ssyncpa.u1 $0x0  }
.LBB2_5:
0xe: {  	s9 =	sadd.s32 $0x1, s9  }
0xf: {  	p2 =	sne.s32 s9, $0x21  }
.Ltmp1:
0x10: {  	_ = 	snop;
	(pc) =	sbr.rel @!p2 .LBB2_6-.Ltmp1, $4  }
0x11: {  	_ = 	snop  }
0x12: {  	s11 =	sadd.s32 $0x2000, s10  }
0x13: {  	s10 =	smov.u32 s5;
	p1 =	slt.s32 s11, s6  }
0x14: {  	s10 =	smov.u32 @p1 s11  }
.LBB2_1:
0x15: {  	p1 =	seq.s32 s9, $0x20  }
0x16: {  	s11 =	sshll.u32 @!p1 s9, $0xD;
	p2 =	seq.s32 @!p1 s9, $0x0  }
0x17: {  	s11 =	sand.u32 @!p1 $0x2000, s11;
	p2 =	por p1, !p2  }
.Ltmp2:
0x18: {  	s13 =	sshrl.u32 @!p1 s10, $0x3;
	s12 =	sxor.u32 @!p1 $0x2000, s11;
	(pc) =	sbr.rel @!p2 .LBB2_5-.Ltmp2, $4  }
0x19: {  	s16 =	sand.u32 @!p1 $0x7, s10;
	s14 =	sadd.s32 @!p1 s2, s13;
	s15 =	sor.u32 @!p1 $0xE00, s12  }
0x1a: {  	[tilespmem:s15], [sflag:$0x2] =	stream.linear.gather @!p1 [hbm4b:s14+s16], $0x2000, $0x38;
	[tilespmem:$0x8E00] =	vst v63  }
0x1b: {  	s13 =	sadd.s32 @!p1 s4, s13;
	s12 =	sor.u32 @!p1 $0x4E00, s12  }
0x1c: {  	[tilespmem:s12], [sflag:$0x2] =	stream.linear.gather @!p1 [hbm4b:s13+s16], $0x2000, $0x38;
	[tilespmem:$0x8E00] =	vst v63  }
0x1d: {  	_ =	swait.ge [sflag:s7], $0x4000  }
0x1e: {  	s11 =	simm.s32 @p1 $0x0;
	[sflag:s7] =	ssyncset.done $0x0  }
0x1f: {  	s13 =	sadd.s32 $0xE00, s11;
	[sflag:s7] =	ssyncadd.s32 $0xFFFFC000  }
0x20: {  	v0 =	vld.msk [tilespmem:s13+$0x0 ss:$0x1], $0xffff;
	_ =	sdelay $0x4  }
0x21: {  	v0 =	vmin.u32 v0, $0xE000;
	_ =	sdelay $0x3  }
0x22: {  	s12 =	simm.s32 $0x0;
	s11 =	sadd.s32 $0x4E00, s11;
	s13 =	sadd.s32 $0x10, s13  }
0x23: {  	[spmem:s8] =	stream.indirect_vreg.scatter.add.s32 [tilespmem:s11], [sflag:$0x1], $0x1, v0, vm0, $0x4038;
	[tilespmem:$0x8E00] =	vst v63  }
.LBB2_3:
0x24: {  	v0 =	vld.msk [tilespmem:s13+$0x0 ss:$0x1], $0xffff;
	s12 =	sadd.s32 $0x10, s12  }
0x25: {  	p1 =	slt.u32 s12, $0x1FF0;
	_ =	sdelay $0x4  }
0x26: {  	v0 =	vmin.u32 v0, $0xE000  }
.Ltmp3:
0x27: {  	(pc) =	sbr.rel @p1 .LBB2_3-.Ltmp3, $3  }
0x28: {  	_ =	sdelay $0x1  }
0x29: {  	s13 =	sadd.s32 $0x10, s13;
	s11 =	sadd.s32 $0x10, s11  }
0x2a: {  	[spmem:s8] =	stream.indirect_vreg.scatter.add.s32 [tilespmem:s11], [sflag:$0x1], $0x1, v0, vm0, $0x4038;
	[tilespmem:$0x8E00] =	vst v63  }
.Ltmp4:
0x2b: {  	(pc) =	sbr.rel .LBB2_5-.Ltmp4, $4  }
0x2c: {  	_ = 	snop  }
0x2d: {  	_ =	swait.ge [sflag:s3], $0x2000  }
0x2e: {  	[sflag:s3] =	ssyncset.done $0x0  }
0x2f: {  	[sflag:s3] =	ssyncadd.s32 $0xFFFFE000  }
.LBB2_6:
0x30: {  	_ =	sfence.sel $0x180000  }
0x31: {  	s2 =	simm.s32 $0x2;
	[bflag:$0x0] =	sbarrier.arrive $0xFFFF  }
0x32: {  	s30 =	simm.s32 $0x1;
	[sflag:s2] =	ssyncpa.u1 $0x1  }
0x33: {  	[sflag:s30] =	ssyncpa.u1 $0x1  }
0x34: {  	_ =	sfence.stream.spmem  }
0x35: {  	s31 =	simm.s32 $0x3D;
	[bflag:$0x0] =	sbarrier.arrive $0xFFFF  }
0x36: {  	s2 =	simm.s32 @p0 $0x3D;
	[sflag:s31] =	ssyncpa.u1 $0x0  }
0x37: {  	[sflag:s2] =	ssyncpa.u1 @p0 $0x1  }
0x38: {  	[bflag:$0x0] =	sbarrier.arrive @p0 $0xFFFF  }
0x39: {  	_ =	strace @p0 $0x9000004D  }
0x3a: {  	s3 =	simm.s32 @!p0 $0x1C3D;
	s2 =	simm.s32 @!p0 $0x0;
	[bflag:$0x2] =	sbarrier.arrive @p0 $0xFFFF  }
0x3b: {  	[hbm:s1], [sflag:s3] =	dma.local @!p0 [spmem:s2], $0x1C00  }
0x3c: {  	s1 =	simm.s32 @!p0 $0x3D  }
0x3d: {  	_ =	swait.ge @!p0 [sflag:s1], $0x1C00  }
0x3e: {  	[sflag:s1] =	ssyncset.done @!p0 $0x0  }
0x3f: {  	[sflag:s1] =	ssyncadd.s32 @!p0 $0xFFFFE400  }
0x40: {  	[sflag:s1] =	ssyncpa.u1 @!p0 $0x1  }
0x41: {  	[bflag:$0x0] =	sbarrier.arrive @!p0 $0xFFFF  }
0x42: {  	_ =	strace @!p0 $0x9000004D  }
0x43: {  	s0 =	sadd.s32 @!p0 $0x100000, s0;
	[bflag:$0x2] =	sbarrier.arrive @!p0 $0xFFFF  }
0x44: {  	[sflag:s0] =	ssyncadd.tile.s32 @!p0 $0x1;
	_ =	shalt  }
.Lfunc_end2:
_tile_overlayer_lowered:
.L_overlay_start_2:
0x45: {  	(tag) =	ssettag $0x2  }
0x46: {  	s0 =	rddreg [dreg:$0x0];
	s2 =	stileid.u32  }
0x47: {  	s1 =	rddreg [dreg:$0x1];
	p0 =	sne.s32 s2, $0x0  }
0x48: {  	s3 =	rddreg [dreg:$0x2];
	[bflag:$0x3] =	sbarrier.arrive $0xFFFF;
	s2 =	simm.s32 @!p0 $0x1C01  }
0x49: {  	[timem:s3], [sflag:s2] =	dma.local @!p0 [hbm:s0], s1  }
0x4a: {  	s0 =	simm.s32 @!p0 $0x1  }
0x4b: {  	_ =	swait.ge @!p0 [sflag:s0], s1  }
0x4c: {  	s1 =	ssub.s32 @!p0 $0x0, s1;
	[sflag:s0] =	ssyncset.done @!p0 $0x0  }
0x4d: {  	[sflag:s0] =	ssyncadd.s32 @!p0 s1  }
0x4e: {  	[bflag:$0x3] =	sbarrier.arrive $0xFFFF  }
0x4f: {  	_ =	shalt  }

</sc_bundles>
